<compile_context>
chip_gen: v7x
topology: tpu7x:2x2x1
jax: 0.10.2.dev20260603
libtpu: 0.0.44.dev20260713+nightly
codegen_flags: <defaults>
</compile_context>

<pallas_src>
import functools
import jax
import jax.numpy as jnp
from jax import lax
from jax.experimental import pallas as pl
from jax.experimental.pallas import tpu as pltpu, tpu_sc as plsc

L = 16
NC, NS = 2, 16
NW = NC * NS

LN2 = 0.6931471805599453

_GATHER_DNUMS = lax.GatherDimensionNumbers(
    offset_dims=(), collapsed_slice_dims=(0,), start_index_map=(0,)
)


def _shuffle(v, perm):
    return lax.gather(
        v,
        perm[:, None],
        _GATHER_DNUMS,
        slice_sizes=(1,),
        mode=lax.GatherScatterMode.PROMISE_IN_BOUNDS,
    )


def _xlane_all(v, op):
    idx = jnp.arange(L, dtype=jnp.int32)
    for k in (8, 4, 2, 1):
        v = op(v, _shuffle(v, idx ^ k))
    return v


def _vlog(sv):
    y = jnp.zeros((L,), jnp.float32)
    for k in range(1, 18):
        y = y + jnp.where(sv >= float(2 ** k), LN2, 0.0).astype(jnp.float32)
    for _ in range(4):
        y = y - 1.0 + sv * jnp.exp(-y)
    return y


def _sc_log_softmax(b, v, unroll, rows_per_w):
    chunks = v // L
    n_outer = chunks // unroll

    mesh = plsc.VectorSubcoreMesh(core_axis_name="c", subcore_axis_name="s")

    @functools.partial(
        pl.kernel,
        mesh=mesh,
        out_type=jax.ShapeDtypeStruct((b, v), jnp.float32),
        scratch_types=[
            pltpu.VMEM((v,), jnp.float32),
        ],
    )
    def k(x_hbm, o_hbm, xv):
        wid = lax.axis_index("s") * NC + lax.axis_index("c")
        for j in range(rows_per_w):
            row = wid * rows_per_w + j
            pltpu.sync_copy(x_hbm.at[row], xv)

            def maxbody(i, accs):
                base = i * (unroll * L)
                return tuple(
                    jnp.maximum(a, xv[pl.ds(base + u * L, L)])
                    for u, a in enumerate(accs)
                )
            accs = lax.fori_loop(
                0, n_outer, maxbody,
                tuple(jnp.full((L,), -jnp.inf, jnp.float32) for _ in range(unroll)),
            )
            mv = accs[0]
            for u in range(1, unroll):
                mv = jnp.maximum(mv, accs[u])
            mvec = _xlane_all(mv, jnp.maximum)

            def sumbody(i, accs):
                base = i * (unroll * L)
                return tuple(
                    a + jnp.exp(xv[pl.ds(base + u * L, L)] - mvec)
                    for u, a in enumerate(accs)
                )
            saccs = lax.fori_loop(
                0, n_outer, sumbody,
                tuple(jnp.zeros((L,), jnp.float32) for _ in range(unroll)),
            )
            sv = saccs[0]
            for u in range(1, unroll):
                sv = sv + saccs[u]
            svec = _xlane_all(sv, jnp.add)
            lse = mvec + _vlog(svec)

            def subbody(i, _):
                base = i * (unroll * L)
                for u in range(unroll):
                    sl = pl.ds(base + u * L, L)
                    xv[sl] = xv[sl] - lse
                return 0
            lax.fori_loop(0, n_outer, subbody, 0)

            pltpu.sync_copy(xv, o_hbm.at[row])

    return k


def kernel(logits):
    b, v = logits.shape
    return _sc_log_softmax(b, v, unroll=10, rows_per_w=b // NW)(logits)

# --- scband reference (transcript-rebuilt; emitter-appended) ---
"""Pipeline reference for scband-softmax-categorical-head-7533372637258 (READ-ONLY COPY).

The authoritative reference and input builder live on the scoring server;
editing this copy changes nothing except your own understanding.
"""

import jax, jax.numpy as jnp
import numpy as np


def setup_inputs(seed: int = 0) -> dict:
    key = jax.random.key(seed)
    logits = jax.random.normal(key, (128, 100000), dtype=jnp.float32)
    return {"logits": logits}


def reference(logits):
    # torch.distributions.Categorical(logits=logits) canonically normalizes logits:
    #   logits_normalized = logits - logsumexp(logits, axis=-1, keepdims=True)
    # which is exactly log_softmax. We return the normalized log-probs, the core
    # computation the distribution object materializes.
    log_probs = logits - jax.scipy.special.logsumexp(logits, axis=-1, keepdims=True)
    return log_probs

if __name__ == "__main__":
    import jax
    _d = setup_inputs()
    print(jax.jit(kernel)(*tuple(_d.values())))

</pallas_src>

<mosaic_0001>
#map = affine_map<(d0, d1) -> (0, 0)>
module attributes {stable_mosaic.version = 14 : i64} {
  func.func @k(%arg0: i32, %arg1: i32, %arg2: memref<128x100000xf32, #tpu.memory_space<hbm>>, %arg3: memref<128x100000xf32, #tpu.memory_space<hbm>>, %arg4: memref<100000xf32, #tpu.memory_space<vmem>>) attributes {dimension_semantics = [#tpu.dimension_semantics<core_parallel>, #tpu.dimension_semantics<subcore_parallel>], iteration_bounds = array<i64: 2, 16>, scalar_prefetch = 0 : i64, scratch_operands = 1 : i64, tpu.core_type = #tpu.core_type<sc_vector_subcore>, window_params = [{transform_indices = #map}, {transform_indices = #map}]} {
    %mul3A = arith.constant 2 : i32
    %mul3A_0 = arith.muli %arg1, %mul3A : i32
    %add3A = arith.addi %mul3A_0, %arg0 : i32
    %mul3A_1 = arith.constant 4 : i32
    %mul3A_2 = arith.muli %add3A, %mul3A_1 : i32
    %add3A_3 = arith.constant 0 : i32
    %add3A_4 = arith.addi %mul3A_2, %add3A_3 : i32
    "tpu.region"() ({
      %run_scoped3A = tpu.sem_alloc : memref<!tpu.dma_semaphore, #tpu.memory_space<semaphore_mem>>
      %dma_start3A = arith.constant 0 : i32
      %dma_start3A_1313 = tpu.memref_slice %arg2[%add3A_4, %dma_start3A] : memref<128x100000xf32, #tpu.memory_space<hbm>> -> memref<1x100000xf32, #tpu.memory_space<hbm>>
      %dma_start3A_1314 = tpu.memref_squeeze %dma_start3A_1313 : memref<1x100000xf32, #tpu.memory_space<hbm>> -> memref<100000xf32, #tpu.memory_space<hbm>>
      %dma_start3A_1315 = arith.constant 0 : i32
      %dma_start3A_1316 = tpu.memref_slice %arg2[%add3A_4, %dma_start3A_1315] : memref<128x100000xf32, #tpu.memory_space<hbm>> -> memref<1x100000xf32, #tpu.memory_space<hbm>>
      %dma_start3A_1317 = tpu.memref_squeeze %dma_start3A_1316 : memref<1x100000xf32, #tpu.memory_space<hbm>> -> memref<100000xf32, #tpu.memory_space<hbm>>
      tpu.enqueue_dma source(%dma_start3A_1317 : memref<100000xf32, #tpu.memory_space<hbm>>) target(%arg4 : memref<100000xf32, #tpu.memory_space<vmem>>) target_semaphore(%run_scoped3A : memref<!tpu.dma_semaphore, #tpu.memory_space<semaphore_mem>>)
      %dma_wait3A = arith.constant 0 : i32
      %dma_wait3A_1318 = tpu.memref_slice %arg2[%add3A_4, %dma_wait3A] : memref<128x100000xf32, #tpu.memory_space<hbm>> -> memref<1x100000xf32, #tpu.memory_space<hbm>>
      %dma_wait3A_1319 = tpu.memref_squeeze %dma_wait3A_1318 : memref<1x100000xf32, #tpu.memory_space<hbm>> -> memref<100000xf32, #tpu.memory_space<hbm>>
      %dma_wait3A_1320 = arith.constant 0 : i32
      %dma_wait3A_1321 = tpu.memref_slice %arg2[%add3A_4, %dma_wait3A_1320] : memref<128x100000xf32, #tpu.memory_space<hbm>> -> memref<1x100000xf32, #tpu.memory_space<hbm>>
      %dma_wait3A_1322 = tpu.memref_squeeze %dma_wait3A_1321 : memref<1x100000xf32, #tpu.memory_space<hbm>> -> memref<100000xf32, #tpu.memory_space<hbm>>
      tpu.wait_dma2 semaphore(%run_scoped3A : memref<!tpu.dma_semaphore, #tpu.memory_space<semaphore_mem>>) src(%dma_wait3A_1322 : memref<100000xf32, #tpu.memory_space<hbm>>) dst(%arg4 : memref<100000xf32, #tpu.memory_space<vmem>>)
      tpu.yield
    }) : () -> ()
    %broadcast_in_dim3A = arith.constant 0xFF800000 : f32
    %broadcast_in_dim3A_5 = vector.broadcast %broadcast_in_dim3A : f32 to vector<16xf32>
    %broadcast_in_dim3A_6 = arith.constant 0xFF800000 : f32
    %broadcast_in_dim3A_7 = vector.broadcast %broadcast_in_dim3A_6 : f32 to vector<16xf32>
    %broadcast_in_dim3A_8 = arith.constant 0xFF800000 : f32
    %broadcast_in_dim3A_9 = vector.broadcast %broadcast_in_dim3A_8 : f32 to vector<16xf32>
    %broadcast_in_dim3A_10 = arith.constant 0xFF800000 : f32
    %broadcast_in_dim3A_11 = vector.broadcast %broadcast_in_dim3A_10 : f32 to vector<16xf32>
    %broadcast_in_dim3A_12 = arith.constant 0xFF800000 : f32
    %broadcast_in_dim3A_13 = vector.broadcast %broadcast_in_dim3A_12 : f32 to vector<16xf32>
    %broadcast_in_dim3A_14 = arith.constant 0xFF800000 : f32
    %broadcast_in_dim3A_15 = vector.broadcast %broadcast_in_dim3A_14 : f32 to vector<16xf32>
    %broadcast_in_dim3A_16 = arith.constant 0xFF800000 : f32
    %broadcast_in_dim3A_17 = vector.broadcast %broadcast_in_dim3A_16 : f32 to vector<16xf32>
    %broadcast_in_dim3A_18 = arith.constant 0xFF800000 : f32
    %broadcast_in_dim3A_19 = vector.broadcast %broadcast_in_dim3A_18 : f32 to vector<16xf32>
    %broadcast_in_dim3A_20 = arith.constant 0xFF800000 : f32
    %broadcast_in_dim3A_21 = vector.broadcast %broadcast_in_dim3A_20 : f32 to vector<16xf32>
    %broadcast_in_dim3A_22 = arith.constant 0xFF800000 : f32
    %broadcast_in_dim3A_23 = vector.broadcast %broadcast_in_dim3A_22 : f32 to vector<16xf32>
    %scan3A = arith.constant 0 : i32
    %scan3A_24 = arith.constant 625 : i32
    %scan3A_25 = arith.addi %scan3A, %scan3A_24 : i32
    %scan3A_26 = arith.constant 1 : i32
    %scan3A_27:10 = scf.for %scan3A_1313 = %scan3A to %scan3A_25 step %scan3A_26 iter_args(%scan3A_1314 = %broadcast_in_dim3A_5, %scan3A_1315 = %broadcast_in_dim3A_7, %scan3A_1316 = %broadcast_in_dim3A_9, %scan3A_1317 = %broadcast_in_dim3A_11, %scan3A_1318 = %broadcast_in_dim3A_13, %scan3A_1319 = %broadcast_in_dim3A_15, %scan3A_1320 = %broadcast_in_dim3A_17, %scan3A_1321 = %broadcast_in_dim3A_19, %scan3A_1322 = %broadcast_in_dim3A_21, %scan3A_1323 = %broadcast_in_dim3A_23) -> (vector<16xf32>, vector<16xf32>, vector<16xf32>, vector<16xf32>, vector<16xf32>, vector<16xf32>, vector<16xf32>, vector<16xf32>, vector<16xf32>, vector<16xf32>)  : i32 {
      %mul3A_1324 = arith.constant 160 : i32
      %mul3A_1325 = arith.muli %scan3A_1313, %mul3A_1324 : i32
      %add3A_1326 = arith.constant 0 : i32
      %add3A_1327 = arith.addi %mul3A_1325, %add3A_1326 : i32
      %get3A = arith.index_cast %add3A_1327 : i32 to index
      %get3A_1328 = tpu.vector_load %arg4[%get3A] {strides = array<i32>} : memref<100000xf32, #tpu.memory_space<vmem>>, vector<16xf32>,
      %get3A_1329 = vector.shape_cast %get3A_1328 : vector<16xf32> to vector<16xf32>
      %max3A_1330 = arith.maximumf %scan3A_1314, %get3A_1329 : vector<16xf32>
      %add3A_1331 = arith.constant 16 : i32
      %add3A_1332 = arith.addi %mul3A_1325, %add3A_1331 : i32
      %get3A_1333 = arith.index_cast %add3A_1332 : i32 to index
      %get3A_1334 = tpu.vector_load %arg4[%get3A_1333] {strides = array<i32>} : memref<100000xf32, #tpu.memory_space<vmem>>, vector<16xf32>,
      %get3A_1335 = vector.shape_cast %get3A_1334 : vector<16xf32> to vector<16xf32>
      %max3A_1336 = arith.maximumf %scan3A_1315, %get3A_1335 : vector<16xf32>
      %add3A_1337 = arith.constant 32 : i32
      %add3A_1338 = arith.addi %mul3A_1325, %add3A_1337 : i32
      %get3A_1339 = arith.index_cast %add3A_1338 : i32 to index
      %get3A_1340 = tpu.vector_load %arg4[%get3A_1339] {strides = array<i32>} : memref<100000xf32, #tpu.memory_space<vmem>>, vector<16xf32>,
      %get3A_1341 = vector.shape_cast %get3A_1340 : vector<16xf32> to vector<16xf32>
      %max3A_1342 = arith.maximumf %scan3A_1316, %get3A_1341 : vector<16xf32>
      %add3A_1343 = arith.constant 48 : i32
      %add3A_1344 = arith.addi %mul3A_1325, %add3A_1343 : i32
      %get3A_1345 = arith.index_cast %add3A_1344 : i32 to index
      %get3A_1346 = tpu.vector_load %arg4[%get3A_1345] {strides = array<i32>} : memref<100000xf32, #tpu.memory_space<vmem>>, vector<16xf32>,
      %get3A_1347 = vector.shape_cast %get3A_1346 : vector<16xf32> to vector<16xf32>
      %max3A_1348 = arith.maximumf %scan3A_1317, %get3A_1347 : vector<16xf32>
      %add3A_1349 = arith.constant 64 : i32
      %add3A_1350 = arith.addi %mul3A_1325, %add3A_1349 : i32
      %get3A_1351 = arith.index_cast %add3A_1350 : i32 to index
      %get3A_1352 = tpu.vector_load %arg4[%get3A_1351] {strides = array<i32>} : memref<100000xf32, #tpu.memory_space<vmem>>, vector<16xf32>,
      %get3A_1353 = vector.shape_cast %get3A_1352 : vector<16xf32> to vector<16xf32>
      %max3A_1354 = arith.maximumf %scan3A_1318, %get3A_1353 : vector<16xf32>
      %add3A_1355 = arith.constant 80 : i32
      %add3A_1356 = arith.addi %mul3A_1325, %add3A_1355 : i32
      %get3A_1357 = arith.index_cast %add3A_1356 : i32 to index
      %get3A_1358 = tpu.vector_load %arg4[%get3A_1357] {strides = array<i32>} : memref<100000xf32, #tpu.memory_space<vmem>>, vector<16xf32>,
      %get3A_1359 = vector.shape_cast %get3A_1358 : vector<16xf32> to vector<16xf32>
      %max3A_1360 = arith.maximumf %scan3A_1319, %get3A_1359 : vector<16xf32>
      %add3A_1361 = arith.constant 96 : i32
      %add3A_1362 = arith.addi %mul3A_1325, %add3A_1361 : i32
      %get3A_1363 = arith.index_cast %add3A_1362 : i32 to index
      %get3A_1364 = tpu.vector_load %arg4[%get3A_1363] {strides = array<i32>} : memref<100000xf32, #tpu.memory_space<vmem>>, vector<16xf32>,
      %get3A_1365 = vector.shape_cast %get3A_1364 : vector<16xf32> to vector<16xf32>
      %max3A_1366 = arith.maximumf %scan3A_1320, %get3A_1365 : vector<16xf32>
      %add3A_1367 = arith.constant 112 : i32
      %add3A_1368 = arith.addi %mul3A_1325, %add3A_1367 : i32
      %get3A_1369 = arith.index_cast %add3A_1368 : i32 to index
      %get3A_1370 = tpu.vector_load %arg4[%get3A_1369] {strides = array<i32>} : memref<100000xf32, #tpu.memory_space<vmem>>, vector<16xf32>,
      %get3A_1371 = vector.shape_cast %get3A_1370 : vector<16xf32> to vector<16xf32>
      %max3A_1372 = arith.maximumf %scan3A_1321, %get3A_1371 : vector<16xf32>
      %add3A_1373 = arith.constant 128 : i32
      %add3A_1374 = arith.addi %mul3A_1325, %add3A_1373 : i32
      %get3A_1375 = arith.index_cast %add3A_1374 : i32 to index
      %get3A_1376 = tpu.vector_load %arg4[%get3A_1375] {strides = array<i32>} : memref<100000xf32, #tpu.memory_space<vmem>>, vector<16xf32>,
      %get3A_1377 = vector.shape_cast %get3A_1376 : vector<16xf32> to vector<16xf32>
      %max3A_1378 = arith.maximumf %scan3A_1322, %get3A_1377 : vector<16xf32>
      %add3A_1379 = arith.constant 144 : i32
      %add3A_1380 = arith.addi %mul3A_1325, %add3A_1379 : i32
      %get3A_1381 = arith.index_cast %add3A_1380 : i32 to index
      %get3A_1382 = tpu.vector_load %arg4[%get3A_1381] {strides = array<i32>} : memref<100000xf32, #tpu.memory_space<vmem>>, vector<16xf32>,
      %get3A_1383 = vector.shape_cast %get3A_1382 : vector<16xf32> to vector<16xf32>
      %max3A_1384 = arith.maximumf %scan3A_1323, %get3A_1383 : vector<16xf32>
      scf.yield %max3A_1330, %max3A_1336, %max3A_1342, %max3A_1348, %max3A_1354, %max3A_1360, %max3A_1366, %max3A_1372, %max3A_1378, %max3A_1384 : vector<16xf32>, vector<16xf32>, vector<16xf32>, vector<16xf32>, vector<16xf32>, vector<16xf32>, vector<16xf32>, vector<16xf32>, vector<16xf32>, vector<16xf32>
    }
    %scan3A_28 = arith.constant 625 : i32
    %max3A = arith.maximumf %scan3A_27#0, %scan3A_27#1 : vector<16xf32>
    %max3A_29 = arith.maximumf %max3A, %scan3A_27#2 : vector<16xf32>
    %max3A_30 = arith.maximumf %max3A_29, %scan3A_27#3 : vector<16xf32>
    %max3A_31 = arith.maximumf %max3A_30, %scan3A_27#4 : vector<16xf32>
    %max3A_32 = arith.maximumf %max3A_31, %scan3A_27#5 : vector<16xf32>
    %max3A_33 = arith.maximumf %max3A_32, %scan3A_27#6 : vector<16xf32>
    %max3A_34 = arith.maximumf %max3A_33, %scan3A_27#7 : vector<16xf32>
    %max3A_35 = arith.maximumf %max3A_34, %scan3A_27#8 : vector<16xf32>
    %max3A_36 = arith.maximumf %max3A_35, %scan3A_27#9 : vector<16xf32>
    %iota3A = tpu.iota {dimensions = array<i32: 0>} : vector<16xi32>
    %xor3A = arith.constant 8 : i32
    %xor3A_37 = vector.broadcast %xor3A : i32 to vector<16xi32>
    %xor3A_38 = arith.xori %iota3A, %xor3A_37 : vector<16xi32>
    %broadcast_in_dim3A_39 = vector.shape_cast %xor3A_38 : vector<16xi32> to vector<16x1xi32>
    %gather3A = vector.shape_cast %broadcast_in_dim3A_39 : vector<16x1xi32> to vector<16xi32>
    %gather3A_40 = tpu.dynamic_gather %max3A_36[%gather3A] in [0] : vector<16xf32>, vector<16xi32> -> vector<16xf32>
    %max3A_41 = arith.maximumf %max3A_36, %gather3A_40 : vector<16xf32>
    %xor3A_42 = arith.constant 4 : i32
    %xor3A_43 = vector.broadcast %xor3A_42 : i32 to vector<16xi32>
    %xor3A_44 = arith.xori %iota3A, %xor3A_43 : vector<16xi32>
    %broadcast_in_dim3A_45 = vector.shape_cast %xor3A_44 : vector<16xi32> to vector<16x1xi32>
    %gather3A_46 = vector.shape_cast %broadcast_in_dim3A_45 : vector<16x1xi32> to vector<16xi32>
    %gather3A_47 = tpu.dynamic_gather %max3A_41[%gather3A_46] in [0] : vector<16xf32>, vector<16xi32> -> vector<16xf32>
    %max3A_48 = arith.maximumf %max3A_41, %gather3A_47 : vector<16xf32>
    %xor3A_49 = arith.constant 2 : i32
    %xor3A_50 = vector.broadcast %xor3A_49 : i32 to vector<16xi32>
    %xor3A_51 = arith.xori %iota3A, %xor3A_50 : vector<16xi32>
    %broadcast_in_dim3A_52 = vector.shape_cast %xor3A_51 : vector<16xi32> to vector<16x1xi32>
    %gather3A_53 = vector.shape_cast %broadcast_in_dim3A_52 : vector<16x1xi32> to vector<16xi32>
    %gather3A_54 = tpu.dynamic_gather %max3A_48[%gather3A_53] in [0] : vector<16xf32>, vector<16xi32> -> vector<16xf32>
    %max3A_55 = arith.maximumf %max3A_48, %gather3A_54 : vector<16xf32>
    %xor3A_56 = arith.constant 1 : i32
    %xor3A_57 = vector.broadcast %xor3A_56 : i32 to vector<16xi32>
    %xor3A_58 = arith.xori %iota3A, %xor3A_57 : vector<16xi32>
    %broadcast_in_dim3A_59 = vector.shape_cast %xor3A_58 : vector<16xi32> to vector<16x1xi32>
    %gather3A_60 = vector.shape_cast %broadcast_in_dim3A_59 : vector<16x1xi32> to vector<16xi32>
    %gather3A_61 = tpu.dynamic_gather %max3A_55[%gather3A_60] in [0] : vector<16xf32>, vector<16xi32> -> vector<16xf32>
    %max3A_62 = arith.maximumf %max3A_55, %gather3A_61 : vector<16xf32>
    %broadcast_in_dim3A_63 = arith.constant 0.000000e+00 : f32
    %broadcast_in_dim3A_64 = vector.broadcast %broadcast_in_dim3A_63 : f32 to vector<16xf32>
    %broadcast_in_dim3A_65 = arith.constant 0.000000e+00 : f32
    %broadcast_in_dim3A_66 = vector.broadcast %broadcast_in_dim3A_65 : f32 to vector<16xf32>
    %broadcast_in_dim3A_67 = arith.constant 0.000000e+00 : f32
    %broadcast_in_dim3A_68 = vector.broadcast %broadcast_in_dim3A_67 : f32 to vector<16xf32>
    %broadcast_in_dim3A_69 = arith.constant 0.000000e+00 : f32
    %broadcast_in_dim3A_70 = vector.broadcast %broadcast_in_dim3A_69 : f32 to vector<16xf32>
    %broadcast_in_dim3A_71 = arith.constant 0.000000e+00 : f32
    %broadcast_in_dim3A_72 = vector.broadcast %broadcast_in_dim3A_71 : f32 to vector<16xf32>
    %broadcast_in_dim3A_73 = arith.constant 0.000000e+00 : f32
    %broadcast_in_dim3A_74 = vector.broadcast %broadcast_in_dim3A_73 : f32 to vector<16xf32>
    %broadcast_in_dim3A_75 = arith.constant 0.000000e+00 : f32
    %broadcast_in_dim3A_76 = vector.broadcast %broadcast_in_dim3A_75 : f32 to vector<16xf32>
    %broadcast_in_dim3A_77 = arith.constant 0.000000e+00 : f32
    %broadcast_in_dim3A_78 = vector.broadcast %broadcast_in_dim3A_77 : f32 to vector<16xf32>
    %broadcast_in_dim3A_79 = arith.constant 0.000000e+00 : f32
    %broadcast_in_dim3A_80 = vector.broadcast %broadcast_in_dim3A_79 : f32 to vector<16xf32>
    %broadcast_in_dim3A_81 = arith.constant 0.000000e+00 : f32
    %broadcast_in_dim3A_82 = vector.broadcast %broadcast_in_dim3A_81 : f32 to vector<16xf32>
    %scan3A_83 = arith.constant 0 : i32
    %scan3A_84 = arith.constant 625 : i32
    %scan3A_85 = arith.addi %scan3A_83, %scan3A_84 : i32
    %scan3A_86 = arith.constant 1 : i32
    %scan3A_87:10 = scf.for %scan3A_1313 = %scan3A_83 to %scan3A_85 step %scan3A_86 iter_args(%scan3A_1314 = %broadcast_in_dim3A_64, %scan3A_1315 = %broadcast_in_dim3A_66, %scan3A_1316 = %broadcast_in_dim3A_68, %scan3A_1317 = %broadcast_in_dim3A_70, %scan3A_1318 = %broadcast_in_dim3A_72, %scan3A_1319 = %broadcast_in_dim3A_74, %scan3A_1320 = %broadcast_in_dim3A_76, %scan3A_1321 = %broadcast_in_dim3A_78, %scan3A_1322 = %broadcast_in_dim3A_80, %scan3A_1323 = %broadcast_in_dim3A_82) -> (vector<16xf32>, vector<16xf32>, vector<16xf32>, vector<16xf32>, vector<16xf32>, vector<16xf32>, vector<16xf32>, vector<16xf32>, vector<16xf32>, vector<16xf32>)  : i32 {
      %mul3A_1324 = arith.constant 160 : i32
      %mul3A_1325 = arith.muli %scan3A_1313, %mul3A_1324 : i32
      %add3A_1326 = arith.constant 0 : i32
      %add3A_1327 = arith.addi %mul3A_1325, %add3A_1326 : i32
      %get3A = arith.index_cast %add3A_1327 : i32 to index
      %get3A_1328 = tpu.vector_load %arg4[%get3A] {strides = array<i32>} : memref<100000xf32, #tpu.memory_space<vmem>>, vector<16xf32>,
      %get3A_1329 = vector.shape_cast %get3A_1328 : vector<16xf32> to vector<16xf32>
      %sub3A_1330 = arith.subf %get3A_1329, %max3A_62 : vector<16xf32>
      %exp3A_1331 = math.exp %sub3A_1330 : vector<16xf32>
      %add3A_1332 = arith.addf %scan3A_1314, %exp3A_1331 : vector<16xf32>
      %add3A_1333 = arith.constant 16 : i32
      %add3A_1334 = arith.addi %mul3A_1325, %add3A_1333 : i32
      %get3A_1335 = arith.index_cast %add3A_1334 : i32 to index
      %get3A_1336 = tpu.vector_load %arg4[%get3A_1335] {strides = array<i32>} : memref<100000xf32, #tpu.memory_space<vmem>>, vector<16xf32>,
      %get3A_1337 = vector.shape_cast %get3A_1336 : vector<16xf32> to vector<16xf32>
      %sub3A_1338 = arith.subf %get3A_1337, %max3A_62 : vector<16xf32>
      %exp3A_1339 = math.exp %sub3A_1338 : vector<16xf32>
      %add3A_1340 = arith.addf %scan3A_1315, %exp3A_1339 : vector<16xf32>
      %add3A_1341 = arith.constant 32 : i32
      %add3A_1342 = arith.addi %mul3A_1325, %add3A_1341 : i32
      %get3A_1343 = arith.index_cast %add3A_1342 : i32 to index
      %get3A_1344 = tpu.vector_load %arg4[%get3A_1343] {strides = array<i32>} : memref<100000xf32, #tpu.memory_space<vmem>>, vector<16xf32>,
      %get3A_1345 = vector.shape_cast %get3A_1344 : vector<16xf32> to vector<16xf32>
      %sub3A_1346 = arith.subf %get3A_1345, %max3A_62 : vector<16xf32>
      %exp3A_1347 = math.exp %sub3A_1346 : vector<16xf32>
      %add3A_1348 = arith.addf %scan3A_1316, %exp3A_1347 : vector<16xf32>
      %add3A_1349 = arith.constant 48 : i32
      %add3A_1350 = arith.addi %mul3A_1325, %add3A_1349 : i32
      %get3A_1351 = arith.index_cast %add3A_1350 : i32 to index
      %get3A_1352 = tpu.vector_load %arg4[%get3A_1351] {strides = array<i32>} : memref<100000xf32, #tpu.memory_space<vmem>>, vector<16xf32>,
      %get3A_1353 = vector.shape_cast %get3A_1352 : vector<16xf32> to vector<16xf32>
      %sub3A_1354 = arith.subf %get3A_1353, %max3A_62 : vector<16xf32>
      %exp3A_1355 = math.exp %sub3A_1354 : vector<16xf32>
      %add3A_1356 = arith.addf %scan3A_1317, %exp3A_1355 : vector<16xf32>
      %add3A_1357 = arith.constant 64 : i32
      %add3A_1358 = arith.addi %mul3A_1325, %add3A_1357 : i32
      %get3A_1359 = arith.index_cast %add3A_1358 : i32 to index
      %get3A_1360 = tpu.vector_load %arg4[%get3A_1359] {strides = array<i32>} : memref<100000xf32, #tpu.memory_space<vmem>>, vector<16xf32>,
      %get3A_1361 = vector.shape_cast %get3A_1360 : vector<16xf32> to vector<16xf32>
      %sub3A_1362 = arith.subf %get3A_1361, %max3A_62 : vector<16xf32>
      %exp3A_1363 = math.exp %sub3A_1362 : vector<16xf32>
      %add3A_1364 = arith.addf %scan3A_1318, %exp3A_1363 : vector<16xf32>
      %add3A_1365 = arith.constant 80 : i32
      %add3A_1366 = arith.addi %mul3A_1325, %add3A_1365 : i32
      %get3A_1367 = arith.index_cast %add3A_1366 : i32 to index
      %get3A_1368 = tpu.vector_load %arg4[%get3A_1367] {strides = array<i32>} : memref<100000xf32, #tpu.memory_space<vmem>>, vector<16xf32>,
      %get3A_1369 = vector.shape_cast %get3A_1368 : vector<16xf32> to vector<16xf32>
      %sub3A_1370 = arith.subf %get3A_1369, %max3A_62 : vector<16xf32>
      %exp3A_1371 = math.exp %sub3A_1370 : vector<16xf32>
      %add3A_1372 = arith.addf %scan3A_1319, %exp3A_1371 : vector<16xf32>
      %add3A_1373 = arith.constant 96 : i32
      %add3A_1374 = arith.addi %mul3A_1325, %add3A_1373 : i32
      %get3A_1375 = arith.index_cast %add3A_1374 : i32 to index
      %get3A_1376 = tpu.vector_load %arg4[%get3A_1375] {strides = array<i32>} : memref<100000xf32, #tpu.memory_space<vmem>>, vector<16xf32>,
      %get3A_1377 = vector.shape_cast %get3A_1376 : vector<16xf32> to vector<16xf32>
      %sub3A_1378 = arith.subf %get3A_1377, %max3A_62 : vector<16xf32>
      %exp3A_1379 = math.exp %sub3A_1378 : vector<16xf32>
      %add3A_1380 = arith.addf %scan3A_1320, %exp3A_1379 : vector<16xf32>
      %add3A_1381 = arith.constant 112 : i32
      %add3A_1382 = arith.addi %mul3A_1325, %add3A_1381 : i32
      %get3A_1383 = arith.index_cast %add3A_1382 : i32 to index
      %get3A_1384 = tpu.vector_load %arg4[%get3A_1383] {strides = array<i32>} : memref<100000xf32, #tpu.memory_space<vmem>>, vector<16xf32>,
      %get3A_1385 = vector.shape_cast %get3A_1384 : vector<16xf32> to vector<16xf32>
      %sub3A_1386 = arith.subf %get3A_1385, %max3A_62 : vector<16xf32>
      %exp3A_1387 = math.exp %sub3A_1386 : vector<16xf32>
      %add3A_1388 = arith.addf %scan3A_1321, %exp3A_1387 : vector<16xf32>
      %add3A_1389 = arith.constant 128 : i32
      %add3A_1390 = arith.addi %mul3A_1325, %add3A_1389 : i32
      %get3A_1391 = arith.index_cast %add3A_1390 : i32 to index
      %get3A_1392 = tpu.vector_load %arg4[%get3A_1391] {strides = array<i32>} : memref<100000xf32, #tpu.memory_space<vmem>>, vector<16xf32>,
      %get3A_1393 = vector.shape_cast %get3A_1392 : vector<16xf32> to vector<16xf32>
      %sub3A_1394 = arith.subf %get3A_1393, %max3A_62 : vector<16xf32>
      %exp3A_1395 = math.exp %sub3A_1394 : vector<16xf32>
      %add3A_1396 = arith.addf %scan3A_1322, %exp3A_1395 : vector<16xf32>
      %add3A_1397 = arith.constant 144 : i32
      %add3A_1398 = arith.addi %mul3A_1325, %add3A_1397 : i32
      %get3A_1399 = arith.index_cast %add3A_1398 : i32 to index
      %get3A_1400 = tpu.vector_load %arg4[%get3A_1399] {strides = array<i32>} : memref<100000xf32, #tpu.memory_space<vmem>>, vector<16xf32>,
      %get3A_1401 = vector.shape_cast %get3A_1400 : vector<16xf32> to vector<16xf32>
      %sub3A_1402 = arith.subf %get3A_1401, %max3A_62 : vector<16xf32>
      %exp3A_1403 = math.exp %sub3A_1402 : vector<16xf32>
      %add3A_1404 = arith.addf %scan3A_1323, %exp3A_1403 : vector<16xf32>
      scf.yield %add3A_1332, %add3A_1340, %add3A_1348, %add3A_1356, %add3A_1364, %add3A_1372, %add3A_1380, %add3A_1388, %add3A_1396, %add3A_1404 : vector<16xf32>, vector<16xf32>, vector<16xf32>, vector<16xf32>, vector<16xf32>, vector<16xf32>, vector<16xf32>, vector<16xf32>, vector<16xf32>, vector<16xf32>
    }
    %scan3A_88 = arith.constant 625 : i32
    %add3A_89 = arith.addf %scan3A_87#0, %scan3A_87#1 : vector<16xf32>
    %add3A_90 = arith.addf %add3A_89, %scan3A_87#2 : vector<16xf32>
    %add3A_91 = arith.addf %add3A_90, %scan3A_87#3 : vector<16xf32>
    %add3A_92 = arith.addf %add3A_91, %scan3A_87#4 : vector<16xf32>
    %add3A_93 = arith.addf %add3A_92, %scan3A_87#5 : vector<16xf32>
    %add3A_94 = arith.addf %add3A_93, %scan3A_87#6 : vector<16xf32>
    %add3A_95 = arith.addf %add3A_94, %scan3A_87#7 : vector<16xf32>
    %add3A_96 = arith.addf %add3A_95, %scan3A_87#8 : vector<16xf32>
    %add3A_97 = arith.addf %add3A_96, %scan3A_87#9 : vector<16xf32>
    %iota3A_98 = tpu.iota {dimensions = array<i32: 0>} : vector<16xi32>
    %xor3A_99 = arith.constant 8 : i32
    %xor3A_100 = vector.broadcast %xor3A_99 : i32 to vector<16xi32>
    %xor3A_101 = arith.xori %iota3A_98, %xor3A_100 : vector<16xi32>
    %broadcast_in_dim3A_102 = vector.shape_cast %xor3A_101 : vector<16xi32> to vector<16x1xi32>
    %gather3A_103 = vector.shape_cast %broadcast_in_dim3A_102 : vector<16x1xi32> to vector<16xi32>
    %gather3A_104 = tpu.dynamic_gather %add3A_97[%gather3A_103] in [0] : vector<16xf32>, vector<16xi32> -> vector<16xf32>
    %add3A_105 = arith.addf %add3A_97, %gather3A_104 : vector<16xf32>
    %xor3A_106 = arith.constant 4 : i32
    %xor3A_107 = vector.broadcast %xor3A_106 : i32 to vector<16xi32>
    %xor3A_108 = arith.xori %iota3A_98, %xor3A_107 : vector<16xi32>
    %broadcast_in_dim3A_109 = vector.shape_cast %xor3A_108 : vector<16xi32> to vector<16x1xi32>
    %gather3A_110 = vector.shape_cast %broadcast_in_dim3A_109 : vector<16x1xi32> to vector<16xi32>
    %gather3A_111 = tpu.dynamic_gather %add3A_105[%gather3A_110] in [0] : vector<16xf32>, vector<16xi32> -> vector<16xf32>
    %add3A_112 = arith.addf %add3A_105, %gather3A_111 : vector<16xf32>
    %xor3A_113 = arith.constant 2 : i32
    %xor3A_114 = vector.broadcast %xor3A_113 : i32 to vector<16xi32>
    %xor3A_115 = arith.xori %iota3A_98, %xor3A_114 : vector<16xi32>
    %broadcast_in_dim3A_116 = vector.shape_cast %xor3A_115 : vector<16xi32> to vector<16x1xi32>
    %gather3A_117 = vector.shape_cast %broadcast_in_dim3A_116 : vector<16x1xi32> to vector<16xi32>
    %gather3A_118 = tpu.dynamic_gather %add3A_112[%gather3A_117] in [0] : vector<16xf32>, vector<16xi32> -> vector<16xf32>
    %add3A_119 = arith.addf %add3A_112, %gather3A_118 : vector<16xf32>
    %xor3A_120 = arith.constant 1 : i32
    %xor3A_121 = vector.broadcast %xor3A_120 : i32 to vector<16xi32>
    %xor3A_122 = arith.xori %iota3A_98, %xor3A_121 : vector<16xi32>
    %broadcast_in_dim3A_123 = vector.shape_cast %xor3A_122 : vector<16xi32> to vector<16x1xi32>
    %gather3A_124 = vector.shape_cast %broadcast_in_dim3A_123 : vector<16x1xi32> to vector<16xi32>
    %gather3A_125 = tpu.dynamic_gather %add3A_119[%gather3A_124] in [0] : vector<16xf32>, vector<16xi32> -> vector<16xf32>
    %add3A_126 = arith.addf %add3A_119, %gather3A_125 : vector<16xf32>
    %broadcast_in_dim3A_127 = arith.constant 0.000000e+00 : f32
    %broadcast_in_dim3A_128 = vector.broadcast %broadcast_in_dim3A_127 : f32 to vector<16xf32>
    %ge3A = arith.constant 2.000000e+00 : f32
    %ge3A_129 = vector.broadcast %ge3A : f32 to vector<16xf32>
    %ge3A_130 = arith.cmpf oge, %add3A_126, %ge3A_129 : vector<16xf32>
    %jit3A = arith.constant 0.693147182 : f32
    %jit3A_131 = arith.constant 0.000000e+00 : f32
    %broadcast_in_dim3A_132 = vector.broadcast %jit3A : f32 to vector<16xf32>
    %broadcast_in_dim3A_133 = vector.broadcast %jit3A_131 : f32 to vector<16xf32>
    %select_n3A = arith.select %ge3A_130, %broadcast_in_dim3A_132, %broadcast_in_dim3A_133 : vector<16xi1>, vector<16xf32>
    %add3A_134 = arith.addf %broadcast_in_dim3A_128, %select_n3A : vector<16xf32>
    %ge3A_135 = arith.constant 4.000000e+00 : f32
    %ge3A_136 = vector.broadcast %ge3A_135 : f32 to vector<16xf32>
    %ge3A_137 = arith.cmpf oge, %add3A_126, %ge3A_136 : vector<16xf32>
    %jit3A_138 = arith.constant 0.693147182 : f32
    %jit3A_139 = arith.constant 0.000000e+00 : f32
    %broadcast_in_dim3A_140 = vector.broadcast %jit3A_138 : f32 to vector<16xf32>
    %broadcast_in_dim3A_141 = vector.broadcast %jit3A_139 : f32 to vector<16xf32>
    %select_n3A_142 = arith.select %ge3A_137, %broadcast_in_dim3A_140, %broadcast_in_dim3A_141 : vector<16xi1>, vector<16xf32>
    %add3A_143 = arith.addf %add3A_134, %select_n3A_142 : vector<16xf32>
    %ge3A_144 = arith.constant 8.000000e+00 : f32
    %ge3A_145 = vector.broadcast %ge3A_144 : f32 to vector<16xf32>
    %ge3A_146 = arith.cmpf oge, %add3A_126, %ge3A_145 : vector<16xf32>
    %jit3A_147 = arith.constant 0.693147182 : f32
    %jit3A_148 = arith.constant 0.000000e+00 : f32
    %broadcast_in_dim3A_149 = vector.broadcast %jit3A_147 : f32 to vector<16xf32>
    %broadcast_in_dim3A_150 = vector.broadcast %jit3A_148 : f32 to vector<16xf32>
    %select_n3A_151 = arith.select %ge3A_146, %broadcast_in_dim3A_149, %broadcast_in_dim3A_150 : vector<16xi1>, vector<16xf32>
    %add3A_152 = arith.addf %add3A_143, %select_n3A_151 : vector<16xf32>
    %ge3A_153 = arith.constant 1.600000e+01 : f32
    %ge3A_154 = vector.broadcast %ge3A_153 : f32 to vector<16xf32>
    %ge3A_155 = arith.cmpf oge, %add3A_126, %ge3A_154 : vector<16xf32>
    %jit3A_156 = arith.constant 0.693147182 : f32
    %jit3A_157 = arith.constant 0.000000e+00 : f32
    %broadcast_in_dim3A_158 = vector.broadcast %jit3A_156 : f32 to vector<16xf32>
    %broadcast_in_dim3A_159 = vector.broadcast %jit3A_157 : f32 to vector<16xf32>
    %select_n3A_160 = arith.select %ge3A_155, %broadcast_in_dim3A_158, %broadcast_in_dim3A_159 : vector<16xi1>, vector<16xf32>
    %add3A_161 = arith.addf %add3A_152, %select_n3A_160 : vector<16xf32>
    %ge3A_162 = arith.constant 3.200000e+01 : f32
    %ge3A_163 = vector.broadcast %ge3A_162 : f32 to vector<16xf32>
    %ge3A_164 = arith.cmpf oge, %add3A_126, %ge3A_163 : vector<16xf32>
    %jit3A_165 = arith.constant 0.693147182 : f32
    %jit3A_166 = arith.constant 0.000000e+00 : f32
    %broadcast_in_dim3A_167 = vector.broadcast %jit3A_165 : f32 to vector<16xf32>
    %broadcast_in_dim3A_168 = vector.broadcast %jit3A_166 : f32 to vector<16xf32>
    %select_n3A_169 = arith.select %ge3A_164, %broadcast_in_dim3A_167, %broadcast_in_dim3A_168 : vector<16xi1>, vector<16xf32>
    %add3A_170 = arith.addf %add3A_161, %select_n3A_169 : vector<16xf32>
    %ge3A_171 = arith.constant 6.400000e+01 : f32
    %ge3A_172 = vector.broadcast %ge3A_171 : f32 to vector<16xf32>
    %ge3A_173 = arith.cmpf oge, %add3A_126, %ge3A_172 : vector<16xf32>
    %jit3A_174 = arith.constant 0.693147182 : f32
    %jit3A_175 = arith.constant 0.000000e+00 : f32
    %broadcast_in_dim3A_176 = vector.broadcast %jit3A_174 : f32 to vector<16xf32>
    %broadcast_in_dim3A_177 = vector.broadcast %jit3A_175 : f32 to vector<16xf32>
    %select_n3A_178 = arith.select %ge3A_173, %broadcast_in_dim3A_176, %broadcast_in_dim3A_177 : vector<16xi1>, vector<16xf32>
    %add3A_179 = arith.addf %add3A_170, %select_n3A_178 : vector<16xf32>
    %ge3A_180 = arith.constant 1.280000e+02 : f32
    %ge3A_181 = vector.broadcast %ge3A_180 : f32 to vector<16xf32>
    %ge3A_182 = arith.cmpf oge, %add3A_126, %ge3A_181 : vector<16xf32>
    %jit3A_183 = arith.constant 0.693147182 : f32
    %jit3A_184 = arith.constant 0.000000e+00 : f32
    %broadcast_in_dim3A_185 = vector.broadcast %jit3A_183 : f32 to vector<16xf32>
    %broadcast_in_dim3A_186 = vector.broadcast %jit3A_184 : f32 to vector<16xf32>
    %select_n3A_187 = arith.select %ge3A_182, %broadcast_in_dim3A_185, %broadcast_in_dim3A_186 : vector<16xi1>, vector<16xf32>
    %add3A_188 = arith.addf %add3A_179, %select_n3A_187 : vector<16xf32>
    %ge3A_189 = arith.constant 2.560000e+02 : f32
    %ge3A_190 = vector.broadcast %ge3A_189 : f32 to vector<16xf32>
    %ge3A_191 = arith.cmpf oge, %add3A_126, %ge3A_190 : vector<16xf32>
    %jit3A_192 = arith.constant 0.693147182 : f32
    %jit3A_193 = arith.constant 0.000000e+00 : f32
    %broadcast_in_dim3A_194 = vector.broadcast %jit3A_192 : f32 to vector<16xf32>
    %broadcast_in_dim3A_195 = vector.broadcast %jit3A_193 : f32 to vector<16xf32>
    %select_n3A_196 = arith.select %ge3A_191, %broadcast_in_dim3A_194, %broadcast_in_dim3A_195 : vector<16xi1>, vector<16xf32>
    %add3A_197 = arith.addf %add3A_188, %select_n3A_196 : vector<16xf32>
    %ge3A_198 = arith.constant 5.120000e+02 : f32
    %ge3A_199 = vector.broadcast %ge3A_198 : f32 to vector<16xf32>
    %ge3A_200 = arith.cmpf oge, %add3A_126, %ge3A_199 : vector<16xf32>
    %jit3A_201 = arith.constant 0.693147182 : f32
    %jit3A_202 = arith.constant 0.000000e+00 : f32
    %broadcast_in_dim3A_203 = vector.broadcast %jit3A_201 : f32 to vector<16xf32>
    %broadcast_in_dim3A_204 = vector.broadcast %jit3A_202 : f32 to vector<16xf32>
    %select_n3A_205 = arith.select %ge3A_200, %broadcast_in_dim3A_203, %broadcast_in_dim3A_204 : vector<16xi1>, vector<16xf32>
    %add3A_206 = arith.addf %add3A_197, %select_n3A_205 : vector<16xf32>
    %ge3A_207 = arith.constant 1.024000e+03 : f32
    %ge3A_208 = vector.broadcast %ge3A_207 : f32 to vector<16xf32>
    %ge3A_209 = arith.cmpf oge, %add3A_126, %ge3A_208 : vector<16xf32>
    %jit3A_210 = arith.constant 0.693147182 : f32
    %jit3A_211 = arith.constant 0.000000e+00 : f32
    %broadcast_in_dim3A_212 = vector.broadcast %jit3A_210 : f32 to vector<16xf32>
    %broadcast_in_dim3A_213 = vector.broadcast %jit3A_211 : f32 to vector<16xf32>
    %select_n3A_214 = arith.select %ge3A_209, %broadcast_in_dim3A_212, %broadcast_in_dim3A_213 : vector<16xi1>, vector<16xf32>
    %add3A_215 = arith.addf %add3A_206, %select_n3A_214 : vector<16xf32>
    %ge3A_216 = arith.constant 2.048000e+03 : f32
    %ge3A_217 = vector.broadcast %ge3A_216 : f32 to vector<16xf32>
    %ge3A_218 = arith.cmpf oge, %add3A_126, %ge3A_217 : vector<16xf32>
    %jit3A_219 = arith.constant 0.693147182 : f32
    %jit3A_220 = arith.constant 0.000000e+00 : f32
    %broadcast_in_dim3A_221 = vector.broadcast %jit3A_219 : f32 to vector<16xf32>
    %broadcast_in_dim3A_222 = vector.broadcast %jit3A_220 : f32 to vector<16xf32>
    %select_n3A_223 = arith.select %ge3A_218, %broadcast_in_dim3A_221, %broadcast_in_dim3A_222 : vector<16xi1>, vector<16xf32>
    %add3A_224 = arith.addf %add3A_215, %select_n3A_223 : vector<16xf32>
    %ge3A_225 = arith.constant 4.096000e+03 : f32
    %ge3A_226 = vector.broadcast %ge3A_225 : f32 to vector<16xf32>
    %ge3A_227 = arith.cmpf oge, %add3A_126, %ge3A_226 : vector<16xf32>
    %jit3A_228 = arith.constant 0.693147182 : f32
    %jit3A_229 = arith.constant 0.000000e+00 : f32
    %broadcast_in_dim3A_230 = vector.broadcast %jit3A_228 : f32 to vector<16xf32>
    %broadcast_in_dim3A_231 = vector.broadcast %jit3A_229 : f32 to vector<16xf32>
    %select_n3A_232 = arith.select %ge3A_227, %broadcast_in_dim3A_230, %broadcast_in_dim3A_231 : vector<16xi1>, vector<16xf32>
    %add3A_233 = arith.addf %add3A_224, %select_n3A_232 : vector<16xf32>
    %ge3A_234 = arith.constant 8.192000e+03 : f32
    %ge3A_235 = vector.broadcast %ge3A_234 : f32 to vector<16xf32>
    %ge3A_236 = arith.cmpf oge, %add3A_126, %ge3A_235 : vector<16xf32>
    %jit3A_237 = arith.constant 0.693147182 : f32
    %jit3A_238 = arith.constant 0.000000e+00 : f32
    %broadcast_in_dim3A_239 = vector.broadcast %jit3A_237 : f32 to vector<16xf32>
    %broadcast_in_dim3A_240 = vector.broadcast %jit3A_238 : f32 to vector<16xf32>
    %select_n3A_241 = arith.select %ge3A_236, %broadcast_in_dim3A_239, %broadcast_in_dim3A_240 : vector<16xi1>, vector<16xf32>
    %add3A_242 = arith.addf %add3A_233, %select_n3A_241 : vector<16xf32>
    %ge3A_243 = arith.constant 1.638400e+04 : f32
    %ge3A_244 = vector.broadcast %ge3A_243 : f32 to vector<16xf32>
    %ge3A_245 = arith.cmpf oge, %add3A_126, %ge3A_244 : vector<16xf32>
    %jit3A_246 = arith.constant 0.693147182 : f32
    %jit3A_247 = arith.constant 0.000000e+00 : f32
    %broadcast_in_dim3A_248 = vector.broadcast %jit3A_246 : f32 to vector<16xf32>
    %broadcast_in_dim3A_249 = vector.broadcast %jit3A_247 : f32 to vector<16xf32>
    %select_n3A_250 = arith.select %ge3A_245, %broadcast_in_dim3A_248, %broadcast_in_dim3A_249 : vector<16xi1>, vector<16xf32>
    %add3A_251 = arith.addf %add3A_242, %select_n3A_250 : vector<16xf32>
    %ge3A_252 = arith.constant 3.276800e+04 : f32
    %ge3A_253 = vector.broadcast %ge3A_252 : f32 to vector<16xf32>
    %ge3A_254 = arith.cmpf oge, %add3A_126, %ge3A_253 : vector<16xf32>
    %jit3A_255 = arith.constant 0.693147182 : f32
    %jit3A_256 = arith.constant 0.000000e+00 : f32
    %broadcast_in_dim3A_257 = vector.broadcast %jit3A_255 : f32 to vector<16xf32>
    %broadcast_in_dim3A_258 = vector.broadcast %jit3A_256 : f32 to vector<16xf32>
    %select_n3A_259 = arith.select %ge3A_254, %broadcast_in_dim3A_257, %broadcast_in_dim3A_258 : vector<16xi1>, vector<16xf32>
    %add3A_260 = arith.addf %add3A_251, %select_n3A_259 : vector<16xf32>
    %ge3A_261 = arith.constant 6.553600e+04 : f32
    %ge3A_262 = vector.broadcast %ge3A_261 : f32 to vector<16xf32>
    %ge3A_263 = arith.cmpf oge, %add3A_126, %ge3A_262 : vector<16xf32>
    %jit3A_264 = arith.constant 0.693147182 : f32
    %jit3A_265 = arith.constant 0.000000e+00 : f32
    %broadcast_in_dim3A_266 = vector.broadcast %jit3A_264 : f32 to vector<16xf32>
    %broadcast_in_dim3A_267 = vector.broadcast %jit3A_265 : f32 to vector<16xf32>
    %select_n3A_268 = arith.select %ge3A_263, %broadcast_in_dim3A_266, %broadcast_in_dim3A_267 : vector<16xi1>, vector<16xf32>
    %add3A_269 = arith.addf %add3A_260, %select_n3A_268 : vector<16xf32>
    %ge3A_270 = arith.constant 1.310720e+05 : f32
    %ge3A_271 = vector.broadcast %ge3A_270 : f32 to vector<16xf32>
    %ge3A_272 = arith.cmpf oge, %add3A_126, %ge3A_271 : vector<16xf32>
    %jit3A_273 = arith.constant 0.693147182 : f32
    %jit3A_274 = arith.constant 0.000000e+00 : f32
    %broadcast_in_dim3A_275 = vector.broadcast %jit3A_273 : f32 to vector<16xf32>
    %broadcast_in_dim3A_276 = vector.broadcast %jit3A_274 : f32 to vector<16xf32>
    %select_n3A_277 = arith.select %ge3A_272, %broadcast_in_dim3A_275, %broadcast_in_dim3A_276 : vector<16xi1>, vector<16xf32>
    %add3A_278 = arith.addf %add3A_269, %select_n3A_277 : vector<16xf32>
    %sub3A = arith.constant 1.000000e+00 : f32
    %sub3A_279 = vector.broadcast %sub3A : f32 to vector<16xf32>
    %sub3A_280 = arith.subf %add3A_278, %sub3A_279 : vector<16xf32>
    %neg3A = arith.constant 0.000000e+00 : f32
    %neg3A_281 = vector.broadcast %neg3A : f32 to vector<16xf32>
    %neg3A_282 = arith.subf %neg3A_281, %add3A_278 : vector<16xf32>
    %exp3A = math.exp %neg3A_282 : vector<16xf32>
    %mul3A_283 = arith.mulf %add3A_126, %exp3A : vector<16xf32>
    %add3A_284 = arith.addf %sub3A_280, %mul3A_283 : vector<16xf32>
    %sub3A_285 = arith.constant 1.000000e+00 : f32
    %sub3A_286 = vector.broadcast %sub3A_285 : f32 to vector<16xf32>
    %sub3A_287 = arith.subf %add3A_284, %sub3A_286 : vector<16xf32>
    %neg3A_288 = arith.constant 0.000000e+00 : f32
    %neg3A_289 = vector.broadcast %neg3A_288 : f32 to vector<16xf32>
    %neg3A_290 = arith.subf %neg3A_289, %add3A_284 : vector<16xf32>
    %exp3A_291 = math.exp %neg3A_290 : vector<16xf32>
    %mul3A_292 = arith.mulf %add3A_126, %exp3A_291 : vector<16xf32>
    %add3A_293 = arith.addf %sub3A_287, %mul3A_292 : vector<16xf32>
    %sub3A_294 = arith.constant 1.000000e+00 : f32
    %sub3A_295 = vector.broadcast %sub3A_294 : f32 to vector<16xf32>
    %sub3A_296 = arith.subf %add3A_293, %sub3A_295 : vector<16xf32>
    %neg3A_297 = arith.constant 0.000000e+00 : f32
    %neg3A_298 = vector.broadcast %neg3A_297 : f32 to vector<16xf32>
    %neg3A_299 = arith.subf %neg3A_298, %add3A_293 : vector<16xf32>
    %exp3A_300 = math.exp %neg3A_299 : vector<16xf32>
    %mul3A_301 = arith.mulf %add3A_126, %exp3A_300 : vector<16xf32>
    %add3A_302 = arith.addf %sub3A_296, %mul3A_301 : vector<16xf32>
    %sub3A_303 = arith.constant 1.000000e+00 : f32
    %sub3A_304 = vector.broadcast %sub3A_303 : f32 to vector<16xf32>
    %sub3A_305 = arith.subf %add3A_302, %sub3A_304 : vector<16xf32>
    %neg3A_306 = arith.constant 0.000000e+00 : f32
    %neg3A_307 = vector.broadcast %neg3A_306 : f32 to vector<16xf32>
    %neg3A_308 = arith.subf %neg3A_307, %add3A_302 : vector<16xf32>
    %exp3A_309 = math.exp %neg3A_308 : vector<16xf32>
    %mul3A_310 = arith.mulf %add3A_126, %exp3A_309 : vector<16xf32>
    %add3A_311 = arith.addf %sub3A_305, %mul3A_310 : vector<16xf32>
    %add3A_312 = arith.addf %max3A_62, %add3A_311 : vector<16xf32>
    %scan3A_313 = arith.constant 0 : i32
    %scan3A_314 = arith.constant 0 : i32
    %scan3A_315 = arith.constant 625 : i32
    %scan3A_316 = arith.addi %scan3A_314, %scan3A_315 : i32
    %scan3A_317 = arith.constant 1 : i32
    %scan3A_318 = scf.for %scan3A_1313 = %scan3A_314 to %scan3A_316 step %scan3A_317 iter_args(%scan3A_1314 = %scan3A_313) -> (i32)  : i32 {
      %mul3A_1315 = arith.constant 160 : i32
      %mul3A_1316 = arith.muli %scan3A_1313, %mul3A_1315 : i32
      %add3A_1317 = arith.constant 0 : i32
      %add3A_1318 = arith.addi %mul3A_1316, %add3A_1317 : i32
      %get3A = arith.index_cast %add3A_1318 : i32 to index
      %get3A_1319 = tpu.vector_load %arg4[%get3A] {strides = array<i32>} : memref<100000xf32, #tpu.memory_space<vmem>>, vector<16xf32>,
      %get3A_1320 = vector.shape_cast %get3A_1319 : vector<16xf32> to vector<16xf32>
      %sub3A_1321 = arith.subf %get3A_1320, %add3A_312 : vector<16xf32>
      %swap3A = arith.index_cast %add3A_1318 : i32 to index
      %swap3A_1322 = tpu.vector_load %arg4[%swap3A] {strides = array<i32>} : memref<100000xf32, #tpu.memory_space<vmem>>, vector<16xf32>,
      %swap3A_1323 = vector.shape_cast %swap3A_1322 : vector<16xf32> to vector<16xf32>
      %swap3A_1324 = vector.shape_cast %sub3A_1321 : vector<16xf32> to vector<16xf32>
      tpu.vector_store %arg4[%swap3A], %swap3A_1324 {strides = array<i32>} : memref<100000xf32, #tpu.memory_space<vmem>>, vector<16xf32>,
      %add3A_1325 = arith.constant 16 : i32
      %add3A_1326 = arith.addi %mul3A_1316, %add3A_1325 : i32
      %get3A_1327 = arith.index_cast %add3A_1326 : i32 to index
      %get3A_1328 = tpu.vector_load %arg4[%get3A_1327] {strides = array<i32>} : memref<100000xf32, #tpu.memory_space<vmem>>, vector<16xf32>,
      %get3A_1329 = vector.shape_cast %get3A_1328 : vector<16xf32> to vector<16xf32>
      %sub3A_1330 = arith.subf %get3A_1329, %add3A_312 : vector<16xf32>
      %swap3A_1331 = arith.index_cast %add3A_1326 : i32 to index
      %swap3A_1332 = tpu.vector_load %arg4[%swap3A_1331] {strides = array<i32>} : memref<100000xf32, #tpu.memory_space<vmem>>, vector<16xf32>,
      %swap3A_1333 = vector.shape_cast %swap3A_1332 : vector<16xf32> to vector<16xf32>
      %swap3A_1334 = vector.shape_cast %sub3A_1330 : vector<16xf32> to vector<16xf32>
      tpu.vector_store %arg4[%swap3A_1331], %swap3A_1334 {strides = array<i32>} : memref<100000xf32, #tpu.memory_space<vmem>>, vector<16xf32>,
      %add3A_1335 = arith.constant 32 : i32
      %add3A_1336 = arith.addi %mul3A_1316, %add3A_1335 : i32
      %get3A_1337 = arith.index_cast %add3A_1336 : i32 to index
      %get3A_1338 = tpu.vector_load %arg4[%get3A_1337] {strides = array<i32>} : memref<100000xf32, #tpu.memory_space<vmem>>, vector<16xf32>,
      %get3A_1339 = vector.shape_cast %get3A_1338 : vector<16xf32> to vector<16xf32>
      %sub3A_1340 = arith.subf %get3A_1339, %add3A_312 : vector<16xf32>
      %swap3A_1341 = arith.index_cast %add3A_1336 : i32 to index
      %swap3A_1342 = tpu.vector_load %arg4[%swap3A_1341] {strides = array<i32>} : memref<100000xf32, #tpu.memory_space<vmem>>, vector<16xf32>,
      %swap3A_1343 = vector.shape_cast %swap3A_1342 : vector<16xf32> to vector<16xf32>
      %swap3A_1344 = vector.shape_cast %sub3A_1340 : vector<16xf32> to vector<16xf32>
      tpu.vector_store %arg4[%swap3A_1341], %swap3A_1344 {strides = array<i32>} : memref<100000xf32, #tpu.memory_space<vmem>>, vector<16xf32>,
      %add3A_1345 = arith.constant 48 : i32
      %add3A_1346 = arith.addi %mul3A_1316, %add3A_1345 : i32
      %get3A_1347 = arith.index_cast %add3A_1346 : i32 to index
      %get3A_1348 = tpu.vector_load %arg4[%get3A_1347] {strides = array<i32>} : memref<100000xf32, #tpu.memory_space<vmem>>, vector<16xf32>,
      %get3A_1349 = vector.shape_cast %get3A_1348 : vector<16xf32> to vector<16xf32>
      %sub3A_1350 = arith.subf %get3A_1349, %add3A_312 : vector<16xf32>
      %swap3A_1351 = arith.index_cast %add3A_1346 : i32 to index
      %swap3A_1352 = tpu.vector_load %arg4[%swap3A_1351] {strides = array<i32>} : memref<100000xf32, #tpu.memory_space<vmem>>, vector<16xf32>,
      %swap3A_1353 = vector.shape_cast %swap3A_1352 : vector<16xf32> to vector<16xf32>
      %swap3A_1354 = vector.shape_cast %sub3A_1350 : vector<16xf32> to vector<16xf32>
      tpu.vector_store %arg4[%swap3A_1351], %swap3A_1354 {strides = array<i32>} : memref<100000xf32, #tpu.memory_space<vmem>>, vector<16xf32>,
      %add3A_1355 = arith.constant 64 : i32
      %add3A_1356 = arith.addi %mul3A_1316, %add3A_1355 : i32
      %get3A_1357 = arith.index_cast %add3A_1356 : i32 to index
      %get3A_1358 = tpu.vector_load %arg4[%get3A_1357] {strides = array<i32>} : memref<100000xf32, #tpu.memory_space<vmem>>, vector<16xf32>,
      %get3A_1359 = vector.shape_cast %get3A_1358 : vector<16xf32> to vector<16xf32>
      %sub3A_1360 = arith.subf %get3A_1359, %add3A_312 : vector<16xf32>
      %swap3A_1361 = arith.index_cast %add3A_1356 : i32 to index
      %swap3A_1362 = tpu.vector_load %arg4[%swap3A_1361] {strides = array<i32>} : memref<100000xf32, #tpu.memory_space<vmem>>, vector<16xf32>,
      %swap3A_1363 = vector.shape_cast %swap3A_1362 : vector<16xf32> to vector<16xf32>
      %swap3A_1364 = vector.shape_cast %sub3A_1360 : vector<16xf32> to vector<16xf32>
      tpu.vector_store %arg4[%swap3A_1361], %swap3A_1364 {strides = array<i32>} : memref<100000xf32, #tpu.memory_space<vmem>>, vector<16xf32>,
      %add3A_1365 = arith.constant 80 : i32
      %add3A_1366 = arith.addi %mul3A_1316, %add3A_1365 : i32
      %get3A_1367 = arith.index_cast %add3A_1366 : i32 to index
      %get3A_1368 = tpu.vector_load %arg4[%get3A_1367] {strides = array<i32>} : memref<100000xf32, #tpu.memory_space<vmem>>, vector<16xf32>,
      %get3A_1369 = vector.shape_cast %get3A_1368 : vector<16xf32> to vector<16xf32>
      %sub3A_1370 = arith.subf %get3A_1369, %add3A_312 : vector<16xf32>
      %swap3A_1371 = arith.index_cast %add3A_1366 : i32 to index
      %swap3A_1372 = tpu.vector_load %arg4[%swap3A_1371] {strides = array<i32>} : memref<100000xf32, #tpu.memory_space<vmem>>, vector<16xf32>,
      %swap3A_1373 = vector.shape_cast %swap3A_1372 : vector<16xf32> to vector<16xf32>
      %swap3A_1374 = vector.shape_cast %sub3A_1370 : vector<16xf32> to vector<16xf32>
      tpu.vector_store %arg4[%swap3A_1371], %swap3A_1374 {strides = array<i32>} : memref<100000xf32, #tpu.memory_space<vmem>>, vector<16xf32>,
      %add3A_1375 = arith.constant 96 : i32
      %add3A_1376 = arith.addi %mul3A_1316, %add3A_1375 : i32
      %get3A_1377 = arith.index_cast %add3A_1376 : i32 to index
      %get3A_1378 = tpu.vector_load %arg4[%get3A_1377] {strides = array<i32>} : memref<100000xf32, #tpu.memory_space<vmem>>, vector<16xf32>,
      %get3A_1379 = vector.shape_cast %get3A_1378 : vector<16xf32> to vector<16xf32>
      %sub3A_1380 = arith.subf %get3A_1379, %add3A_312 : vector<16xf32>
      %swap3A_1381 = arith.index_cast %add3A_1376 : i32 to index
      %swap3A_1382 = tpu.vector_load %arg4[%swap3A_1381] {strides = array<i32>} : memref<100000xf32, #tpu.memory_space<vmem>>, vector<16xf32>,
      %swap3A_1383 = vector.shape_cast %swap3A_1382 : vector<16xf32> to vector<16xf32>
      %swap3A_1384 = vector.shape_cast %sub3A_1380 : vector<16xf32> to vector<16xf32>
      tpu.vector_store %arg4[%swap3A_1381], %swap3A_1384 {strides = array<i32>} : memref<100000xf32, #tpu.memory_space<vmem>>, vector<16xf32>,
      %add3A_1385 = arith.constant 112 : i32
      %add3A_1386 = arith.addi %mul3A_1316, %add3A_1385 : i32
      %get3A_1387 = arith.index_cast %add3A_1386 : i32 to index
      %get3A_1388 = tpu.vector_load %arg4[%get3A_1387] {strides = array<i32>} : memref<100000xf32, #tpu.memory_space<vmem>>, vector<16xf32>,
      %get3A_1389 = vector.shape_cast %get3A_1388 : vector<16xf32> to vector<16xf32>
      %sub3A_1390 = arith.subf %get3A_1389, %add3A_312 : vector<16xf32>
      %swap3A_1391 = arith.index_cast %add3A_1386 : i32 to index
      %swap3A_1392 = tpu.vector_load %arg4[%swap3A_1391] {strides = array<i32>} : memref<100000xf32, #tpu.memory_space<vmem>>, vector<16xf32>,
      %swap3A_1393 = vector.shape_cast %swap3A_1392 : vector<16xf32> to vector<16xf32>
      %swap3A_1394 = vector.shape_cast %sub3A_1390 : vector<16xf32> to vector<16xf32>
      tpu.vector_store %arg4[%swap3A_1391], %swap3A_1394 {strides = array<i32>} : memref<100000xf32, #tpu.memory_space<vmem>>, vector<16xf32>,
      %add3A_1395 = arith.constant 128 : i32
      %add3A_1396 = arith.addi %mul3A_1316, %add3A_1395 : i32
      %get3A_1397 = arith.index_cast %add3A_1396 : i32 to index
      %get3A_1398 = tpu.vector_load %arg4[%get3A_1397] {strides = array<i32>} : memref<100000xf32, #tpu.memory_space<vmem>>, vector<16xf32>,
      %get3A_1399 = vector.shape_cast %get3A_1398 : vector<16xf32> to vector<16xf32>
      %sub3A_1400 = arith.subf %get3A_1399, %add3A_312 : vector<16xf32>
      %swap3A_1401 = arith.index_cast %add3A_1396 : i32 to index
      %swap3A_1402 = tpu.vector_load %arg4[%swap3A_1401] {strides = array<i32>} : memref<100000xf32, #tpu.memory_space<vmem>>, vector<16xf32>,
      %swap3A_1403 = vector.shape_cast %swap3A_1402 : vector<16xf32> to vector<16xf32>
      %swap3A_1404 = vector.shape_cast %sub3A_1400 : vector<16xf32> to vector<16xf32>
      tpu.vector_store %arg4[%swap3A_1401], %swap3A_1404 {strides = array<i32>} : memref<100000xf32, #tpu.memory_space<vmem>>, vector<16xf32>,
      %add3A_1405 = arith.constant 144 : i32
      %add3A_1406 = arith.addi %mul3A_1316, %add3A_1405 : i32
      %get3A_1407 = arith.index_cast %add3A_1406 : i32 to index
      %get3A_1408 = tpu.vector_load %arg4[%get3A_1407] {strides = array<i32>} : memref<100000xf32, #tpu.memory_space<vmem>>, vector<16xf32>,
      %get3A_1409 = vector.shape_cast %get3A_1408 : vector<16xf32> to vector<16xf32>
      %sub3A_1410 = arith.subf %get3A_1409, %add3A_312 : vector<16xf32>
      %swap3A_1411 = arith.index_cast %add3A_1406 : i32 to index
      %swap3A_1412 = tpu.vector_load %arg4[%swap3A_1411] {strides = array<i32>} : memref<100000xf32, #tpu.memory_space<vmem>>, vector<16xf32>,
      %swap3A_1413 = vector.shape_cast %swap3A_1412 : vector<16xf32> to vector<16xf32>
      %swap3A_1414 = vector.shape_cast %sub3A_1410 : vector<16xf32> to vector<16xf32>
      tpu.vector_store %arg4[%swap3A_1411], %swap3A_1414 {strides = array<i32>} : memref<100000xf32, #tpu.memory_space<vmem>>, vector<16xf32>,
      %scan3A_1415 = arith.constant 0 : i32
      scf.yield %scan3A_1415 : i32
    }
    %scan3A_319 = arith.constant 625 : i32
    "tpu.region"() ({
      %run_scoped3A = tpu.sem_alloc : memref<!tpu.dma_semaphore, #tpu.memory_space<semaphore_mem>>
      %dma_start3A = arith.constant 0 : i32
      %dma_start3A_1313 = tpu.memref_slice %arg3[%add3A_4, %dma_start3A] : memref<128x100000xf32, #tpu.memory_space<hbm>> -> memref<1x100000xf32, #tpu.memory_space<hbm>>
      %dma_start3A_1314 = tpu.memref_squeeze %dma_start3A_1313 : memref<1x100000xf32, #tpu.memory_space<hbm>> -> memref<100000xf32, #tpu.memory_space<hbm>>
      %dma_start3A_1315 = arith.constant 0 : i32
      %dma_start3A_1316 = tpu.memref_slice %arg3[%add3A_4, %dma_start3A_1315] : memref<128x100000xf32, #tpu.memory_space<hbm>> -> memref<1x100000xf32, #tpu.memory_space<hbm>>
      %dma_start3A_1317 = tpu.memref_squeeze %dma_start3A_1316 : memref<1x100000xf32, #tpu.memory_space<hbm>> -> memref<100000xf32, #tpu.memory_space<hbm>>
      tpu.enqueue_dma source(%arg4 : memref<100000xf32, #tpu.memory_space<vmem>>) target(%dma_start3A_1317 : memref<100000xf32, #tpu.memory_space<hbm>>) target_semaphore(%run_scoped3A : memref<!tpu.dma_semaphore, #tpu.memory_space<semaphore_mem>>)
      %dma_wait3A = arith.constant 0 : i32
      %dma_wait3A_1318 = tpu.memref_slice %arg3[%add3A_4, %dma_wait3A] : memref<128x100000xf32, #tpu.memory_space<hbm>> -> memref<1x100000xf32, #tpu.memory_space<hbm>>
      %dma_wait3A_1319 = tpu.memref_squeeze %dma_wait3A_1318 : memref<1x100000xf32, #tpu.memory_space<hbm>> -> memref<100000xf32, #tpu.memory_space<hbm>>
      %dma_wait3A_1320 = arith.constant 0 : i32
      %dma_wait3A_1321 = tpu.memref_slice %arg3[%add3A_4, %dma_wait3A_1320] : memref<128x100000xf32, #tpu.memory_space<hbm>> -> memref<1x100000xf32, #tpu.memory_space<hbm>>
      %dma_wait3A_1322 = tpu.memref_squeeze %dma_wait3A_1321 : memref<1x100000xf32, #tpu.memory_space<hbm>> -> memref<100000xf32, #tpu.memory_space<hbm>>
      tpu.wait_dma2 semaphore(%run_scoped3A : memref<!tpu.dma_semaphore, #tpu.memory_space<semaphore_mem>>) src(%arg4 : memref<100000xf32, #tpu.memory_space<vmem>>) dst(%dma_wait3A_1322 : memref<100000xf32, #tpu.memory_space<hbm>>)
      tpu.yield
    }) : () -> ()
    %mul3A_320 = arith.constant 4 : i32
    %mul3A_321 = arith.muli %add3A, %mul3A_320 : i32
    %add3A_322 = arith.constant 1 : i32
    %add3A_323 = arith.addi %mul3A_321, %add3A_322 : i32
    "tpu.region"() ({
      %run_scoped3A = tpu.sem_alloc : memref<!tpu.dma_semaphore, #tpu.memory_space<semaphore_mem>>
      %dma_start3A = arith.constant 0 : i32
      %dma_start3A_1313 = tpu.memref_slice %arg2[%add3A_323, %dma_start3A] : memref<128x100000xf32, #tpu.memory_space<hbm>> -> memref<1x100000xf32, #tpu.memory_space<hbm>>
      %dma_start3A_1314 = tpu.memref_squeeze %dma_start3A_1313 : memref<1x100000xf32, #tpu.memory_space<hbm>> -> memref<100000xf32, #tpu.memory_space<hbm>>
      %dma_start3A_1315 = arith.constant 0 : i32
      %dma_start3A_1316 = tpu.memref_slice %arg2[%add3A_323, %dma_start3A_1315] : memref<128x100000xf32, #tpu.memory_space<hbm>> -> memref<1x100000xf32, #tpu.memory_space<hbm>>
      %dma_start3A_1317 = tpu.memref_squeeze %dma_start3A_1316 : memref<1x100000xf32, #tpu.memory_space<hbm>> -> memref<100000xf32, #tpu.memory_space<hbm>>
      tpu.enqueue_dma source(%dma_start3A_1317 : memref<100000xf32, #tpu.memory_space<hbm>>) target(%arg4 : memref<100000xf32, #tpu.memory_space<vmem>>) target_semaphore(%run_scoped3A : memref<!tpu.dma_semaphore, #tpu.memory_space<semaphore_mem>>)
      %dma_wait3A = arith.constant 0 : i32
      %dma_wait3A_1318 = tpu.memref_slice %arg2[%add3A_323, %dma_wait3A] : memref<128x100000xf32, #tpu.memory_space<hbm>> -> memref<1x100000xf32, #tpu.memory_space<hbm>>
      %dma_wait3A_1319 = tpu.memref_squeeze %dma_wait3A_1318 : memref<1x100000xf32, #tpu.memory_space<hbm>> -> memref<100000xf32, #tpu.memory_space<hbm>>
      %dma_wait3A_1320 = arith.constant 0 : i32
      %dma_wait3A_1321 = tpu.memref_slice %arg2[%add3A_323, %dma_wait3A_1320] : memref<128x100000xf32, #tpu.memory_space<hbm>> -> memref<1x100000xf32, #tpu.memory_space<hbm>>
      %dma_wait3A_1322 = tpu.memref_squeeze %dma_wait3A_1321 : memref<1x100000xf32, #tpu.memory_space<hbm>> -> memref<100000xf32, #tpu.memory_space<hbm>>
      tpu.wait_dma2 semaphore(%run_scoped3A : memref<!tpu.dma_semaphore, #tpu.memory_space<semaphore_mem>>) src(%dma_wait3A_1322 : memref<100000xf32, #tpu.memory_space<hbm>>) dst(%arg4 : memref<100000xf32, #tpu.memory_space<vmem>>)
      tpu.yield
    }) : () -> ()
    %broadcast_in_dim3A_324 = arith.constant 0xFF800000 : f32
    %broadcast_in_dim3A_325 = vector.broadcast %broadcast_in_dim3A_324 : f32 to vector<16xf32>
    %broadcast_in_dim3A_326 = arith.constant 0xFF800000 : f32
    %broadcast_in_dim3A_327 = vector.broadcast %broadcast_in_dim3A_326 : f32 to vector<16xf32>
    %broadcast_in_dim3A_328 = arith.constant 0xFF800000 : f32
    %broadcast_in_dim3A_329 = vector.broadcast %broadcast_in_dim3A_328 : f32 to vector<16xf32>
    %broadcast_in_dim3A_330 = arith.constant 0xFF800000 : f32
    %broadcast_in_dim3A_331 = vector.broadcast %broadcast_in_dim3A_330 : f32 to vector<16xf32>
    %broadcast_in_dim3A_332 = arith.constant 0xFF800000 : f32
    %broadcast_in_dim3A_333 = vector.broadcast %broadcast_in_dim3A_332 : f32 to vector<16xf32>
    %broadcast_in_dim3A_334 = arith.constant 0xFF800000 : f32
    %broadcast_in_dim3A_335 = vector.broadcast %broadcast_in_dim3A_334 : f32 to vector<16xf32>
    %broadcast_in_dim3A_336 = arith.constant 0xFF800000 : f32
    %broadcast_in_dim3A_337 = vector.broadcast %broadcast_in_dim3A_336 : f32 to vector<16xf32>
    %broadcast_in_dim3A_338 = arith.constant 0xFF800000 : f32
    %broadcast_in_dim3A_339 = vector.broadcast %broadcast_in_dim3A_338 : f32 to vector<16xf32>
    %broadcast_in_dim3A_340 = arith.constant 0xFF800000 : f32
    %broadcast_in_dim3A_341 = vector.broadcast %broadcast_in_dim3A_340 : f32 to vector<16xf32>
    %broadcast_in_dim3A_342 = arith.constant 0xFF800000 : f32
    %broadcast_in_dim3A_343 = vector.broadcast %broadcast_in_dim3A_342 : f32 to vector<16xf32>
    %scan3A_344 = arith.constant 0 : i32
    %scan3A_345 = arith.constant 625 : i32
    %scan3A_346 = arith.addi %scan3A_344, %scan3A_345 : i32
    %scan3A_347 = arith.constant 1 : i32
    %scan3A_348:10 = scf.for %scan3A_1313 = %scan3A_344 to %scan3A_346 step %scan3A_347 iter_args(%scan3A_1314 = %broadcast_in_dim3A_325, %scan3A_1315 = %broadcast_in_dim3A_327, %scan3A_1316 = %broadcast_in_dim3A_329, %scan3A_1317 = %broadcast_in_dim3A_331, %scan3A_1318 = %broadcast_in_dim3A_333, %scan3A_1319 = %broadcast_in_dim3A_335, %scan3A_1320 = %broadcast_in_dim3A_337, %scan3A_1321 = %broadcast_in_dim3A_339, %scan3A_1322 = %broadcast_in_dim3A_341, %scan3A_1323 = %broadcast_in_dim3A_343) -> (vector<16xf32>, vector<16xf32>, vector<16xf32>, vector<16xf32>, vector<16xf32>, vector<16xf32>, vector<16xf32>, vector<16xf32>, vector<16xf32>, vector<16xf32>)  : i32 {
      %mul3A_1324 = arith.constant 160 : i32
      %mul3A_1325 = arith.muli %scan3A_1313, %mul3A_1324 : i32
      %add3A_1326 = arith.constant 0 : i32
      %add3A_1327 = arith.addi %mul3A_1325, %add3A_1326 : i32
      %get3A = arith.index_cast %add3A_1327 : i32 to index
      %get3A_1328 = tpu.vector_load %arg4[%get3A] {strides = array<i32>} : memref<100000xf32, #tpu.memory_space<vmem>>, vector<16xf32>,
      %get3A_1329 = vector.shape_cast %get3A_1328 : vector<16xf32> to vector<16xf32>
      %max3A_1330 = arith.maximumf %scan3A_1314, %get3A_1329 : vector<16xf32>
      %add3A_1331 = arith.constant 16 : i32
      %add3A_1332 = arith.addi %mul3A_1325, %add3A_1331 : i32
      %get3A_1333 = arith.index_cast %add3A_1332 : i32 to index
      %get3A_1334 = tpu.vector_load %arg4[%get3A_1333] {strides = array<i32>} : memref<100000xf32, #tpu.memory_space<vmem>>, vector<16xf32>,
      %get3A_1335 = vector.shape_cast %get3A_1334 : vector<16xf32> to vector<16xf32>
      %max3A_1336 = arith.maximumf %scan3A_1315, %get3A_1335 : vector<16xf32>
      %add3A_1337 = arith.constant 32 : i32
      %add3A_1338 = arith.addi %mul3A_1325, %add3A_1337 : i32
      %get3A_1339 = arith.index_cast %add3A_1338 : i32 to index
      %get3A_1340 = tpu.vector_load %arg4[%get3A_1339] {strides = array<i32>} : memref<100000xf32, #tpu.memory_space<vmem>>, vector<16xf32>,
      %get3A_1341 = vector.shape_cast %get3A_1340 : vector<16xf32> to vector<16xf32>
      %max3A_1342 = arith.maximumf %scan3A_1316, %get3A_1341 : vector<16xf32>
      %add3A_1343 = arith.constant 48 : i32
      %add3A_1344 = arith.addi %mul3A_1325, %add3A_1343 : i32
      %get3A_1345 = arith.index_cast %add3A_1344 : i32 to index
      %get3A_1346 = tpu.vector_load %arg4[%get3A_1345] {strides = array<i32>} : memref<100000xf32, #tpu.memory_space<vmem>>, vector<16xf32>,
      %get3A_1347 = vector.shape_cast %get3A_1346 : vector<16xf32> to vector<16xf32>
      %max3A_1348 = arith.maximumf %scan3A_1317, %get3A_1347 : vector<16xf32>
      %add3A_1349 = arith.constant 64 : i32
      %add3A_1350 = arith.addi %mul3A_1325, %add3A_1349 : i32
      %get3A_1351 = arith.index_cast %add3A_1350 : i32 to index
      %get3A_1352 = tpu.vector_load %arg4[%get3A_1351] {strides = array<i32>} : memref<100000xf32, #tpu.memory_space<vmem>>, vector<16xf32>,
      %get3A_1353 = vector.shape_cast %get3A_1352 : vector<16xf32> to vector<16xf32>
      %max3A_1354 = arith.maximumf %scan3A_1318, %get3A_1353 : vector<16xf32>
      %add3A_1355 = arith.constant 80 : i32
      %add3A_1356 = arith.addi %mul3A_1325, %add3A_1355 : i32
      %get3A_1357 = arith.index_cast %add3A_1356 : i32 to index
      %get3A_1358 = tpu.vector_load %arg4[%get3A_1357] {strides = array<i32>} : memref<100000xf32, #tpu.memory_space<vmem>>, vector<16xf32>,
      %get3A_1359 = vector.shape_cast %get3A_1358 : vector<16xf32> to vector<16xf32>
      %max3A_1360 = arith.maximumf %scan3A_1319, %get3A_1359 : vector<16xf32>
      %add3A_1361 = arith.constant 96 : i32
      %add3A_1362 = arith.addi %mul3A_1325, %add3A_1361 : i32
      %get3A_1363 = arith.index_cast %add3A_1362 : i32 to index
      %get3A_1364 = tpu.vector_load %arg4[%get3A_1363] {strides = array<i32>} : memref<100000xf32, #tpu.memory_space<vmem>>, vector<16xf32>,
      %get3A_1365 = vector.shape_cast %get3A_1364 : vector<16xf32> to vector<16xf32>
      %max3A_1366 = arith.maximumf %scan3A_1320, %get3A_1365 : vector<16xf32>
      %add3A_1367 = arith.constant 112 : i32
      %add3A_1368 = arith.addi %mul3A_1325, %add3A_1367 : i32
      %get3A_1369 = arith.index_cast %add3A_1368 : i32 to index
      %get3A_1370 = tpu.vector_load %arg4[%get3A_1369] {strides = array<i32>} : memref<100000xf32, #tpu.memory_space<vmem>>, vector<16xf32>,
      %get3A_1371 = vector.shape_cast %get3A_1370 : vector<16xf32> to vector<16xf32>
      %max3A_1372 = arith.maximumf %scan3A_1321, %get3A_1371 : vector<16xf32>
      %add3A_1373 = arith.constant 128 : i32
      %add3A_1374 = arith.addi %mul3A_1325, %add3A_1373 : i32
      %get3A_1375 = arith.index_cast %add3A_1374 : i32 to index
      %get3A_1376 = tpu.vector_load %arg4[%get3A_1375] {strides = array<i32>} : memref<100000xf32, #tpu.memory_space<vmem>>, vector<16xf32>,
      %get3A_1377 = vector.shape_cast %get3A_1376 : vector<16xf32> to vector<16xf32>
      %max3A_1378 = arith.maximumf %scan3A_1322, %get3A_1377 : vector<16xf32>
      %add3A_1379 = arith.constant 144 : i32
      %add3A_1380 = arith.addi %mul3A_1325, %add3A_1379 : i32
      %get3A_1381 = arith.index_cast %add3A_1380 : i32 to index
      %get3A_1382 = tpu.vector_load %arg4[%get3A_1381] {strides = array<i32>} : memref<100000xf32, #tpu.memory_space<vmem>>, vector<16xf32>,
      %get3A_1383 = vector.shape_cast %get3A_1382 : vector<16xf32> to vector<16xf32>
      %max3A_1384 = arith.maximumf %scan3A_1323, %get3A_1383 : vector<16xf32>
      scf.yield %max3A_1330, %max3A_1336, %max3A_1342, %max3A_1348, %max3A_1354, %max3A_1360, %max3A_1366, %max3A_1372, %max3A_1378, %max3A_1384 : vector<16xf32>, vector<16xf32>, vector<16xf32>, vector<16xf32>, vector<16xf32>, vector<16xf32>, vector<16xf32>, vector<16xf32>, vector<16xf32>, vector<16xf32>
    }
    %scan3A_349 = arith.constant 625 : i32
    %max3A_350 = arith.maximumf %scan3A_348#0, %scan3A_348#1 : vector<16xf32>
    %max3A_351 = arith.maximumf %max3A_350, %scan3A_348#2 : vector<16xf32>
    %max3A_352 = arith.maximumf %max3A_351, %scan3A_348#3 : vector<16xf32>
    %max3A_353 = arith.maximumf %max3A_352, %scan3A_348#4 : vector<16xf32>
    %max3A_354 = arith.maximumf %max3A_353, %scan3A_348#5 : vector<16xf32>
    %max3A_355 = arith.maximumf %max3A_354, %scan3A_348#6 : vector<16xf32>
    %max3A_356 = arith.maximumf %max3A_355, %scan3A_348#7 : vector<16xf32>
    %max3A_357 = arith.maximumf %max3A_356, %scan3A_348#8 : vector<16xf32>
    %max3A_358 = arith.maximumf %max3A_357, %scan3A_348#9 : vector<16xf32>
    %iota3A_359 = tpu.iota {dimensions = array<i32: 0>} : vector<16xi32>
    %xor3A_360 = arith.constant 8 : i32
    %xor3A_361 = vector.broadcast %xor3A_360 : i32 to vector<16xi32>
    %xor3A_362 = arith.xori %iota3A_359, %xor3A_361 : vector<16xi32>
    %broadcast_in_dim3A_363 = vector.shape_cast %xor3A_362 : vector<16xi32> to vector<16x1xi32>
    %gather3A_364 = vector.shape_cast %broadcast_in_dim3A_363 : vector<16x1xi32> to vector<16xi32>
    %gather3A_365 = tpu.dynamic_gather %max3A_358[%gather3A_364] in [0] : vector<16xf32>, vector<16xi32> -> vector<16xf32>
    %max3A_366 = arith.maximumf %max3A_358, %gather3A_365 : vector<16xf32>
    %xor3A_367 = arith.constant 4 : i32
    %xor3A_368 = vector.broadcast %xor3A_367 : i32 to vector<16xi32>
    %xor3A_369 = arith.xori %iota3A_359, %xor3A_368 : vector<16xi32>
    %broadcast_in_dim3A_370 = vector.shape_cast %xor3A_369 : vector<16xi32> to vector<16x1xi32>
    %gather3A_371 = vector.shape_cast %broadcast_in_dim3A_370 : vector<16x1xi32> to vector<16xi32>
    %gather3A_372 = tpu.dynamic_gather %max3A_366[%gather3A_371] in [0] : vector<16xf32>, vector<16xi32> -> vector<16xf32>
    %max3A_373 = arith.maximumf %max3A_366, %gather3A_372 : vector<16xf32>
    %xor3A_374 = arith.constant 2 : i32
    %xor3A_375 = vector.broadcast %xor3A_374 : i32 to vector<16xi32>
    %xor3A_376 = arith.xori %iota3A_359, %xor3A_375 : vector<16xi32>
    %broadcast_in_dim3A_377 = vector.shape_cast %xor3A_376 : vector<16xi32> to vector<16x1xi32>
    %gather3A_378 = vector.shape_cast %broadcast_in_dim3A_377 : vector<16x1xi32> to vector<16xi32>
    %gather3A_379 = tpu.dynamic_gather %max3A_373[%gather3A_378] in [0] : vector<16xf32>, vector<16xi32> -> vector<16xf32>
    %max3A_380 = arith.maximumf %max3A_373, %gather3A_379 : vector<16xf32>
    %xor3A_381 = arith.constant 1 : i32
    %xor3A_382 = vector.broadcast %xor3A_381 : i32 to vector<16xi32>
    %xor3A_383 = arith.xori %iota3A_359, %xor3A_382 : vector<16xi32>
    %broadcast_in_dim3A_384 = vector.shape_cast %xor3A_383 : vector<16xi32> to vector<16x1xi32>
    %gather3A_385 = vector.shape_cast %broadcast_in_dim3A_384 : vector<16x1xi32> to vector<16xi32>
    %gather3A_386 = tpu.dynamic_gather %max3A_380[%gather3A_385] in [0] : vector<16xf32>, vector<16xi32> -> vector<16xf32>
    %max3A_387 = arith.maximumf %max3A_380, %gather3A_386 : vector<16xf32>
    %broadcast_in_dim3A_388 = arith.constant 0.000000e+00 : f32
    %broadcast_in_dim3A_389 = vector.broadcast %broadcast_in_dim3A_388 : f32 to vector<16xf32>
    %broadcast_in_dim3A_390 = arith.constant 0.000000e+00 : f32
    %broadcast_in_dim3A_391 = vector.broadcast %broadcast_in_dim3A_390 : f32 to vector<16xf32>
    %broadcast_in_dim3A_392 = arith.constant 0.000000e+00 : f32
    %broadcast_in_dim3A_393 = vector.broadcast %broadcast_in_dim3A_392 : f32 to vector<16xf32>
    %broadcast_in_dim3A_394 = arith.constant 0.000000e+00 : f32
    %broadcast_in_dim3A_395 = vector.broadcast %broadcast_in_dim3A_394 : f32 to vector<16xf32>
    %broadcast_in_dim3A_396 = arith.constant 0.000000e+00 : f32
    %broadcast_in_dim3A_397 = vector.broadcast %broadcast_in_dim3A_396 : f32 to vector<16xf32>
    %broadcast_in_dim3A_398 = arith.constant 0.000000e+00 : f32
    %broadcast_in_dim3A_399 = vector.broadcast %broadcast_in_dim3A_398 : f32 to vector<16xf32>
    %broadcast_in_dim3A_400 = arith.constant 0.000000e+00 : f32
    %broadcast_in_dim3A_401 = vector.broadcast %broadcast_in_dim3A_400 : f32 to vector<16xf32>
    %broadcast_in_dim3A_402 = arith.constant 0.000000e+00 : f32
    %broadcast_in_dim3A_403 = vector.broadcast %broadcast_in_dim3A_402 : f32 to vector<16xf32>
    %broadcast_in_dim3A_404 = arith.constant 0.000000e+00 : f32
    %broadcast_in_dim3A_405 = vector.broadcast %broadcast_in_dim3A_404 : f32 to vector<16xf32>
    %broadcast_in_dim3A_406 = arith.constant 0.000000e+00 : f32
    %broadcast_in_dim3A_407 = vector.broadcast %broadcast_in_dim3A_406 : f32 to vector<16xf32>
    %scan3A_408 = arith.constant 0 : i32
    %scan3A_409 = arith.constant 625 : i32
    %scan3A_410 = arith.addi %scan3A_408, %scan3A_409 : i32
    %scan3A_411 = arith.constant 1 : i32
    %scan3A_412:10 = scf.for %scan3A_1313 = %scan3A_408 to %scan3A_410 step %scan3A_411 iter_args(%scan3A_1314 = %broadcast_in_dim3A_389, %scan3A_1315 = %broadcast_in_dim3A_391, %scan3A_1316 = %broadcast_in_dim3A_393, %scan3A_1317 = %broadcast_in_dim3A_395, %scan3A_1318 = %broadcast_in_dim3A_397, %scan3A_1319 = %broadcast_in_dim3A_399, %scan3A_1320 = %broadcast_in_dim3A_401, %scan3A_1321 = %broadcast_in_dim3A_403, %scan3A_1322 = %broadcast_in_dim3A_405, %scan3A_1323 = %broadcast_in_dim3A_407) -> (vector<16xf32>, vector<16xf32>, vector<16xf32>, vector<16xf32>, vector<16xf32>, vector<16xf32>, vector<16xf32>, vector<16xf32>, vector<16xf32>, vector<16xf32>)  : i32 {
      %mul3A_1324 = arith.constant 160 : i32
      %mul3A_1325 = arith.muli %scan3A_1313, %mul3A_1324 : i32
      %add3A_1326 = arith.constant 0 : i32
      %add3A_1327 = arith.addi %mul3A_1325, %add3A_1326 : i32
      %get3A = arith.index_cast %add3A_1327 : i32 to index
      %get3A_1328 = tpu.vector_load %arg4[%get3A] {strides = array<i32>} : memref<100000xf32, #tpu.memory_space<vmem>>, vector<16xf32>,
      %get3A_1329 = vector.shape_cast %get3A_1328 : vector<16xf32> to vector<16xf32>
      %sub3A_1330 = arith.subf %get3A_1329, %max3A_387 : vector<16xf32>
      %exp3A_1331 = math.exp %sub3A_1330 : vector<16xf32>
      %add3A_1332 = arith.addf %scan3A_1314, %exp3A_1331 : vector<16xf32>
      %add3A_1333 = arith.constant 16 : i32
      %add3A_1334 = arith.addi %mul3A_1325, %add3A_1333 : i32
      %get3A_1335 = arith.index_cast %add3A_1334 : i32 to index
      %get3A_1336 = tpu.vector_load %arg4[%get3A_1335] {strides = array<i32>} : memref<100000xf32, #tpu.memory_space<vmem>>, vector<16xf32>,
      %get3A_1337 = vector.shape_cast %get3A_1336 : vector<16xf32> to vector<16xf32>
      %sub3A_1338 = arith.subf %get3A_1337, %max3A_387 : vector<16xf32>
      %exp3A_1339 = math.exp %sub3A_1338 : vector<16xf32>
      %add3A_1340 = arith.addf %scan3A_1315, %exp3A_1339 : vector<16xf32>
      %add3A_1341 = arith.constant 32 : i32
      %add3A_1342 = arith.addi %mul3A_1325, %add3A_1341 : i32
      %get3A_1343 = arith.index_cast %add3A_1342 : i32 to index
      %get3A_1344 = tpu.vector_load %arg4[%get3A_1343] {strides = array<i32>} : memref<100000xf32, #tpu.memory_space<vmem>>, vector<16xf32>,
      %get3A_1345 = vector.shape_cast %get3A_1344 : vector<16xf32> to vector<16xf32>
      %sub3A_1346 = arith.subf %get3A_1345, %max3A_387 : vector<16xf32>
      %exp3A_1347 = math.exp %sub3A_1346 : vector<16xf32>
      %add3A_1348 = arith.addf %scan3A_1316, %exp3A_1347 : vector<16xf32>
      %add3A_1349 = arith.constant 48 : i32
      %add3A_1350 = arith.addi %mul3A_1325, %add3A_1349 : i32
      %get3A_1351 = arith.index_cast %add3A_1350 : i32 to index
      %get3A_1352 = tpu.vector_load %arg4[%get3A_1351] {strides = array<i32>} : memref<100000xf32, #tpu.memory_space<vmem>>, vector<16xf32>,
      %get3A_1353 = vector.shape_cast %get3A_1352 : vector<16xf32> to vector<16xf32>
      %sub3A_1354 = arith.subf %get3A_1353, %max3A_387 : vector<16xf32>
      %exp3A_1355 = math.exp %sub3A_1354 : vector<16xf32>
      %add3A_1356 = arith.addf %scan3A_1317, %exp3A_1355 : vector<16xf32>
      %add3A_1357 = arith.constant 64 : i32
      %add3A_1358 = arith.addi %mul3A_1325, %add3A_1357 : i32
      %get3A_1359 = arith.index_cast %add3A_1358 : i32 to index
      %get3A_1360 = tpu.vector_load %arg4[%get3A_1359] {strides = array<i32>} : memref<100000xf32, #tpu.memory_space<vmem>>, vector<16xf32>,
      %get3A_1361 = vector.shape_cast %get3A_1360 : vector<16xf32> to vector<16xf32>
      %sub3A_1362 = arith.subf %get3A_1361, %max3A_387 : vector<16xf32>
      %exp3A_1363 = math.exp %sub3A_1362 : vector<16xf32>
      %add3A_1364 = arith.addf %scan3A_1318, %exp3A_1363 : vector<16xf32>
      %add3A_1365 = arith.constant 80 : i32
      %add3A_1366 = arith.addi %mul3A_1325, %add3A_1365 : i32
      %get3A_1367 = arith.index_cast %add3A_1366 : i32 to index
      %get3A_1368 = tpu.vector_load %arg4[%get3A_1367] {strides = array<i32>} : memref<100000xf32, #tpu.memory_space<vmem>>, vector<16xf32>,
      %get3A_1369 = vector.shape_cast %get3A_1368 : vector<16xf32> to vector<16xf32>
      %sub3A_1370 = arith.subf %get3A_1369, %max3A_387 : vector<16xf32>
      %exp3A_1371 = math.exp %sub3A_1370 : vector<16xf32>
      %add3A_1372 = arith.addf %scan3A_1319, %exp3A_1371 : vector<16xf32>
      %add3A_1373 = arith.constant 96 : i32
      %add3A_1374 = arith.addi %mul3A_1325, %add3A_1373 : i32
      %get3A_1375 = arith.index_cast %add3A_1374 : i32 to index
      %get3A_1376 = tpu.vector_load %arg4[%get3A_1375] {strides = array<i32>} : memref<100000xf32, #tpu.memory_space<vmem>>, vector<16xf32>,
      %get3A_1377 = vector.shape_cast %get3A_1376 : vector<16xf32> to vector<16xf32>
      %sub3A_1378 = arith.subf %get3A_1377, %max3A_387 : vector<16xf32>
      %exp3A_1379 = math.exp %sub3A_1378 : vector<16xf32>
      %add3A_1380 = arith.addf %scan3A_1320, %exp3A_1379 : vector<16xf32>
      %add3A_1381 = arith.constant 112 : i32
      %add3A_1382 = arith.addi %mul3A_1325, %add3A_1381 : i32
      %get3A_1383 = arith.index_cast %add3A_1382 : i32 to index
      %get3A_1384 = tpu.vector_load %arg4[%get3A_1383] {strides = array<i32>} : memref<100000xf32, #tpu.memory_space<vmem>>, vector<16xf32>,
      %get3A_1385 = vector.shape_cast %get3A_1384 : vector<16xf32> to vector<16xf32>
      %sub3A_1386 = arith.subf %get3A_1385, %max3A_387 : vector<16xf32>
      %exp3A_1387 = math.exp %sub3A_1386 : vector<16xf32>
      %add3A_1388 = arith.addf %scan3A_1321, %exp3A_1387 : vector<16xf32>
      %add3A_1389 = arith.constant 128 : i32
      %add3A_1390 = arith.addi %mul3A_1325, %add3A_1389 : i32
      %get3A_1391 = arith.index_cast %add3A_1390 : i32 to index
      %get3A_1392 = tpu.vector_load %arg4[%get3A_1391] {strides = array<i32>} : memref<100000xf32, #tpu.memory_space<vmem>>, vector<16xf32>,
      %get3A_1393 = vector.shape_cast %get3A_1392 : vector<16xf32> to vector<16xf32>
      %sub3A_1394 = arith.subf %get3A_1393, %max3A_387 : vector<16xf32>
      %exp3A_1395 = math.exp %sub3A_1394 : vector<16xf32>
      %add3A_1396 = arith.addf %scan3A_1322, %exp3A_1395 : vector<16xf32>
      %add3A_1397 = arith.constant 144 : i32
      %add3A_1398 = arith.addi %mul3A_1325, %add3A_1397 : i32
      %get3A_1399 = arith.index_cast %add3A_1398 : i32 to index
      %get3A_1400 = tpu.vector_load %arg4[%get3A_1399] {strides = array<i32>} : memref<100000xf32, #tpu.memory_space<vmem>>, vector<16xf32>,
      %get3A_1401 = vector.shape_cast %get3A_1400 : vector<16xf32> to vector<16xf32>
      %sub3A_1402 = arith.subf %get3A_1401, %max3A_387 : vector<16xf32>
      %exp3A_1403 = math.exp %sub3A_1402 : vector<16xf32>
      %add3A_1404 = arith.addf %scan3A_1323, %exp3A_1403 : vector<16xf32>
      scf.yield %add3A_1332, %add3A_1340, %add3A_1348, %add3A_1356, %add3A_1364, %add3A_1372, %add3A_1380, %add3A_1388, %add3A_1396, %add3A_1404 : vector<16xf32>, vector<16xf32>, vector<16xf32>, vector<16xf32>, vector<16xf32>, vector<16xf32>, vector<16xf32>, vector<16xf32>, vector<16xf32>, vector<16xf32>
    }
    %scan3A_413 = arith.constant 625 : i32
    %add3A_414 = arith.addf %scan3A_412#0, %scan3A_412#1 : vector<16xf32>
    %add3A_415 = arith.addf %add3A_414, %scan3A_412#2 : vector<16xf32>
    %add3A_416 = arith.addf %add3A_415, %scan3A_412#3 : vector<16xf32>
    %add3A_417 = arith.addf %add3A_416, %scan3A_412#4 : vector<16xf32>
    %add3A_418 = arith.addf %add3A_417, %scan3A_412#5 : vector<16xf32>
    %add3A_419 = arith.addf %add3A_418, %scan3A_412#6 : vector<16xf32>
    %add3A_420 = arith.addf %add3A_419, %scan3A_412#7 : vector<16xf32>
    %add3A_421 = arith.addf %add3A_420, %scan3A_412#8 : vector<16xf32>
    %add3A_422 = arith.addf %add3A_421, %scan3A_412#9 : vector<16xf32>
    %iota3A_423 = tpu.iota {dimensions = array<i32: 0>} : vector<16xi32>
    %xor3A_424 = arith.constant 8 : i32
    %xor3A_425 = vector.broadcast %xor3A_424 : i32 to vector<16xi32>
    %xor3A_426 = arith.xori %iota3A_423, %xor3A_425 : vector<16xi32>
    %broadcast_in_dim3A_427 = vector.shape_cast %xor3A_426 : vector<16xi32> to vector<16x1xi32>
    %gather3A_428 = vector.shape_cast %broadcast_in_dim3A_427 : vector<16x1xi32> to vector<16xi32>
    %gather3A_429 = tpu.dynamic_gather %add3A_422[%gather3A_428] in [0] : vector<16xf32>, vector<16xi32> -> vector<16xf32>
    %add3A_430 = arith.addf %add3A_422, %gather3A_429 : vector<16xf32>
    %xor3A_431 = arith.constant 4 : i32
    %xor3A_432 = vector.broadcast %xor3A_431 : i32 to vector<16xi32>
    %xor3A_433 = arith.xori %iota3A_423, %xor3A_432 : vector<16xi32>
    %broadcast_in_dim3A_434 = vector.shape_cast %xor3A_433 : vector<16xi32> to vector<16x1xi32>
    %gather3A_435 = vector.shape_cast %broadcast_in_dim3A_434 : vector<16x1xi32> to vector<16xi32>
    %gather3A_436 = tpu.dynamic_gather %add3A_430[%gather3A_435] in [0] : vector<16xf32>, vector<16xi32> -> vector<16xf32>
    %add3A_437 = arith.addf %add3A_430, %gather3A_436 : vector<16xf32>
    %xor3A_438 = arith.constant 2 : i32
    %xor3A_439 = vector.broadcast %xor3A_438 : i32 to vector<16xi32>
    %xor3A_440 = arith.xori %iota3A_423, %xor3A_439 : vector<16xi32>
    %broadcast_in_dim3A_441 = vector.shape_cast %xor3A_440 : vector<16xi32> to vector<16x1xi32>
    %gather3A_442 = vector.shape_cast %broadcast_in_dim3A_441 : vector<16x1xi32> to vector<16xi32>
    %gather3A_443 = tpu.dynamic_gather %add3A_437[%gather3A_442] in [0] : vector<16xf32>, vector<16xi32> -> vector<16xf32>
    %add3A_444 = arith.addf %add3A_437, %gather3A_443 : vector<16xf32>
    %xor3A_445 = arith.constant 1 : i32
    %xor3A_446 = vector.broadcast %xor3A_445 : i32 to vector<16xi32>
    %xor3A_447 = arith.xori %iota3A_423, %xor3A_446 : vector<16xi32>
    %broadcast_in_dim3A_448 = vector.shape_cast %xor3A_447 : vector<16xi32> to vector<16x1xi32>
    %gather3A_449 = vector.shape_cast %broadcast_in_dim3A_448 : vector<16x1xi32> to vector<16xi32>
    %gather3A_450 = tpu.dynamic_gather %add3A_444[%gather3A_449] in [0] : vector<16xf32>, vector<16xi32> -> vector<16xf32>
    %add3A_451 = arith.addf %add3A_444, %gather3A_450 : vector<16xf32>
    %broadcast_in_dim3A_452 = arith.constant 0.000000e+00 : f32
    %broadcast_in_dim3A_453 = vector.broadcast %broadcast_in_dim3A_452 : f32 to vector<16xf32>
    %ge3A_454 = arith.constant 2.000000e+00 : f32
    %ge3A_455 = vector.broadcast %ge3A_454 : f32 to vector<16xf32>
    %ge3A_456 = arith.cmpf oge, %add3A_451, %ge3A_455 : vector<16xf32>
    %jit3A_457 = arith.constant 0.693147182 : f32
    %jit3A_458 = arith.constant 0.000000e+00 : f32
    %broadcast_in_dim3A_459 = vector.broadcast %jit3A_457 : f32 to vector<16xf32>
    %broadcast_in_dim3A_460 = vector.broadcast %jit3A_458 : f32 to vector<16xf32>
    %select_n3A_461 = arith.select %ge3A_456, %broadcast_in_dim3A_459, %broadcast_in_dim3A_460 : vector<16xi1>, vector<16xf32>
    %add3A_462 = arith.addf %broadcast_in_dim3A_453, %select_n3A_461 : vector<16xf32>
    %ge3A_463 = arith.constant 4.000000e+00 : f32
    %ge3A_464 = vector.broadcast %ge3A_463 : f32 to vector<16xf32>
    %ge3A_465 = arith.cmpf oge, %add3A_451, %ge3A_464 : vector<16xf32>
    %jit3A_466 = arith.constant 0.693147182 : f32
    %jit3A_467 = arith.constant 0.000000e+00 : f32
    %broadcast_in_dim3A_468 = vector.broadcast %jit3A_466 : f32 to vector<16xf32>
    %broadcast_in_dim3A_469 = vector.broadcast %jit3A_467 : f32 to vector<16xf32>
    %select_n3A_470 = arith.select %ge3A_465, %broadcast_in_dim3A_468, %broadcast_in_dim3A_469 : vector<16xi1>, vector<16xf32>
    %add3A_471 = arith.addf %add3A_462, %select_n3A_470 : vector<16xf32>
    %ge3A_472 = arith.constant 8.000000e+00 : f32
    %ge3A_473 = vector.broadcast %ge3A_472 : f32 to vector<16xf32>
    %ge3A_474 = arith.cmpf oge, %add3A_451, %ge3A_473 : vector<16xf32>
    %jit3A_475 = arith.constant 0.693147182 : f32
    %jit3A_476 = arith.constant 0.000000e+00 : f32
    %broadcast_in_dim3A_477 = vector.broadcast %jit3A_475 : f32 to vector<16xf32>
    %broadcast_in_dim3A_478 = vector.broadcast %jit3A_476 : f32 to vector<16xf32>
    %select_n3A_479 = arith.select %ge3A_474, %broadcast_in_dim3A_477, %broadcast_in_dim3A_478 : vector<16xi1>, vector<16xf32>
    %add3A_480 = arith.addf %add3A_471, %select_n3A_479 : vector<16xf32>
    %ge3A_481 = arith.constant 1.600000e+01 : f32
    %ge3A_482 = vector.broadcast %ge3A_481 : f32 to vector<16xf32>
    %ge3A_483 = arith.cmpf oge, %add3A_451, %ge3A_482 : vector<16xf32>
    %jit3A_484 = arith.constant 0.693147182 : f32
    %jit3A_485 = arith.constant 0.000000e+00 : f32
    %broadcast_in_dim3A_486 = vector.broadcast %jit3A_484 : f32 to vector<16xf32>
    %broadcast_in_dim3A_487 = vector.broadcast %jit3A_485 : f32 to vector<16xf32>
    %select_n3A_488 = arith.select %ge3A_483, %broadcast_in_dim3A_486, %broadcast_in_dim3A_487 : vector<16xi1>, vector<16xf32>
    %add3A_489 = arith.addf %add3A_480, %select_n3A_488 : vector<16xf32>
    %ge3A_490 = arith.constant 3.200000e+01 : f32
    %ge3A_491 = vector.broadcast %ge3A_490 : f32 to vector<16xf32>
    %ge3A_492 = arith.cmpf oge, %add3A_451, %ge3A_491 : vector<16xf32>
    %jit3A_493 = arith.constant 0.693147182 : f32
    %jit3A_494 = arith.constant 0.000000e+00 : f32
    %broadcast_in_dim3A_495 = vector.broadcast %jit3A_493 : f32 to vector<16xf32>
    %broadcast_in_dim3A_496 = vector.broadcast %jit3A_494 : f32 to vector<16xf32>
    %select_n3A_497 = arith.select %ge3A_492, %broadcast_in_dim3A_495, %broadcast_in_dim3A_496 : vector<16xi1>, vector<16xf32>
    %add3A_498 = arith.addf %add3A_489, %select_n3A_497 : vector<16xf32>
    %ge3A_499 = arith.constant 6.400000e+01 : f32
    %ge3A_500 = vector.broadcast %ge3A_499 : f32 to vector<16xf32>
    %ge3A_501 = arith.cmpf oge, %add3A_451, %ge3A_500 : vector<16xf32>
    %jit3A_502 = arith.constant 0.693147182 : f32
    %jit3A_503 = arith.constant 0.000000e+00 : f32
    %broadcast_in_dim3A_504 = vector.broadcast %jit3A_502 : f32 to vector<16xf32>
    %broadcast_in_dim3A_505 = vector.broadcast %jit3A_503 : f32 to vector<16xf32>
    %select_n3A_506 = arith.select %ge3A_501, %broadcast_in_dim3A_504, %broadcast_in_dim3A_505 : vector<16xi1>, vector<16xf32>
    %add3A_507 = arith.addf %add3A_498, %select_n3A_506 : vector<16xf32>
    %ge3A_508 = arith.constant 1.280000e+02 : f32
    %ge3A_509 = vector.broadcast %ge3A_508 : f32 to vector<16xf32>
    %ge3A_510 = arith.cmpf oge, %add3A_451, %ge3A_509 : vector<16xf32>
    %jit3A_511 = arith.constant 0.693147182 : f32
    %jit3A_512 = arith.constant 0.000000e+00 : f32
    %broadcast_in_dim3A_513 = vector.broadcast %jit3A_511 : f32 to vector<16xf32>
    %broadcast_in_dim3A_514 = vector.broadcast %jit3A_512 : f32 to vector<16xf32>
    %select_n3A_515 = arith.select %ge3A_510, %broadcast_in_dim3A_513, %broadcast_in_dim3A_514 : vector<16xi1>, vector<16xf32>
    %add3A_516 = arith.addf %add3A_507, %select_n3A_515 : vector<16xf32>
    %ge3A_517 = arith.constant 2.560000e+02 : f32
    %ge3A_518 = vector.broadcast %ge3A_517 : f32 to vector<16xf32>
    %ge3A_519 = arith.cmpf oge, %add3A_451, %ge3A_518 : vector<16xf32>
    %jit3A_520 = arith.constant 0.693147182 : f32
    %jit3A_521 = arith.constant 0.000000e+00 : f32
    %broadcast_in_dim3A_522 = vector.broadcast %jit3A_520 : f32 to vector<16xf32>
    %broadcast_in_dim3A_523 = vector.broadcast %jit3A_521 : f32 to vector<16xf32>
    %select_n3A_524 = arith.select %ge3A_519, %broadcast_in_dim3A_522, %broadcast_in_dim3A_523 : vector<16xi1>, vector<16xf32>
    %add3A_525 = arith.addf %add3A_516, %select_n3A_524 : vector<16xf32>
    %ge3A_526 = arith.constant 5.120000e+02 : f32
    %ge3A_527 = vector.broadcast %ge3A_526 : f32 to vector<16xf32>
    %ge3A_528 = arith.cmpf oge, %add3A_451, %ge3A_527 : vector<16xf32>
    %jit3A_529 = arith.constant 0.693147182 : f32
    %jit3A_530 = arith.constant 0.000000e+00 : f32
    %broadcast_in_dim3A_531 = vector.broadcast %jit3A_529 : f32 to vector<16xf32>
    %broadcast_in_dim3A_532 = vector.broadcast %jit3A_530 : f32 to vector<16xf32>
    %select_n3A_533 = arith.select %ge3A_528, %broadcast_in_dim3A_531, %broadcast_in_dim3A_532 : vector<16xi1>, vector<16xf32>
    %add3A_534 = arith.addf %add3A_525, %select_n3A_533 : vector<16xf32>
    %ge3A_535 = arith.constant 1.024000e+03 : f32
    %ge3A_536 = vector.broadcast %ge3A_535 : f32 to vector<16xf32>
    %ge3A_537 = arith.cmpf oge, %add3A_451, %ge3A_536 : vector<16xf32>
    %jit3A_538 = arith.constant 0.693147182 : f32
    %jit3A_539 = arith.constant 0.000000e+00 : f32
    %broadcast_in_dim3A_540 = vector.broadcast %jit3A_538 : f32 to vector<16xf32>
    %broadcast_in_dim3A_541 = vector.broadcast %jit3A_539 : f32 to vector<16xf32>
    %select_n3A_542 = arith.select %ge3A_537, %broadcast_in_dim3A_540, %broadcast_in_dim3A_541 : vector<16xi1>, vector<16xf32>
    %add3A_543 = arith.addf %add3A_534, %select_n3A_542 : vector<16xf32>
    %ge3A_544 = arith.constant 2.048000e+03 : f32
    %ge3A_545 = vector.broadcast %ge3A_544 : f32 to vector<16xf32>
    %ge3A_546 = arith.cmpf oge, %add3A_451, %ge3A_545 : vector<16xf32>
    %jit3A_547 = arith.constant 0.693147182 : f32
    %jit3A_548 = arith.constant 0.000000e+00 : f32
    %broadcast_in_dim3A_549 = vector.broadcast %jit3A_547 : f32 to vector<16xf32>
    %broadcast_in_dim3A_550 = vector.broadcast %jit3A_548 : f32 to vector<16xf32>
    %select_n3A_551 = arith.select %ge3A_546, %broadcast_in_dim3A_549, %broadcast_in_dim3A_550 : vector<16xi1>, vector<16xf32>
    %add3A_552 = arith.addf %add3A_543, %select_n3A_551 : vector<16xf32>
    %ge3A_553 = arith.constant 4.096000e+03 : f32
    %ge3A_554 = vector.broadcast %ge3A_553 : f32 to vector<16xf32>
    %ge3A_555 = arith.cmpf oge, %add3A_451, %ge3A_554 : vector<16xf32>
    %jit3A_556 = arith.constant 0.693147182 : f32
    %jit3A_557 = arith.constant 0.000000e+00 : f32
    %broadcast_in_dim3A_558 = vector.broadcast %jit3A_556 : f32 to vector<16xf32>
    %broadcast_in_dim3A_559 = vector.broadcast %jit3A_557 : f32 to vector<16xf32>
    %select_n3A_560 = arith.select %ge3A_555, %broadcast_in_dim3A_558, %broadcast_in_dim3A_559 : vector<16xi1>, vector<16xf32>
    %add3A_561 = arith.addf %add3A_552, %select_n3A_560 : vector<16xf32>
    %ge3A_562 = arith.constant 8.192000e+03 : f32
    %ge3A_563 = vector.broadcast %ge3A_562 : f32 to vector<16xf32>
    %ge3A_564 = arith.cmpf oge, %add3A_451, %ge3A_563 : vector<16xf32>
    %jit3A_565 = arith.constant 0.693147182 : f32
    %jit3A_566 = arith.constant 0.000000e+00 : f32
    %broadcast_in_dim3A_567 = vector.broadcast %jit3A_565 : f32 to vector<16xf32>
    %broadcast_in_dim3A_568 = vector.broadcast %jit3A_566 : f32 to vector<16xf32>
    %select_n3A_569 = arith.select %ge3A_564, %broadcast_in_dim3A_567, %broadcast_in_dim3A_568 : vector<16xi1>, vector<16xf32>
    %add3A_570 = arith.addf %add3A_561, %select_n3A_569 : vector<16xf32>
    %ge3A_571 = arith.constant 1.638400e+04 : f32
    %ge3A_572 = vector.broadcast %ge3A_571 : f32 to vector<16xf32>
    %ge3A_573 = arith.cmpf oge, %add3A_451, %ge3A_572 : vector<16xf32>
    %jit3A_574 = arith.constant 0.693147182 : f32
    %jit3A_575 = arith.constant 0.000000e+00 : f32
    %broadcast_in_dim3A_576 = vector.broadcast %jit3A_574 : f32 to vector<16xf32>
    %broadcast_in_dim3A_577 = vector.broadcast %jit3A_575 : f32 to vector<16xf32>
    %select_n3A_578 = arith.select %ge3A_573, %broadcast_in_dim3A_576, %broadcast_in_dim3A_577 : vector<16xi1>, vector<16xf32>
    %add3A_579 = arith.addf %add3A_570, %select_n3A_578 : vector<16xf32>
    %ge3A_580 = arith.constant 3.276800e+04 : f32
    %ge3A_581 = vector.broadcast %ge3A_580 : f32 to vector<16xf32>
    %ge3A_582 = arith.cmpf oge, %add3A_451, %ge3A_581 : vector<16xf32>
    %jit3A_583 = arith.constant 0.693147182 : f32
    %jit3A_584 = arith.constant 0.000000e+00 : f32
    %broadcast_in_dim3A_585 = vector.broadcast %jit3A_583 : f32 to vector<16xf32>
    %broadcast_in_dim3A_586 = vector.broadcast %jit3A_584 : f32 to vector<16xf32>
    %select_n3A_587 = arith.select %ge3A_582, %broadcast_in_dim3A_585, %broadcast_in_dim3A_586 : vector<16xi1>, vector<16xf32>
    %add3A_588 = arith.addf %add3A_579, %select_n3A_587 : vector<16xf32>
    %ge3A_589 = arith.constant 6.553600e+04 : f32
    %ge3A_590 = vector.broadcast %ge3A_589 : f32 to vector<16xf32>
    %ge3A_591 = arith.cmpf oge, %add3A_451, %ge3A_590 : vector<16xf32>
    %jit3A_592 = arith.constant 0.693147182 : f32
    %jit3A_593 = arith.constant 0.000000e+00 : f32
    %broadcast_in_dim3A_594 = vector.broadcast %jit3A_592 : f32 to vector<16xf32>
    %broadcast_in_dim3A_595 = vector.broadcast %jit3A_593 : f32 to vector<16xf32>
    %select_n3A_596 = arith.select %ge3A_591, %broadcast_in_dim3A_594, %broadcast_in_dim3A_595 : vector<16xi1>, vector<16xf32>
    %add3A_597 = arith.addf %add3A_588, %select_n3A_596 : vector<16xf32>
    %ge3A_598 = arith.constant 1.310720e+05 : f32
    %ge3A_599 = vector.broadcast %ge3A_598 : f32 to vector<16xf32>
    %ge3A_600 = arith.cmpf oge, %add3A_451, %ge3A_599 : vector<16xf32>
    %jit3A_601 = arith.constant 0.693147182 : f32
    %jit3A_602 = arith.constant 0.000000e+00 : f32
    %broadcast_in_dim3A_603 = vector.broadcast %jit3A_601 : f32 to vector<16xf32>
    %broadcast_in_dim3A_604 = vector.broadcast %jit3A_602 : f32 to vector<16xf32>
    %select_n3A_605 = arith.select %ge3A_600, %broadcast_in_dim3A_603, %broadcast_in_dim3A_604 : vector<16xi1>, vector<16xf32>
    %add3A_606 = arith.addf %add3A_597, %select_n3A_605 : vector<16xf32>
    %sub3A_607 = arith.constant 1.000000e+00 : f32
    %sub3A_608 = vector.broadcast %sub3A_607 : f32 to vector<16xf32>
    %sub3A_609 = arith.subf %add3A_606, %sub3A_608 : vector<16xf32>
    %neg3A_610 = arith.constant 0.000000e+00 : f32
    %neg3A_611 = vector.broadcast %neg3A_610 : f32 to vector<16xf32>
    %neg3A_612 = arith.subf %neg3A_611, %add3A_606 : vector<16xf32>
    %exp3A_613 = math.exp %neg3A_612 : vector<16xf32>
    %mul3A_614 = arith.mulf %add3A_451, %exp3A_613 : vector<16xf32>
    %add3A_615 = arith.addf %sub3A_609, %mul3A_614 : vector<16xf32>
    %sub3A_616 = arith.constant 1.000000e+00 : f32
    %sub3A_617 = vector.broadcast %sub3A_616 : f32 to vector<16xf32>
    %sub3A_618 = arith.subf %add3A_615, %sub3A_617 : vector<16xf32>
    %neg3A_619 = arith.constant 0.000000e+00 : f32
    %neg3A_620 = vector.broadcast %neg3A_619 : f32 to vector<16xf32>
    %neg3A_621 = arith.subf %neg3A_620, %add3A_615 : vector<16xf32>
    %exp3A_622 = math.exp %neg3A_621 : vector<16xf32>
    %mul3A_623 = arith.mulf %add3A_451, %exp3A_622 : vector<16xf32>
    %add3A_624 = arith.addf %sub3A_618, %mul3A_623 : vector<16xf32>
    %sub3A_625 = arith.constant 1.000000e+00 : f32
    %sub3A_626 = vector.broadcast %sub3A_625 : f32 to vector<16xf32>
    %sub3A_627 = arith.subf %add3A_624, %sub3A_626 : vector<16xf32>
    %neg3A_628 = arith.constant 0.000000e+00 : f32
    %neg3A_629 = vector.broadcast %neg3A_628 : f32 to vector<16xf32>
    %neg3A_630 = arith.subf %neg3A_629, %add3A_624 : vector<16xf32>
    %exp3A_631 = math.exp %neg3A_630 : vector<16xf32>
    %mul3A_632 = arith.mulf %add3A_451, %exp3A_631 : vector<16xf32>
    %add3A_633 = arith.addf %sub3A_627, %mul3A_632 : vector<16xf32>
    %sub3A_634 = arith.constant 1.000000e+00 : f32
    %sub3A_635 = vector.broadcast %sub3A_634 : f32 to vector<16xf32>
    %sub3A_636 = arith.subf %add3A_633, %sub3A_635 : vector<16xf32>
    %neg3A_637 = arith.constant 0.000000e+00 : f32
    %neg3A_638 = vector.broadcast %neg3A_637 : f32 to vector<16xf32>
    %neg3A_639 = arith.subf %neg3A_638, %add3A_633 : vector<16xf32>
    %exp3A_640 = math.exp %neg3A_639 : vector<16xf32>
    %mul3A_641 = arith.mulf %add3A_451, %exp3A_640 : vector<16xf32>
    %add3A_642 = arith.addf %sub3A_636, %mul3A_641 : vector<16xf32>
    %add3A_643 = arith.addf %max3A_387, %add3A_642 : vector<16xf32>
    %scan3A_644 = arith.constant 0 : i32
    %scan3A_645 = arith.constant 0 : i32
    %scan3A_646 = arith.constant 625 : i32
    %scan3A_647 = arith.addi %scan3A_645, %scan3A_646 : i32
    %scan3A_648 = arith.constant 1 : i32
    %scan3A_649 = scf.for %scan3A_1313 = %scan3A_645 to %scan3A_647 step %scan3A_648 iter_args(%scan3A_1314 = %scan3A_644) -> (i32)  : i32 {
      %mul3A_1315 = arith.constant 160 : i32
      %mul3A_1316 = arith.muli %scan3A_1313, %mul3A_1315 : i32
      %add3A_1317 = arith.constant 0 : i32
      %add3A_1318 = arith.addi %mul3A_1316, %add3A_1317 : i32
      %get3A = arith.index_cast %add3A_1318 : i32 to index
      %get3A_1319 = tpu.vector_load %arg4[%get3A] {strides = array<i32>} : memref<100000xf32, #tpu.memory_space<vmem>>, vector<16xf32>,
      %get3A_1320 = vector.shape_cast %get3A_1319 : vector<16xf32> to vector<16xf32>
      %sub3A_1321 = arith.subf %get3A_1320, %add3A_643 : vector<16xf32>
      %swap3A = arith.index_cast %add3A_1318 : i32 to index
      %swap3A_1322 = tpu.vector_load %arg4[%swap3A] {strides = array<i32>} : memref<100000xf32, #tpu.memory_space<vmem>>, vector<16xf32>,
      %swap3A_1323 = vector.shape_cast %swap3A_1322 : vector<16xf32> to vector<16xf32>
      %swap3A_1324 = vector.shape_cast %sub3A_1321 : vector<16xf32> to vector<16xf32>
      tpu.vector_store %arg4[%swap3A], %swap3A_1324 {strides = array<i32>} : memref<100000xf32, #tpu.memory_space<vmem>>, vector<16xf32>,
      %add3A_1325 = arith.constant 16 : i32
      %add3A_1326 = arith.addi %mul3A_1316, %add3A_1325 : i32
      %get3A_1327 = arith.index_cast %add3A_1326 : i32 to index
      %get3A_1328 = tpu.vector_load %arg4[%get3A_1327] {strides = array<i32>} : memref<100000xf32, #tpu.memory_space<vmem>>, vector<16xf32>,
      %get3A_1329 = vector.shape_cast %get3A_1328 : vector<16xf32> to vector<16xf32>
      %sub3A_1330 = arith.subf %get3A_1329, %add3A_643 : vector<16xf32>
      %swap3A_1331 = arith.index_cast %add3A_1326 : i32 to index
      %swap3A_1332 = tpu.vector_load %arg4[%swap3A_1331] {strides = array<i32>} : memref<100000xf32, #tpu.memory_space<vmem>>, vector<16xf32>,
      %swap3A_1333 = vector.shape_cast %swap3A_1332 : vector<16xf32> to vector<16xf32>
      %swap3A_1334 = vector.shape_cast %sub3A_1330 : vector<16xf32> to vector<16xf32>
      tpu.vector_store %arg4[%swap3A_1331], %swap3A_1334 {strides = array<i32>} : memref<100000xf32, #tpu.memory_space<vmem>>, vector<16xf32>,
      %add3A_1335 = arith.constant 32 : i32
      %add3A_1336 = arith.addi %mul3A_1316, %add3A_1335 : i32
      %get3A_1337 = arith.index_cast %add3A_1336 : i32 to index
      %get3A_1338 = tpu.vector_load %arg4[%get3A_1337] {strides = array<i32>} : memref<100000xf32, #tpu.memory_space<vmem>>, vector<16xf32>,
      %get3A_1339 = vector.shape_cast %get3A_1338 : vector<16xf32> to vector<16xf32>
      %sub3A_1340 = arith.subf %get3A_1339, %add3A_643 : vector<16xf32>
      %swap3A_1341 = arith.index_cast %add3A_1336 : i32 to index
      %swap3A_1342 = tpu.vector_load %arg4[%swap3A_1341] {strides = array<i32>} : memref<100000xf32, #tpu.memory_space<vmem>>, vector<16xf32>,
      %swap3A_1343 = vector.shape_cast %swap3A_1342 : vector<16xf32> to vector<16xf32>
      %swap3A_1344 = vector.shape_cast %sub3A_1340 : vector<16xf32> to vector<16xf32>
      tpu.vector_store %arg4[%swap3A_1341], %swap3A_1344 {strides = array<i32>} : memref<100000xf32, #tpu.memory_space<vmem>>, vector<16xf32>,
      %add3A_1345 = arith.constant 48 : i32
      %add3A_1346 = arith.addi %mul3A_1316, %add3A_1345 : i32
      %get3A_1347 = arith.index_cast %add3A_1346 : i32 to index
      %get3A_1348 = tpu.vector_load %arg4[%get3A_1347] {strides = array<i32>} : memref<100000xf32, #tpu.memory_space<vmem>>, vector<16xf32>,
      %get3A_1349 = vector.shape_cast %get3A_1348 : vector<16xf32> to vector<16xf32>
      %sub3A_1350 = arith.subf %get3A_1349, %add3A_643 : vector<16xf32>
      %swap3A_1351 = arith.index_cast %add3A_1346 : i32 to index
      %swap3A_1352 = tpu.vector_load %arg4[%swap3A_1351] {strides = array<i32>} : memref<100000xf32, #tpu.memory_space<vmem>>, vector<16xf32>,
      %swap3A_1353 = vector.shape_cast %swap3A_1352 : vector<16xf32> to vector<16xf32>
      %swap3A_1354 = vector.shape_cast %sub3A_1350 : vector<16xf32> to vector<16xf32>
      tpu.vector_store %arg4[%swap3A_1351], %swap3A_1354 {strides = array<i32>} : memref<100000xf32, #tpu.memory_space<vmem>>, vector<16xf32>,
      %add3A_1355 = arith.constant 64 : i32
      %add3A_1356 = arith.addi %mul3A_1316, %add3A_1355 : i32
      %get3A_1357 = arith.index_cast %add3A_1356 : i32 to index
      %get3A_1358 = tpu.vector_load %arg4[%get3A_1357] {strides = array<i32>} : memref<100000xf32, #tpu.memory_space<vmem>>, vector<16xf32>,
      %get3A_1359 = vector.shape_cast %get3A_1358 : vector<16xf32> to vector<16xf32>
      %sub3A_1360 = arith.subf %get3A_1359, %add3A_643 : vector<16xf32>
      %swap3A_1361 = arith.index_cast %add3A_1356 : i32 to index
      %swap3A_1362 = tpu.vector_load %arg4[%swap3A_1361] {strides = array<i32>} : memref<100000xf32, #tpu.memory_space<vmem>>, vector<16xf32>,
      %swap3A_1363 = vector.shape_cast %swap3A_1362 : vector<16xf32> to vector<16xf32>
      %swap3A_1364 = vector.shape_cast %sub3A_1360 : vector<16xf32> to vector<16xf32>
      tpu.vector_store %arg4[%swap3A_1361], %swap3A_1364 {strides = array<i32>} : memref<100000xf32, #tpu.memory_space<vmem>>, vector<16xf32>,
      %add3A_1365 = arith.constant 80 : i32
      %add3A_1366 = arith.addi %mul3A_1316, %add3A_1365 : i32
      %get3A_1367 = arith.index_cast %add3A_1366 : i32 to index
      %get3A_1368 = tpu.vector_load %arg4[%get3A_1367] {strides = array<i32>} : memref<100000xf32, #tpu.memory_space<vmem>>, vector<16xf32>,
      %get3A_1369 = vector.shape_cast %get3A_1368 : vector<16xf32> to vector<16xf32>
      %sub3A_1370 = arith.subf %get3A_1369, %add3A_643 : vector<16xf32>
      %swap3A_1371 = arith.index_cast %add3A_1366 : i32 to index
      %swap3A_1372 = tpu.vector_load %arg4[%swap3A_1371] {strides = array<i32>} : memref<100000xf32, #tpu.memory_space<vmem>>, vector<16xf32>,
      %swap3A_1373 = vector.shape_cast %swap3A_1372 : vector<16xf32> to vector<16xf32>
      %swap3A_1374 = vector.shape_cast %sub3A_1370 : vector<16xf32> to vector<16xf32>
      tpu.vector_store %arg4[%swap3A_1371], %swap3A_1374 {strides = array<i32>} : memref<100000xf32, #tpu.memory_space<vmem>>, vector<16xf32>,
      %add3A_1375 = arith.constant 96 : i32
      %add3A_1376 = arith.addi %mul3A_1316, %add3A_1375 : i32
      %get3A_1377 = arith.index_cast %add3A_1376 : i32 to index
      %get3A_1378 = tpu.vector_load %arg4[%get3A_1377] {strides = array<i32>} : memref<100000xf32, #tpu.memory_space<vmem>>, vector<16xf32>,
      %get3A_1379 = vector.shape_cast %get3A_1378 : vector<16xf32> to vector<16xf32>
      %sub3A_1380 = arith.subf %get3A_1379, %add3A_643 : vector<16xf32>
      %swap3A_1381 = arith.index_cast %add3A_1376 : i32 to index
      %swap3A_1382 = tpu.vector_load %arg4[%swap3A_1381] {strides = array<i32>} : memref<100000xf32, #tpu.memory_space<vmem>>, vector<16xf32>,
      %swap3A_1383 = vector.shape_cast %swap3A_1382 : vector<16xf32> to vector<16xf32>
      %swap3A_1384 = vector.shape_cast %sub3A_1380 : vector<16xf32> to vector<16xf32>
      tpu.vector_store %arg4[%swap3A_1381], %swap3A_1384 {strides = array<i32>} : memref<100000xf32, #tpu.memory_space<vmem>>, vector<16xf32>,
      %add3A_1385 = arith.constant 112 : i32
      %add3A_1386 = arith.addi %mul3A_1316, %add3A_1385 : i32
      %get3A_1387 = arith.index_cast %add3A_1386 : i32 to index
      %get3A_1388 = tpu.vector_load %arg4[%get3A_1387] {strides = array<i32>} : memref<100000xf32, #tpu.memory_space<vmem>>, vector<16xf32>,
      %get3A_1389 = vector.shape_cast %get3A_1388 : vector<16xf32> to vector<16xf32>
      %sub3A_1390 = arith.subf %get3A_1389, %add3A_643 : vector<16xf32>
      %swap3A_1391 = arith.index_cast %add3A_1386 : i32 to index
      %swap3A_1392 = tpu.vector_load %arg4[%swap3A_1391] {strides = array<i32>} : memref<100000xf32, #tpu.memory_space<vmem>>, vector<16xf32>,
      %swap3A_1393 = vector.shape_cast %swap3A_1392 : vector<16xf32> to vector<16xf32>
      %swap3A_1394 = vector.shape_cast %sub3A_1390 : vector<16xf32> to vector<16xf32>
      tpu.vector_store %arg4[%swap3A_1391], %swap3A_1394 {strides = array<i32>} : memref<100000xf32, #tpu.memory_space<vmem>>, vector<16xf32>,
      %add3A_1395 = arith.constant 128 : i32
      %add3A_1396 = arith.addi %mul3A_1316, %add3A_1395 : i32
      %get3A_1397 = arith.index_cast %add3A_1396 : i32 to index
      %get3A_1398 = tpu.vector_load %arg4[%get3A_1397] {strides = array<i32>} : memref<100000xf32, #tpu.memory_space<vmem>>, vector<16xf32>,
      %get3A_1399 = vector.shape_cast %get3A_1398 : vector<16xf32> to vector<16xf32>
      %sub3A_1400 = arith.subf %get3A_1399, %add3A_643 : vector<16xf32>
      %swap3A_1401 = arith.index_cast %add3A_1396 : i32 to index
      %swap3A_1402 = tpu.vector_load %arg4[%swap3A_1401] {strides = array<i32>} : memref<100000xf32, #tpu.memory_space<vmem>>, vector<16xf32>,
      %swap3A_1403 = vector.shape_cast %swap3A_1402 : vector<16xf32> to vector<16xf32>
      %swap3A_1404 = vector.shape_cast %sub3A_1400 : vector<16xf32> to vector<16xf32>
      tpu.vector_store %arg4[%swap3A_1401], %swap3A_1404 {strides = array<i32>} : memref<100000xf32, #tpu.memory_space<vmem>>, vector<16xf32>,
      %add3A_1405 = arith.constant 144 : i32
      %add3A_1406 = arith.addi %mul3A_1316, %add3A_1405 : i32
      %get3A_1407 = arith.index_cast %add3A_1406 : i32 to index
      %get3A_1408 = tpu.vector_load %arg4[%get3A_1407] {strides = array<i32>} : memref<100000xf32, #tpu.memory_space<vmem>>, vector<16xf32>,
      %get3A_1409 = vector.shape_cast %get3A_1408 : vector<16xf32> to vector<16xf32>
      %sub3A_1410 = arith.subf %get3A_1409, %add3A_643 : vector<16xf32>
      %swap3A_1411 = arith.index_cast %add3A_1406 : i32 to index
      %swap3A_1412 = tpu.vector_load %arg4[%swap3A_1411] {strides = array<i32>} : memref<100000xf32, #tpu.memory_space<vmem>>, vector<16xf32>,
      %swap3A_1413 = vector.shape_cast %swap3A_1412 : vector<16xf32> to vector<16xf32>
      %swap3A_1414 = vector.shape_cast %sub3A_1410 : vector<16xf32> to vector<16xf32>
      tpu.vector_store %arg4[%swap3A_1411], %swap3A_1414 {strides = array<i32>} : memref<100000xf32, #tpu.memory_space<vmem>>, vector<16xf32>,
      %scan3A_1415 = arith.constant 0 : i32
      scf.yield %scan3A_1415 : i32
    }
    %scan3A_650 = arith.constant 625 : i32
    "tpu.region"() ({
      %run_scoped3A = tpu.sem_alloc : memref<!tpu.dma_semaphore, #tpu.memory_space<semaphore_mem>>
      %dma_start3A = arith.constant 0 : i32
      %dma_start3A_1313 = tpu.memref_slice %arg3[%add3A_323, %dma_start3A] : memref<128x100000xf32, #tpu.memory_space<hbm>> -> memref<1x100000xf32, #tpu.memory_space<hbm>>
      %dma_start3A_1314 = tpu.memref_squeeze %dma_start3A_1313 : memref<1x100000xf32, #tpu.memory_space<hbm>> -> memref<100000xf32, #tpu.memory_space<hbm>>
      %dma_start3A_1315 = arith.constant 0 : i32
      %dma_start3A_1316 = tpu.memref_slice %arg3[%add3A_323, %dma_start3A_1315] : memref<128x100000xf32, #tpu.memory_space<hbm>> -> memref<1x100000xf32, #tpu.memory_space<hbm>>
      %dma_start3A_1317 = tpu.memref_squeeze %dma_start3A_1316 : memref<1x100000xf32, #tpu.memory_space<hbm>> -> memref<100000xf32, #tpu.memory_space<hbm>>
      tpu.enqueue_dma source(%arg4 : memref<100000xf32, #tpu.memory_space<vmem>>) target(%dma_start3A_1317 : memref<100000xf32, #tpu.memory_space<hbm>>) target_semaphore(%run_scoped3A : memref<!tpu.dma_semaphore, #tpu.memory_space<semaphore_mem>>)
      %dma_wait3A = arith.constant 0 : i32
      %dma_wait3A_1318 = tpu.memref_slice %arg3[%add3A_323, %dma_wait3A] : memref<128x100000xf32, #tpu.memory_space<hbm>> -> memref<1x100000xf32, #tpu.memory_space<hbm>>
      %dma_wait3A_1319 = tpu.memref_squeeze %dma_wait3A_1318 : memref<1x100000xf32, #tpu.memory_space<hbm>> -> memref<100000xf32, #tpu.memory_space<hbm>>
      %dma_wait3A_1320 = arith.constant 0 : i32
      %dma_wait3A_1321 = tpu.memref_slice %arg3[%add3A_323, %dma_wait3A_1320] : memref<128x100000xf32, #tpu.memory_space<hbm>> -> memref<1x100000xf32, #tpu.memory_space<hbm>>
      %dma_wait3A_1322 = tpu.memref_squeeze %dma_wait3A_1321 : memref<1x100000xf32, #tpu.memory_space<hbm>> -> memref<100000xf32, #tpu.memory_space<hbm>>
      tpu.wait_dma2 semaphore(%run_scoped3A : memref<!tpu.dma_semaphore, #tpu.memory_space<semaphore_mem>>) src(%arg4 : memref<100000xf32, #tpu.memory_space<vmem>>) dst(%dma_wait3A_1322 : memref<100000xf32, #tpu.memory_space<hbm>>)
      tpu.yield
    }) : () -> ()
    %mul3A_651 = arith.constant 4 : i32
    %mul3A_652 = arith.muli %add3A, %mul3A_651 : i32
    %add3A_653 = arith.constant 2 : i32
    %add3A_654 = arith.addi %mul3A_652, %add3A_653 : i32
    "tpu.region"() ({
      %run_scoped3A = tpu.sem_alloc : memref<!tpu.dma_semaphore, #tpu.memory_space<semaphore_mem>>
      %dma_start3A = arith.constant 0 : i32
      %dma_start3A_1313 = tpu.memref_slice %arg2[%add3A_654, %dma_start3A] : memref<128x100000xf32, #tpu.memory_space<hbm>> -> memref<1x100000xf32, #tpu.memory_space<hbm>>
      %dma_start3A_1314 = tpu.memref_squeeze %dma_start3A_1313 : memref<1x100000xf32, #tpu.memory_space<hbm>> -> memref<100000xf32, #tpu.memory_space<hbm>>
      %dma_start3A_1315 = arith.constant 0 : i32
      %dma_start3A_1316 = tpu.memref_slice %arg2[%add3A_654, %dma_start3A_1315] : memref<128x100000xf32, #tpu.memory_space<hbm>> -> memref<1x100000xf32, #tpu.memory_space<hbm>>
      %dma_start3A_1317 = tpu.memref_squeeze %dma_start3A_1316 : memref<1x100000xf32, #tpu.memory_space<hbm>> -> memref<100000xf32, #tpu.memory_space<hbm>>
      tpu.enqueue_dma source(%dma_start3A_1317 : memref<100000xf32, #tpu.memory_space<hbm>>) target(%arg4 : memref<100000xf32, #tpu.memory_space<vmem>>) target_semaphore(%run_scoped3A : memref<!tpu.dma_semaphore, #tpu.memory_space<semaphore_mem>>)
      %dma_wait3A = arith.constant 0 : i32
      %dma_wait3A_1318 = tpu.memref_slice %arg2[%add3A_654, %dma_wait3A] : memref<128x100000xf32, #tpu.memory_space<hbm>> -> memref<1x100000xf32, #tpu.memory_space<hbm>>
      %dma_wait3A_1319 = tpu.memref_squeeze %dma_wait3A_1318 : memref<1x100000xf32, #tpu.memory_space<hbm>> -> memref<100000xf32, #tpu.memory_space<hbm>>
      %dma_wait3A_1320 = arith.constant 0 : i32
      %dma_wait3A_1321 = tpu.memref_slice %arg2[%add3A_654, %dma_wait3A_1320] : memref<128x100000xf32, #tpu.memory_space<hbm>> -> memref<1x100000xf32, #tpu.memory_space<hbm>>
      %dma_wait3A_1322 = tpu.memref_squeeze %dma_wait3A_1321 : memref<1x100000xf32, #tpu.memory_space<hbm>> -> memref<100000xf32, #tpu.memory_space<hbm>>
      tpu.wait_dma2 semaphore(%run_scoped3A : memref<!tpu.dma_semaphore, #tpu.memory_space<semaphore_mem>>) src(%dma_wait3A_1322 : memref<100000xf32, #tpu.memory_space<hbm>>) dst(%arg4 : memref<100000xf32, #tpu.memory_space<vmem>>)
      tpu.yield
    }) : () -> ()
    %broadcast_in_dim3A_655 = arith.constant 0xFF800000 : f32
    %broadcast_in_dim3A_656 = vector.broadcast %broadcast_in_dim3A_655 : f32 to vector<16xf32>
    %broadcast_in_dim3A_657 = arith.constant 0xFF800000 : f32
    %broadcast_in_dim3A_658 = vector.broadcast %broadcast_in_dim3A_657 : f32 to vector<16xf32>
    %broadcast_in_dim3A_659 = arith.constant 0xFF800000 : f32
    %broadcast_in_dim3A_660 = vector.broadcast %broadcast_in_dim3A_659 : f32 to vector<16xf32>
    %broadcast_in_dim3A_661 = arith.constant 0xFF800000 : f32
    %broadcast_in_dim3A_662 = vector.broadcast %broadcast_in_dim3A_661 : f32 to vector<16xf32>
    %broadcast_in_dim3A_663 = arith.constant 0xFF800000 : f32
    %broadcast_in_dim3A_664 = vector.broadcast %broadcast_in_dim3A_663 : f32 to vector<16xf32>
    %broadcast_in_dim3A_665 = arith.constant 0xFF800000 : f32
    %broadcast_in_dim3A_666 = vector.broadcast %broadcast_in_dim3A_665 : f32 to vector<16xf32>
    %broadcast_in_dim3A_667 = arith.constant 0xFF800000 : f32
    %broadcast_in_dim3A_668 = vector.broadcast %broadcast_in_dim3A_667 : f32 to vector<16xf32>
    %broadcast_in_dim3A_669 = arith.constant 0xFF800000 : f32
    %broadcast_in_dim3A_670 = vector.broadcast %broadcast_in_dim3A_669 : f32 to vector<16xf32>
    %broadcast_in_dim3A_671 = arith.constant 0xFF800000 : f32
    %broadcast_in_dim3A_672 = vector.broadcast %broadcast_in_dim3A_671 : f32 to vector<16xf32>
    %broadcast_in_dim3A_673 = arith.constant 0xFF800000 : f32
    %broadcast_in_dim3A_674 = vector.broadcast %broadcast_in_dim3A_673 : f32 to vector<16xf32>
    %scan3A_675 = arith.constant 0 : i32
    %scan3A_676 = arith.constant 625 : i32
    %scan3A_677 = arith.addi %scan3A_675, %scan3A_676 : i32
    %scan3A_678 = arith.constant 1 : i32
    %scan3A_679:10 = scf.for %scan3A_1313 = %scan3A_675 to %scan3A_677 step %scan3A_678 iter_args(%scan3A_1314 = %broadcast_in_dim3A_656, %scan3A_1315 = %broadcast_in_dim3A_658, %scan3A_1316 = %broadcast_in_dim3A_660, %scan3A_1317 = %broadcast_in_dim3A_662, %scan3A_1318 = %broadcast_in_dim3A_664, %scan3A_1319 = %broadcast_in_dim3A_666, %scan3A_1320 = %broadcast_in_dim3A_668, %scan3A_1321 = %broadcast_in_dim3A_670, %scan3A_1322 = %broadcast_in_dim3A_672, %scan3A_1323 = %broadcast_in_dim3A_674) -> (vector<16xf32>, vector<16xf32>, vector<16xf32>, vector<16xf32>, vector<16xf32>, vector<16xf32>, vector<16xf32>, vector<16xf32>, vector<16xf32>, vector<16xf32>)  : i32 {
      %mul3A_1324 = arith.constant 160 : i32
      %mul3A_1325 = arith.muli %scan3A_1313, %mul3A_1324 : i32
      %add3A_1326 = arith.constant 0 : i32
      %add3A_1327 = arith.addi %mul3A_1325, %add3A_1326 : i32
      %get3A = arith.index_cast %add3A_1327 : i32 to index
      %get3A_1328 = tpu.vector_load %arg4[%get3A] {strides = array<i32>} : memref<100000xf32, #tpu.memory_space<vmem>>, vector<16xf32>,
      %get3A_1329 = vector.shape_cast %get3A_1328 : vector<16xf32> to vector<16xf32>
      %max3A_1330 = arith.maximumf %scan3A_1314, %get3A_1329 : vector<16xf32>
      %add3A_1331 = arith.constant 16 : i32
      %add3A_1332 = arith.addi %mul3A_1325, %add3A_1331 : i32
      %get3A_1333 = arith.index_cast %add3A_1332 : i32 to index
      %get3A_1334 = tpu.vector_load %arg4[%get3A_1333] {strides = array<i32>} : memref<100000xf32, #tpu.memory_space<vmem>>, vector<16xf32>,
      %get3A_1335 = vector.shape_cast %get3A_1334 : vector<16xf32> to vector<16xf32>
      %max3A_1336 = arith.maximumf %scan3A_1315, %get3A_1335 : vector<16xf32>
      %add3A_1337 = arith.constant 32 : i32
      %add3A_1338 = arith.addi %mul3A_1325, %add3A_1337 : i32
      %get3A_1339 = arith.index_cast %add3A_1338 : i32 to index
      %get3A_1340 = tpu.vector_load %arg4[%get3A_1339] {strides = array<i32>} : memref<100000xf32, #tpu.memory_space<vmem>>, vector<16xf32>,
      %get3A_1341 = vector.shape_cast %get3A_1340 : vector<16xf32> to vector<16xf32>
      %max3A_1342 = arith.maximumf %scan3A_1316, %get3A_1341 : vector<16xf32>
      %add3A_1343 = arith.constant 48 : i32
      %add3A_1344 = arith.addi %mul3A_1325, %add3A_1343 : i32
      %get3A_1345 = arith.index_cast %add3A_1344 : i32 to index
      %get3A_1346 = tpu.vector_load %arg4[%get3A_1345] {strides = array<i32>} : memref<100000xf32, #tpu.memory_space<vmem>>, vector<16xf32>,
      %get3A_1347 = vector.shape_cast %get3A_1346 : vector<16xf32> to vector<16xf32>
      %max3A_1348 = arith.maximumf %scan3A_1317, %get3A_1347 : vector<16xf32>
      %add3A_1349 = arith.constant 64 : i32
      %add3A_1350 = arith.addi %mul3A_1325, %add3A_1349 : i32
      %get3A_1351 = arith.index_cast %add3A_1350 : i32 to index
      %get3A_1352 = tpu.vector_load %arg4[%get3A_1351] {strides = array<i32>} : memref<100000xf32, #tpu.memory_space<vmem>>, vector<16xf32>,
      %get3A_1353 = vector.shape_cast %get3A_1352 : vector<16xf32> to vector<16xf32>
      %max3A_1354 = arith.maximumf %scan3A_1318, %get3A_1353 : vector<16xf32>
      %add3A_1355 = arith.constant 80 : i32
      %add3A_1356 = arith.addi %mul3A_1325, %add3A_1355 : i32
      %get3A_1357 = arith.index_cast %add3A_1356 : i32 to index
      %get3A_1358 = tpu.vector_load %arg4[%get3A_1357] {strides = array<i32>} : memref<100000xf32, #tpu.memory_space<vmem>>, vector<16xf32>,
      %get3A_1359 = vector.shape_cast %get3A_1358 : vector<16xf32> to vector<16xf32>
      %max3A_1360 = arith.maximumf %scan3A_1319, %get3A_1359 : vector<16xf32>
      %add3A_1361 = arith.constant 96 : i32
      %add3A_1362 = arith.addi %mul3A_1325, %add3A_1361 : i32
      %get3A_1363 = arith.index_cast %add3A_1362 : i32 to index
      %get3A_1364 = tpu.vector_load %arg4[%get3A_1363] {strides = array<i32>} : memref<100000xf32, #tpu.memory_space<vmem>>, vector<16xf32>,
      %get3A_1365 = vector.shape_cast %get3A_1364 : vector<16xf32> to vector<16xf32>
      %max3A_1366 = arith.maximumf %scan3A_1320, %get3A_1365 : vector<16xf32>
      %add3A_1367 = arith.constant 112 : i32
      %add3A_1368 = arith.addi %mul3A_1325, %add3A_1367 : i32
      %get3A_1369 = arith.index_cast %add3A_1368 : i32 to index
      %get3A_1370 = tpu.vector_load %arg4[%get3A_1369] {strides = array<i32>} : memref<100000xf32, #tpu.memory_space<vmem>>, vector<16xf32>,
      %get3A_1371 = vector.shape_cast %get3A_1370 : vector<16xf32> to vector<16xf32>
      %max3A_1372 = arith.maximumf %scan3A_1321, %get3A_1371 : vector<16xf32>
      %add3A_1373 = arith.constant 128 : i32
      %add3A_1374 = arith.addi %mul3A_1325, %add3A_1373 : i32
      %get3A_1375 = arith.index_cast %add3A_1374 : i32 to index
      %get3A_1376 = tpu.vector_load %arg4[%get3A_1375] {strides = array<i32>} : memref<100000xf32, #tpu.memory_space<vmem>>, vector<16xf32>,
      %get3A_1377 = vector.shape_cast %get3A_1376 : vector<16xf32> to vector<16xf32>
      %max3A_1378 = arith.maximumf %scan3A_1322, %get3A_1377 : vector<16xf32>
      %add3A_1379 = arith.constant 144 : i32
      %add3A_1380 = arith.addi %mul3A_1325, %add3A_1379 : i32
      %get3A_1381 = arith.index_cast %add3A_1380 : i32 to index
      %get3A_1382 = tpu.vector_load %arg4[%get3A_1381] {strides = array<i32>} : memref<100000xf32, #tpu.memory_space<vmem>>, vector<16xf32>,
      %get3A_1383 = vector.shape_cast %get3A_1382 : vector<16xf32> to vector<16xf32>
      %max3A_1384 = arith.maximumf %scan3A_1323, %get3A_1383 : vector<16xf32>
      scf.yield %max3A_1330, %max3A_1336, %max3A_1342, %max3A_1348, %max3A_1354, %max3A_1360, %max3A_1366, %max3A_1372, %max3A_1378, %max3A_1384 : vector<16xf32>, vector<16xf32>, vector<16xf32>, vector<16xf32>, vector<16xf32>, vector<16xf32>, vector<16xf32>, vector<16xf32>, vector<16xf32>, vector<16xf32>
    }
    %scan3A_680 = arith.constant 625 : i32
    %max3A_681 = arith.maximumf %scan3A_679#0, %scan3A_679#1 : vector<16xf32>
    %max3A_682 = arith.maximumf %max3A_681, %scan3A_679#2 : vector<16xf32>
    %max3A_683 = arith.maximumf %max3A_682, %scan3A_679#3 : vector<16xf32>
    %max3A_684 = arith.maximumf %max3A_683, %scan3A_679#4 : vector<16xf32>
    %max3A_685 = arith.maximumf %max3A_684, %scan3A_679#5 : vector<16xf32>
    %max3A_686 = arith.maximumf %max3A_685, %scan3A_679#6 : vector<16xf32>
    %max3A_687 = arith.maximumf %max3A_686, %scan3A_679#7 : vector<16xf32>
    %max3A_688 = arith.maximumf %max3A_687, %scan3A_679#8 : vector<16xf32>
    %max3A_689 = arith.maximumf %max3A_688, %scan3A_679#9 : vector<16xf32>
    %iota3A_690 = tpu.iota {dimensions = array<i32: 0>} : vector<16xi32>
    %xor3A_691 = arith.constant 8 : i32
    %xor3A_692 = vector.broadcast %xor3A_691 : i32 to vector<16xi32>
    %xor3A_693 = arith.xori %iota3A_690, %xor3A_692 : vector<16xi32>
    %broadcast_in_dim3A_694 = vector.shape_cast %xor3A_693 : vector<16xi32> to vector<16x1xi32>
    %gather3A_695 = vector.shape_cast %broadcast_in_dim3A_694 : vector<16x1xi32> to vector<16xi32>
    %gather3A_696 = tpu.dynamic_gather %max3A_689[%gather3A_695] in [0] : vector<16xf32>, vector<16xi32> -> vector<16xf32>
    %max3A_697 = arith.maximumf %max3A_689, %gather3A_696 : vector<16xf32>
    %xor3A_698 = arith.constant 4 : i32
    %xor3A_699 = vector.broadcast %xor3A_698 : i32 to vector<16xi32>
    %xor3A_700 = arith.xori %iota3A_690, %xor3A_699 : vector<16xi32>
    %broadcast_in_dim3A_701 = vector.shape_cast %xor3A_700 : vector<16xi32> to vector<16x1xi32>
    %gather3A_702 = vector.shape_cast %broadcast_in_dim3A_701 : vector<16x1xi32> to vector<16xi32>
    %gather3A_703 = tpu.dynamic_gather %max3A_697[%gather3A_702] in [0] : vector<16xf32>, vector<16xi32> -> vector<16xf32>
    %max3A_704 = arith.maximumf %max3A_697, %gather3A_703 : vector<16xf32>
    %xor3A_705 = arith.constant 2 : i32
    %xor3A_706 = vector.broadcast %xor3A_705 : i32 to vector<16xi32>
    %xor3A_707 = arith.xori %iota3A_690, %xor3A_706 : vector<16xi32>
    %broadcast_in_dim3A_708 = vector.shape_cast %xor3A_707 : vector<16xi32> to vector<16x1xi32>
    %gather3A_709 = vector.shape_cast %broadcast_in_dim3A_708 : vector<16x1xi32> to vector<16xi32>
    %gather3A_710 = tpu.dynamic_gather %max3A_704[%gather3A_709] in [0] : vector<16xf32>, vector<16xi32> -> vector<16xf32>
    %max3A_711 = arith.maximumf %max3A_704, %gather3A_710 : vector<16xf32>
    %xor3A_712 = arith.constant 1 : i32
    %xor3A_713 = vector.broadcast %xor3A_712 : i32 to vector<16xi32>
    %xor3A_714 = arith.xori %iota3A_690, %xor3A_713 : vector<16xi32>
    %broadcast_in_dim3A_715 = vector.shape_cast %xor3A_714 : vector<16xi32> to vector<16x1xi32>
    %gather3A_716 = vector.shape_cast %broadcast_in_dim3A_715 : vector<16x1xi32> to vector<16xi32>
    %gather3A_717 = tpu.dynamic_gather %max3A_711[%gather3A_716] in [0] : vector<16xf32>, vector<16xi32> -> vector<16xf32>
    %max3A_718 = arith.maximumf %max3A_711, %gather3A_717 : vector<16xf32>
    %broadcast_in_dim3A_719 = arith.constant 0.000000e+00 : f32
    %broadcast_in_dim3A_720 = vector.broadcast %broadcast_in_dim3A_719 : f32 to vector<16xf32>
    %broadcast_in_dim3A_721 = arith.constant 0.000000e+00 : f32
    %broadcast_in_dim3A_722 = vector.broadcast %broadcast_in_dim3A_721 : f32 to vector<16xf32>
    %broadcast_in_dim3A_723 = arith.constant 0.000000e+00 : f32
    %broadcast_in_dim3A_724 = vector.broadcast %broadcast_in_dim3A_723 : f32 to vector<16xf32>
    %broadcast_in_dim3A_725 = arith.constant 0.000000e+00 : f32
    %broadcast_in_dim3A_726 = vector.broadcast %broadcast_in_dim3A_725 : f32 to vector<16xf32>
    %broadcast_in_dim3A_727 = arith.constant 0.000000e+00 : f32
    %broadcast_in_dim3A_728 = vector.broadcast %broadcast_in_dim3A_727 : f32 to vector<16xf32>
    %broadcast_in_dim3A_729 = arith.constant 0.000000e+00 : f32
    %broadcast_in_dim3A_730 = vector.broadcast %broadcast_in_dim3A_729 : f32 to vector<16xf32>
    %broadcast_in_dim3A_731 = arith.constant 0.000000e+00 : f32
    %broadcast_in_dim3A_732 = vector.broadcast %broadcast_in_dim3A_731 : f32 to vector<16xf32>
    %broadcast_in_dim3A_733 = arith.constant 0.000000e+00 : f32
    %broadcast_in_dim3A_734 = vector.broadcast %broadcast_in_dim3A_733 : f32 to vector<16xf32>
    %broadcast_in_dim3A_735 = arith.constant 0.000000e+00 : f32
    %broadcast_in_dim3A_736 = vector.broadcast %broadcast_in_dim3A_735 : f32 to vector<16xf32>
    %broadcast_in_dim3A_737 = arith.constant 0.000000e+00 : f32
    %broadcast_in_dim3A_738 = vector.broadcast %broadcast_in_dim3A_737 : f32 to vector<16xf32>
    %scan3A_739 = arith.constant 0 : i32
    %scan3A_740 = arith.constant 625 : i32
    %scan3A_741 = arith.addi %scan3A_739, %scan3A_740 : i32
    %scan3A_742 = arith.constant 1 : i32
    %scan3A_743:10 = scf.for %scan3A_1313 = %scan3A_739 to %scan3A_741 step %scan3A_742 iter_args(%scan3A_1314 = %broadcast_in_dim3A_720, %scan3A_1315 = %broadcast_in_dim3A_722, %scan3A_1316 = %broadcast_in_dim3A_724, %scan3A_1317 = %broadcast_in_dim3A_726, %scan3A_1318 = %broadcast_in_dim3A_728, %scan3A_1319 = %broadcast_in_dim3A_730, %scan3A_1320 = %broadcast_in_dim3A_732, %scan3A_1321 = %broadcast_in_dim3A_734, %scan3A_1322 = %broadcast_in_dim3A_736, %scan3A_1323 = %broadcast_in_dim3A_738) -> (vector<16xf32>, vector<16xf32>, vector<16xf32>, vector<16xf32>, vector<16xf32>, vector<16xf32>, vector<16xf32>, vector<16xf32>, vector<16xf32>, vector<16xf32>)  : i32 {
      %mul3A_1324 = arith.constant 160 : i32
      %mul3A_1325 = arith.muli %scan3A_1313, %mul3A_1324 : i32
      %add3A_1326 = arith.constant 0 : i32
      %add3A_1327 = arith.addi %mul3A_1325, %add3A_1326 : i32
      %get3A = arith.index_cast %add3A_1327 : i32 to index
      %get3A_1328 = tpu.vector_load %arg4[%get3A] {strides = array<i32>} : memref<100000xf32, #tpu.memory_space<vmem>>, vector<16xf32>,
      %get3A_1329 = vector.shape_cast %get3A_1328 : vector<16xf32> to vector<16xf32>
      %sub3A_1330 = arith.subf %get3A_1329, %max3A_718 : vector<16xf32>
      %exp3A_1331 = math.exp %sub3A_1330 : vector<16xf32>
      %add3A_1332 = arith.addf %scan3A_1314, %exp3A_1331 : vector<16xf32>
      %add3A_1333 = arith.constant 16 : i32
      %add3A_1334 = arith.addi %mul3A_1325, %add3A_1333 : i32
      %get3A_1335 = arith.index_cast %add3A_1334 : i32 to index
      %get3A_1336 = tpu.vector_load %arg4[%get3A_1335] {strides = array<i32>} : memref<100000xf32, #tpu.memory_space<vmem>>, vector<16xf32>,
      %get3A_1337 = vector.shape_cast %get3A_1336 : vector<16xf32> to vector<16xf32>
      %sub3A_1338 = arith.subf %get3A_1337, %max3A_718 : vector<16xf32>
      %exp3A_1339 = math.exp %sub3A_1338 : vector<16xf32>
      %add3A_1340 = arith.addf %scan3A_1315, %exp3A_1339 : vector<16xf32>
      %add3A_1341 = arith.constant 32 : i32
      %add3A_1342 = arith.addi %mul3A_1325, %add3A_1341 : i32
      %get3A_1343 = arith.index_cast %add3A_1342 : i32 to index
      %get3A_1344 = tpu.vector_load %arg4[%get3A_1343] {strides = array<i32>} : memref<100000xf32, #tpu.memory_space<vmem>>, vector<16xf32>,
      %get3A_1345 = vector.shape_cast %get3A_1344 : vector<16xf32> to vector<16xf32>
      %sub3A_1346 = arith.subf %get3A_1345, %max3A_718 : vector<16xf32>
      %exp3A_1347 = math.exp %sub3A_1346 : vector<16xf32>
      %add3A_1348 = arith.addf %scan3A_1316, %exp3A_1347 : vector<16xf32>
      %add3A_1349 = arith.constant 48 : i32
      %add3A_1350 = arith.addi %mul3A_1325, %add3A_1349 : i32
      %get3A_1351 = arith.index_cast %add3A_1350 : i32 to index
      %get3A_1352 = tpu.vector_load %arg4[%get3A_1351] {strides = array<i32>} : memref<100000xf32, #tpu.memory_space<vmem>>, vector<16xf32>,
      %get3A_1353 = vector.shape_cast %get3A_1352 : vector<16xf32> to vector<16xf32>
      %sub3A_1354 = arith.subf %get3A_1353, %max3A_718 : vector<16xf32>
      %exp3A_1355 = math.exp %sub3A_1354 : vector<16xf32>
      %add3A_1356 = arith.addf %scan3A_1317, %exp3A_1355 : vector<16xf32>
      %add3A_1357 = arith.constant 64 : i32
      %add3A_1358 = arith.addi %mul3A_1325, %add3A_1357 : i32
      %get3A_1359 = arith.index_cast %add3A_1358 : i32 to index
      %get3A_1360 = tpu.vector_load %arg4[%get3A_1359] {strides = array<i32>} : memref<100000xf32, #tpu.memory_space<vmem>>, vector<16xf32>,
      %get3A_1361 = vector.shape_cast %get3A_1360 : vector<16xf32> to vector<16xf32>
      %sub3A_1362 = arith.subf %get3A_1361, %max3A_718 : vector<16xf32>
      %exp3A_1363 = math.exp %sub3A_1362 : vector<16xf32>
      %add3A_1364 = arith.addf %scan3A_1318, %exp3A_1363 : vector<16xf32>
      %add3A_1365 = arith.constant 80 : i32
      %add3A_1366 = arith.addi %mul3A_1325, %add3A_1365 : i32
      %get3A_1367 = arith.index_cast %add3A_1366 : i32 to index
      %get3A_1368 = tpu.vector_load %arg4[%get3A_1367] {strides = array<i32>} : memref<100000xf32, #tpu.memory_space<vmem>>, vector<16xf32>,
      %get3A_1369 = vector.shape_cast %get3A_1368 : vector<16xf32> to vector<16xf32>
      %sub3A_1370 = arith.subf %get3A_1369, %max3A_718 : vector<16xf32>
      %exp3A_1371 = math.exp %sub3A_1370 : vector<16xf32>
      %add3A_1372 = arith.addf %scan3A_1319, %exp3A_1371 : vector<16xf32>
      %add3A_1373 = arith.constant 96 : i32
      %add3A_1374 = arith.addi %mul3A_1325, %add3A_1373 : i32
      %get3A_1375 = arith.index_cast %add3A_1374 : i32 to index
      %get3A_1376 = tpu.vector_load %arg4[%get3A_1375] {strides = array<i32>} : memref<100000xf32, #tpu.memory_space<vmem>>, vector<16xf32>,
      %get3A_1377 = vector.shape_cast %get3A_1376 : vector<16xf32> to vector<16xf32>
      %sub3A_1378 = arith.subf %get3A_1377, %max3A_718 : vector<16xf32>
      %exp3A_1379 = math.exp %sub3A_1378 : vector<16xf32>
      %add3A_1380 = arith.addf %scan3A_1320, %exp3A_1379 : vector<16xf32>
      %add3A_1381 = arith.constant 112 : i32
      %add3A_1382 = arith.addi %mul3A_1325, %add3A_1381 : i32
      %get3A_1383 = arith.index_cast %add3A_1382 : i32 to index
      %get3A_1384 = tpu.vector_load %arg4[%get3A_1383] {strides = array<i32>} : memref<100000xf32, #tpu.memory_space<vmem>>, vector<16xf32>,
      %get3A_1385 = vector.shape_cast %get3A_1384 : vector<16xf32> to vector<16xf32>
      %sub3A_1386 = arith.subf %get3A_1385, %max3A_718 : vector<16xf32>
      %exp3A_1387 = math.exp %sub3A_1386 : vector<16xf32>
      %add3A_1388 = arith.addf %scan3A_1321, %exp3A_1387 : vector<16xf32>
      %add3A_1389 = arith.constant 128 : i32
      %add3A_1390 = arith.addi %mul3A_1325, %add3A_1389 : i32
      %get3A_1391 = arith.index_cast %add3A_1390 : i32 to index
      %get3A_1392 = tpu.vector_load %arg4[%get3A_1391] {strides = array<i32>} : memref<100000xf32, #tpu.memory_space<vmem>>, vector<16xf32>,
      %get3A_1393 = vector.shape_cast %get3A_1392 : vector<16xf32> to vector<16xf32>
      %sub3A_1394 = arith.subf %get3A_1393, %max3A_718 : vector<16xf32>
      %exp3A_1395 = math.exp %sub3A_1394 : vector<16xf32>
      %add3A_1396 = arith.addf %scan3A_1322, %exp3A_1395 : vector<16xf32>
      %add3A_1397 = arith.constant 144 : i32
      %add3A_1398 = arith.addi %mul3A_1325, %add3A_1397 : i32
      %get3A_1399 = arith.index_cast %add3A_1398 : i32 to index
      %get3A_1400 = tpu.vector_load %arg4[%get3A_1399] {strides = array<i32>} : memref<100000xf32, #tpu.memory_space<vmem>>, vector<16xf32>,
      %get3A_1401 = vector.shape_cast %get3A_1400 : vector<16xf32> to vector<16xf32>
      %sub3A_1402 = arith.subf %get3A_1401, %max3A_718 : vector<16xf32>
      %exp3A_1403 = math.exp %sub3A_1402 : vector<16xf32>
      %add3A_1404 = arith.addf %scan3A_1323, %exp3A_1403 : vector<16xf32>
      scf.yield %add3A_1332, %add3A_1340, %add3A_1348, %add3A_1356, %add3A_1364, %add3A_1372, %add3A_1380, %add3A_1388, %add3A_1396, %add3A_1404 : vector<16xf32>, vector<16xf32>, vector<16xf32>, vector<16xf32>, vector<16xf32>, vector<16xf32>, vector<16xf32>, vector<16xf32>, vector<16xf32>, vector<16xf32>
    }
    %scan3A_744 = arith.constant 625 : i32
    %add3A_745 = arith.addf %scan3A_743#0, %scan3A_743#1 : vector<16xf32>
    %add3A_746 = arith.addf %add3A_745, %scan3A_743#2 : vector<16xf32>
    %add3A_747 = arith.addf %add3A_746, %scan3A_743#3 : vector<16xf32>
    %add3A_748 = arith.addf %add3A_747, %scan3A_743#4 : vector<16xf32>
    %add3A_749 = arith.addf %add3A_748, %scan3A_743#5 : vector<16xf32>
    %add3A_750 = arith.addf %add3A_749, %scan3A_743#6 : vector<16xf32>
    %add3A_751 = arith.addf %add3A_750, %scan3A_743#7 : vector<16xf32>
    %add3A_752 = arith.addf %add3A_751, %scan3A_743#8 : vector<16xf32>
    %add3A_753 = arith.addf %add3A_752, %scan3A_743#9 : vector<16xf32>
    %iota3A_754 = tpu.iota {dimensions = array<i32: 0>} : vector<16xi32>
    %xor3A_755 = arith.constant 8 : i32
    %xor3A_756 = vector.broadcast %xor3A_755 : i32 to vector<16xi32>
    %xor3A_757 = arith.xori %iota3A_754, %xor3A_756 : vector<16xi32>
    %broadcast_in_dim3A_758 = vector.shape_cast %xor3A_757 : vector<16xi32> to vector<16x1xi32>
    %gather3A_759 = vector.shape_cast %broadcast_in_dim3A_758 : vector<16x1xi32> to vector<16xi32>
    %gather3A_760 = tpu.dynamic_gather %add3A_753[%gather3A_759] in [0] : vector<16xf32>, vector<16xi32> -> vector<16xf32>
    %add3A_761 = arith.addf %add3A_753, %gather3A_760 : vector<16xf32>
    %xor3A_762 = arith.constant 4 : i32
    %xor3A_763 = vector.broadcast %xor3A_762 : i32 to vector<16xi32>
    %xor3A_764 = arith.xori %iota3A_754, %xor3A_763 : vector<16xi32>
    %broadcast_in_dim3A_765 = vector.shape_cast %xor3A_764 : vector<16xi32> to vector<16x1xi32>
    %gather3A_766 = vector.shape_cast %broadcast_in_dim3A_765 : vector<16x1xi32> to vector<16xi32>
    %gather3A_767 = tpu.dynamic_gather %add3A_761[%gather3A_766] in [0] : vector<16xf32>, vector<16xi32> -> vector<16xf32>
    %add3A_768 = arith.addf %add3A_761, %gather3A_767 : vector<16xf32>
    %xor3A_769 = arith.constant 2 : i32
    %xor3A_770 = vector.broadcast %xor3A_769 : i32 to vector<16xi32>
    %xor3A_771 = arith.xori %iota3A_754, %xor3A_770 : vector<16xi32>
    %broadcast_in_dim3A_772 = vector.shape_cast %xor3A_771 : vector<16xi32> to vector<16x1xi32>
    %gather3A_773 = vector.shape_cast %broadcast_in_dim3A_772 : vector<16x1xi32> to vector<16xi32>
    %gather3A_774 = tpu.dynamic_gather %add3A_768[%gather3A_773] in [0] : vector<16xf32>, vector<16xi32> -> vector<16xf32>
    %add3A_775 = arith.addf %add3A_768, %gather3A_774 : vector<16xf32>
    %xor3A_776 = arith.constant 1 : i32
    %xor3A_777 = vector.broadcast %xor3A_776 : i32 to vector<16xi32>
    %xor3A_778 = arith.xori %iota3A_754, %xor3A_777 : vector<16xi32>
    %broadcast_in_dim3A_779 = vector.shape_cast %xor3A_778 : vector<16xi32> to vector<16x1xi32>
    %gather3A_780 = vector.shape_cast %broadcast_in_dim3A_779 : vector<16x1xi32> to vector<16xi32>
    %gather3A_781 = tpu.dynamic_gather %add3A_775[%gather3A_780] in [0] : vector<16xf32>, vector<16xi32> -> vector<16xf32>
    %add3A_782 = arith.addf %add3A_775, %gather3A_781 : vector<16xf32>
    %broadcast_in_dim3A_783 = arith.constant 0.000000e+00 : f32
    %broadcast_in_dim3A_784 = vector.broadcast %broadcast_in_dim3A_783 : f32 to vector<16xf32>
    %ge3A_785 = arith.constant 2.000000e+00 : f32
    %ge3A_786 = vector.broadcast %ge3A_785 : f32 to vector<16xf32>
    %ge3A_787 = arith.cmpf oge, %add3A_782, %ge3A_786 : vector<16xf32>
    %jit3A_788 = arith.constant 0.693147182 : f32
    %jit3A_789 = arith.constant 0.000000e+00 : f32
    %broadcast_in_dim3A_790 = vector.broadcast %jit3A_788 : f32 to vector<16xf32>
    %broadcast_in_dim3A_791 = vector.broadcast %jit3A_789 : f32 to vector<16xf32>
    %select_n3A_792 = arith.select %ge3A_787, %broadcast_in_dim3A_790, %broadcast_in_dim3A_791 : vector<16xi1>, vector<16xf32>
    %add3A_793 = arith.addf %broadcast_in_dim3A_784, %select_n3A_792 : vector<16xf32>
    %ge3A_794 = arith.constant 4.000000e+00 : f32
    %ge3A_795 = vector.broadcast %ge3A_794 : f32 to vector<16xf32>
    %ge3A_796 = arith.cmpf oge, %add3A_782, %ge3A_795 : vector<16xf32>
    %jit3A_797 = arith.constant 0.693147182 : f32
    %jit3A_798 = arith.constant 0.000000e+00 : f32
    %broadcast_in_dim3A_799 = vector.broadcast %jit3A_797 : f32 to vector<16xf32>
    %broadcast_in_dim3A_800 = vector.broadcast %jit3A_798 : f32 to vector<16xf32>
    %select_n3A_801 = arith.select %ge3A_796, %broadcast_in_dim3A_799, %broadcast_in_dim3A_800 : vector<16xi1>, vector<16xf32>
    %add3A_802 = arith.addf %add3A_793, %select_n3A_801 : vector<16xf32>
    %ge3A_803 = arith.constant 8.000000e+00 : f32
    %ge3A_804 = vector.broadcast %ge3A_803 : f32 to vector<16xf32>
    %ge3A_805 = arith.cmpf oge, %add3A_782, %ge3A_804 : vector<16xf32>
    %jit3A_806 = arith.constant 0.693147182 : f32
    %jit3A_807 = arith.constant 0.000000e+00 : f32
    %broadcast_in_dim3A_808 = vector.broadcast %jit3A_806 : f32 to vector<16xf32>
    %broadcast_in_dim3A_809 = vector.broadcast %jit3A_807 : f32 to vector<16xf32>
    %select_n3A_810 = arith.select %ge3A_805, %broadcast_in_dim3A_808, %broadcast_in_dim3A_809 : vector<16xi1>, vector<16xf32>
    %add3A_811 = arith.addf %add3A_802, %select_n3A_810 : vector<16xf32>
    %ge3A_812 = arith.constant 1.600000e+01 : f32
    %ge3A_813 = vector.broadcast %ge3A_812 : f32 to vector<16xf32>
    %ge3A_814 = arith.cmpf oge, %add3A_782, %ge3A_813 : vector<16xf32>
    %jit3A_815 = arith.constant 0.693147182 : f32
    %jit3A_816 = arith.constant 0.000000e+00 : f32
    %broadcast_in_dim3A_817 = vector.broadcast %jit3A_815 : f32 to vector<16xf32>
    %broadcast_in_dim3A_818 = vector.broadcast %jit3A_816 : f32 to vector<16xf32>
    %select_n3A_819 = arith.select %ge3A_814, %broadcast_in_dim3A_817, %broadcast_in_dim3A_818 : vector<16xi1>, vector<16xf32>
    %add3A_820 = arith.addf %add3A_811, %select_n3A_819 : vector<16xf32>
    %ge3A_821 = arith.constant 3.200000e+01 : f32
    %ge3A_822 = vector.broadcast %ge3A_821 : f32 to vector<16xf32>
    %ge3A_823 = arith.cmpf oge, %add3A_782, %ge3A_822 : vector<16xf32>
    %jit3A_824 = arith.constant 0.693147182 : f32
    %jit3A_825 = arith.constant 0.000000e+00 : f32
    %broadcast_in_dim3A_826 = vector.broadcast %jit3A_824 : f32 to vector<16xf32>
    %broadcast_in_dim3A_827 = vector.broadcast %jit3A_825 : f32 to vector<16xf32>
    %select_n3A_828 = arith.select %ge3A_823, %broadcast_in_dim3A_826, %broadcast_in_dim3A_827 : vector<16xi1>, vector<16xf32>
    %add3A_829 = arith.addf %add3A_820, %select_n3A_828 : vector<16xf32>
    %ge3A_830 = arith.constant 6.400000e+01 : f32
    %ge3A_831 = vector.broadcast %ge3A_830 : f32 to vector<16xf32>
    %ge3A_832 = arith.cmpf oge, %add3A_782, %ge3A_831 : vector<16xf32>
    %jit3A_833 = arith.constant 0.693147182 : f32
    %jit3A_834 = arith.constant 0.000000e+00 : f32
    %broadcast_in_dim3A_835 = vector.broadcast %jit3A_833 : f32 to vector<16xf32>
    %broadcast_in_dim3A_836 = vector.broadcast %jit3A_834 : f32 to vector<16xf32>
    %select_n3A_837 = arith.select %ge3A_832, %broadcast_in_dim3A_835, %broadcast_in_dim3A_836 : vector<16xi1>, vector<16xf32>
    %add3A_838 = arith.addf %add3A_829, %select_n3A_837 : vector<16xf32>
    %ge3A_839 = arith.constant 1.280000e+02 : f32
    %ge3A_840 = vector.broadcast %ge3A_839 : f32 to vector<16xf32>
    %ge3A_841 = arith.cmpf oge, %add3A_782, %ge3A_840 : vector<16xf32>
    %jit3A_842 = arith.constant 0.693147182 : f32
    %jit3A_843 = arith.constant 0.000000e+00 : f32
    %broadcast_in_dim3A_844 = vector.broadcast %jit3A_842 : f32 to vector<16xf32>
    %broadcast_in_dim3A_845 = vector.broadcast %jit3A_843 : f32 to vector<16xf32>
    %select_n3A_846 = arith.select %ge3A_841, %broadcast_in_dim3A_844, %broadcast_in_dim3A_845 : vector<16xi1>, vector<16xf32>
    %add3A_847 = arith.addf %add3A_838, %select_n3A_846 : vector<16xf32>
    %ge3A_848 = arith.constant 2.560000e+02 : f32
    %ge3A_849 = vector.broadcast %ge3A_848 : f32 to vector<16xf32>
    %ge3A_850 = arith.cmpf oge, %add3A_782, %ge3A_849 : vector<16xf32>
    %jit3A_851 = arith.constant 0.693147182 : f32
    %jit3A_852 = arith.constant 0.000000e+00 : f32
    %broadcast_in_dim3A_853 = vector.broadcast %jit3A_851 : f32 to vector<16xf32>
    %broadcast_in_dim3A_854 = vector.broadcast %jit3A_852 : f32 to vector<16xf32>
    %select_n3A_855 = arith.select %ge3A_850, %broadcast_in_dim3A_853, %broadcast_in_dim3A_854 : vector<16xi1>, vector<16xf32>
    %add3A_856 = arith.addf %add3A_847, %select_n3A_855 : vector<16xf32>
    %ge3A_857 = arith.constant 5.120000e+02 : f32
    %ge3A_858 = vector.broadcast %ge3A_857 : f32 to vector<16xf32>
    %ge3A_859 = arith.cmpf oge, %add3A_782, %ge3A_858 : vector<16xf32>
    %jit3A_860 = arith.constant 0.693147182 : f32
    %jit3A_861 = arith.constant 0.000000e+00 : f32
    %broadcast_in_dim3A_862 = vector.broadcast %jit3A_860 : f32 to vector<16xf32>
    %broadcast_in_dim3A_863 = vector.broadcast %jit3A_861 : f32 to vector<16xf32>
    %select_n3A_864 = arith.select %ge3A_859, %broadcast_in_dim3A_862, %broadcast_in_dim3A_863 : vector<16xi1>, vector<16xf32>
    %add3A_865 = arith.addf %add3A_856, %select_n3A_864 : vector<16xf32>
    %ge3A_866 = arith.constant 1.024000e+03 : f32
    %ge3A_867 = vector.broadcast %ge3A_866 : f32 to vector<16xf32>
    %ge3A_868 = arith.cmpf oge, %add3A_782, %ge3A_867 : vector<16xf32>
    %jit3A_869 = arith.constant 0.693147182 : f32
    %jit3A_870 = arith.constant 0.000000e+00 : f32
    %broadcast_in_dim3A_871 = vector.broadcast %jit3A_869 : f32 to vector<16xf32>
    %broadcast_in_dim3A_872 = vector.broadcast %jit3A_870 : f32 to vector<16xf32>
    %select_n3A_873 = arith.select %ge3A_868, %broadcast_in_dim3A_871, %broadcast_in_dim3A_872 : vector<16xi1>, vector<16xf32>
    %add3A_874 = arith.addf %add3A_865, %select_n3A_873 : vector<16xf32>
    %ge3A_875 = arith.constant 2.048000e+03 : f32
    %ge3A_876 = vector.broadcast %ge3A_875 : f32 to vector<16xf32>
    %ge3A_877 = arith.cmpf oge, %add3A_782, %ge3A_876 : vector<16xf32>
    %jit3A_878 = arith.constant 0.693147182 : f32
    %jit3A_879 = arith.constant 0.000000e+00 : f32
    %broadcast_in_dim3A_880 = vector.broadcast %jit3A_878 : f32 to vector<16xf32>
    %broadcast_in_dim3A_881 = vector.broadcast %jit3A_879 : f32 to vector<16xf32>
    %select_n3A_882 = arith.select %ge3A_877, %broadcast_in_dim3A_880, %broadcast_in_dim3A_881 : vector<16xi1>, vector<16xf32>
    %add3A_883 = arith.addf %add3A_874, %select_n3A_882 : vector<16xf32>
    %ge3A_884 = arith.constant 4.096000e+03 : f32
    %ge3A_885 = vector.broadcast %ge3A_884 : f32 to vector<16xf32>
    %ge3A_886 = arith.cmpf oge, %add3A_782, %ge3A_885 : vector<16xf32>
    %jit3A_887 = arith.constant 0.693147182 : f32
    %jit3A_888 = arith.constant 0.000000e+00 : f32
    %broadcast_in_dim3A_889 = vector.broadcast %jit3A_887 : f32 to vector<16xf32>
    %broadcast_in_dim3A_890 = vector.broadcast %jit3A_888 : f32 to vector<16xf32>
    %select_n3A_891 = arith.select %ge3A_886, %broadcast_in_dim3A_889, %broadcast_in_dim3A_890 : vector<16xi1>, vector<16xf32>
    %add3A_892 = arith.addf %add3A_883, %select_n3A_891 : vector<16xf32>
    %ge3A_893 = arith.constant 8.192000e+03 : f32
    %ge3A_894 = vector.broadcast %ge3A_893 : f32 to vector<16xf32>
    %ge3A_895 = arith.cmpf oge, %add3A_782, %ge3A_894 : vector<16xf32>
    %jit3A_896 = arith.constant 0.693147182 : f32
    %jit3A_897 = arith.constant 0.000000e+00 : f32
    %broadcast_in_dim3A_898 = vector.broadcast %jit3A_896 : f32 to vector<16xf32>
    %broadcast_in_dim3A_899 = vector.broadcast %jit3A_897 : f32 to vector<16xf32>
    %select_n3A_900 = arith.select %ge3A_895, %broadcast_in_dim3A_898, %broadcast_in_dim3A_899 : vector<16xi1>, vector<16xf32>
    %add3A_901 = arith.addf %add3A_892, %select_n3A_900 : vector<16xf32>
    %ge3A_902 = arith.constant 1.638400e+04 : f32
    %ge3A_903 = vector.broadcast %ge3A_902 : f32 to vector<16xf32>
    %ge3A_904 = arith.cmpf oge, %add3A_782, %ge3A_903 : vector<16xf32>
    %jit3A_905 = arith.constant 0.693147182 : f32
    %jit3A_906 = arith.constant 0.000000e+00 : f32
    %broadcast_in_dim3A_907 = vector.broadcast %jit3A_905 : f32 to vector<16xf32>
    %broadcast_in_dim3A_908 = vector.broadcast %jit3A_906 : f32 to vector<16xf32>
    %select_n3A_909 = arith.select %ge3A_904, %broadcast_in_dim3A_907, %broadcast_in_dim3A_908 : vector<16xi1>, vector<16xf32>
    %add3A_910 = arith.addf %add3A_901, %select_n3A_909 : vector<16xf32>
    %ge3A_911 = arith.constant 3.276800e+04 : f32
    %ge3A_912 = vector.broadcast %ge3A_911 : f32 to vector<16xf32>
    %ge3A_913 = arith.cmpf oge, %add3A_782, %ge3A_912 : vector<16xf32>
    %jit3A_914 = arith.constant 0.693147182 : f32
    %jit3A_915 = arith.constant 0.000000e+00 : f32
    %broadcast_in_dim3A_916 = vector.broadcast %jit3A_914 : f32 to vector<16xf32>
    %broadcast_in_dim3A_917 = vector.broadcast %jit3A_915 : f32 to vector<16xf32>
    %select_n3A_918 = arith.select %ge3A_913, %broadcast_in_dim3A_916, %broadcast_in_dim3A_917 : vector<16xi1>, vector<16xf32>
    %add3A_919 = arith.addf %add3A_910, %select_n3A_918 : vector<16xf32>
    %ge3A_920 = arith.constant 6.553600e+04 : f32
    %ge3A_921 = vector.broadcast %ge3A_920 : f32 to vector<16xf32>
    %ge3A_922 = arith.cmpf oge, %add3A_782, %ge3A_921 : vector<16xf32>
    %jit3A_923 = arith.constant 0.693147182 : f32
    %jit3A_924 = arith.constant 0.000000e+00 : f32
    %broadcast_in_dim3A_925 = vector.broadcast %jit3A_923 : f32 to vector<16xf32>
    %broadcast_in_dim3A_926 = vector.broadcast %jit3A_924 : f32 to vector<16xf32>
    %select_n3A_927 = arith.select %ge3A_922, %broadcast_in_dim3A_925, %broadcast_in_dim3A_926 : vector<16xi1>, vector<16xf32>
    %add3A_928 = arith.addf %add3A_919, %select_n3A_927 : vector<16xf32>
    %ge3A_929 = arith.constant 1.310720e+05 : f32
    %ge3A_930 = vector.broadcast %ge3A_929 : f32 to vector<16xf32>
    %ge3A_931 = arith.cmpf oge, %add3A_782, %ge3A_930 : vector<16xf32>
    %jit3A_932 = arith.constant 0.693147182 : f32
    %jit3A_933 = arith.constant 0.000000e+00 : f32
    %broadcast_in_dim3A_934 = vector.broadcast %jit3A_932 : f32 to vector<16xf32>
    %broadcast_in_dim3A_935 = vector.broadcast %jit3A_933 : f32 to vector<16xf32>
    %select_n3A_936 = arith.select %ge3A_931, %broadcast_in_dim3A_934, %broadcast_in_dim3A_935 : vector<16xi1>, vector<16xf32>
    %add3A_937 = arith.addf %add3A_928, %select_n3A_936 : vector<16xf32>
    %sub3A_938 = arith.constant 1.000000e+00 : f32
    %sub3A_939 = vector.broadcast %sub3A_938 : f32 to vector<16xf32>
    %sub3A_940 = arith.subf %add3A_937, %sub3A_939 : vector<16xf32>
    %neg3A_941 = arith.constant 0.000000e+00 : f32
    %neg3A_942 = vector.broadcast %neg3A_941 : f32 to vector<16xf32>
    %neg3A_943 = arith.subf %neg3A_942, %add3A_937 : vector<16xf32>
    %exp3A_944 = math.exp %neg3A_943 : vector<16xf32>
    %mul3A_945 = arith.mulf %add3A_782, %exp3A_944 : vector<16xf32>
    %add3A_946 = arith.addf %sub3A_940, %mul3A_945 : vector<16xf32>
    %sub3A_947 = arith.constant 1.000000e+00 : f32
    %sub3A_948 = vector.broadcast %sub3A_947 : f32 to vector<16xf32>
    %sub3A_949 = arith.subf %add3A_946, %sub3A_948 : vector<16xf32>
    %neg3A_950 = arith.constant 0.000000e+00 : f32
    %neg3A_951 = vector.broadcast %neg3A_950 : f32 to vector<16xf32>
    %neg3A_952 = arith.subf %neg3A_951, %add3A_946 : vector<16xf32>
    %exp3A_953 = math.exp %neg3A_952 : vector<16xf32>
    %mul3A_954 = arith.mulf %add3A_782, %exp3A_953 : vector<16xf32>
    %add3A_955 = arith.addf %sub3A_949, %mul3A_954 : vector<16xf32>
    %sub3A_956 = arith.constant 1.000000e+00 : f32
    %sub3A_957 = vector.broadcast %sub3A_956 : f32 to vector<16xf32>
    %sub3A_958 = arith.subf %add3A_955, %sub3A_957 : vector<16xf32>
    %neg3A_959 = arith.constant 0.000000e+00 : f32
    %neg3A_960 = vector.broadcast %neg3A_959 : f32 to vector<16xf32>
    %neg3A_961 = arith.subf %neg3A_960, %add3A_955 : vector<16xf32>
    %exp3A_962 = math.exp %neg3A_961 : vector<16xf32>
    %mul3A_963 = arith.mulf %add3A_782, %exp3A_962 : vector<16xf32>
    %add3A_964 = arith.addf %sub3A_958, %mul3A_963 : vector<16xf32>
    %sub3A_965 = arith.constant 1.000000e+00 : f32
    %sub3A_966 = vector.broadcast %sub3A_965 : f32 to vector<16xf32>
    %sub3A_967 = arith.subf %add3A_964, %sub3A_966 : vector<16xf32>
    %neg3A_968 = arith.constant 0.000000e+00 : f32
    %neg3A_969 = vector.broadcast %neg3A_968 : f32 to vector<16xf32>
    %neg3A_970 = arith.subf %neg3A_969, %add3A_964 : vector<16xf32>
    %exp3A_971 = math.exp %neg3A_970 : vector<16xf32>
    %mul3A_972 = arith.mulf %add3A_782, %exp3A_971 : vector<16xf32>
    %add3A_973 = arith.addf %sub3A_967, %mul3A_972 : vector<16xf32>
    %add3A_974 = arith.addf %max3A_718, %add3A_973 : vector<16xf32>
    %scan3A_975 = arith.constant 0 : i32
    %scan3A_976 = arith.constant 0 : i32
    %scan3A_977 = arith.constant 625 : i32
    %scan3A_978 = arith.addi %scan3A_976, %scan3A_977 : i32
    %scan3A_979 = arith.constant 1 : i32
    %scan3A_980 = scf.for %scan3A_1313 = %scan3A_976 to %scan3A_978 step %scan3A_979 iter_args(%scan3A_1314 = %scan3A_975) -> (i32)  : i32 {
      %mul3A_1315 = arith.constant 160 : i32
      %mul3A_1316 = arith.muli %scan3A_1313, %mul3A_1315 : i32
      %add3A_1317 = arith.constant 0 : i32
      %add3A_1318 = arith.addi %mul3A_1316, %add3A_1317 : i32
      %get3A = arith.index_cast %add3A_1318 : i32 to index
      %get3A_1319 = tpu.vector_load %arg4[%get3A] {strides = array<i32>} : memref<100000xf32, #tpu.memory_space<vmem>>, vector<16xf32>,
      %get3A_1320 = vector.shape_cast %get3A_1319 : vector<16xf32> to vector<16xf32>
      %sub3A_1321 = arith.subf %get3A_1320, %add3A_974 : vector<16xf32>
      %swap3A = arith.index_cast %add3A_1318 : i32 to index
      %swap3A_1322 = tpu.vector_load %arg4[%swap3A] {strides = array<i32>} : memref<100000xf32, #tpu.memory_space<vmem>>, vector<16xf32>,
      %swap3A_1323 = vector.shape_cast %swap3A_1322 : vector<16xf32> to vector<16xf32>
      %swap3A_1324 = vector.shape_cast %sub3A_1321 : vector<16xf32> to vector<16xf32>
      tpu.vector_store %arg4[%swap3A], %swap3A_1324 {strides = array<i32>} : memref<100000xf32, #tpu.memory_space<vmem>>, vector<16xf32>,
      %add3A_1325 = arith.constant 16 : i32
      %add3A_1326 = arith.addi %mul3A_1316, %add3A_1325 : i32
      %get3A_1327 = arith.index_cast %add3A_1326 : i32 to index
      %get3A_1328 = tpu.vector_load %arg4[%get3A_1327] {strides = array<i32>} : memref<100000xf32, #tpu.memory_space<vmem>>, vector<16xf32>,
      %get3A_1329 = vector.shape_cast %get3A_1328 : vector<16xf32> to vector<16xf32>
      %sub3A_1330 = arith.subf %get3A_1329, %add3A_974 : vector<16xf32>
      %swap3A_1331 = arith.index_cast %add3A_1326 : i32 to index
      %swap3A_1332 = tpu.vector_load %arg4[%swap3A_1331] {strides = array<i32>} : memref<100000xf32, #tpu.memory_space<vmem>>, vector<16xf32>,
      %swap3A_1333 = vector.shape_cast %swap3A_1332 : vector<16xf32> to vector<16xf32>
      %swap3A_1334 = vector.shape_cast %sub3A_1330 : vector<16xf32> to vector<16xf32>
      tpu.vector_store %arg4[%swap3A_1331], %swap3A_1334 {strides = array<i32>} : memref<100000xf32, #tpu.memory_space<vmem>>, vector<16xf32>,
      %add3A_1335 = arith.constant 32 : i32
      %add3A_1336 = arith.addi %mul3A_1316, %add3A_1335 : i32
      %get3A_1337 = arith.index_cast %add3A_1336 : i32 to index
      %get3A_1338 = tpu.vector_load %arg4[%get3A_1337] {strides = array<i32>} : memref<100000xf32, #tpu.memory_space<vmem>>, vector<16xf32>,
      %get3A_1339 = vector.shape_cast %get3A_1338 : vector<16xf32> to vector<16xf32>
      %sub3A_1340 = arith.subf %get3A_1339, %add3A_974 : vector<16xf32>
      %swap3A_1341 = arith.index_cast %add3A_1336 : i32 to index
      %swap3A_1342 = tpu.vector_load %arg4[%swap3A_1341] {strides = array<i32>} : memref<100000xf32, #tpu.memory_space<vmem>>, vector<16xf32>,
      %swap3A_1343 = vector.shape_cast %swap3A_1342 : vector<16xf32> to vector<16xf32>
      %swap3A_1344 = vector.shape_cast %sub3A_1340 : vector<16xf32> to vector<16xf32>
      tpu.vector_store %arg4[%swap3A_1341], %swap3A_1344 {strides = array<i32>} : memref<100000xf32, #tpu.memory_space<vmem>>, vector<16xf32>,
      %add3A_1345 = arith.constant 48 : i32
      %add3A_1346 = arith.addi %mul3A_1316, %add3A_1345 : i32
      %get3A_1347 = arith.index_cast %add3A_1346 : i32 to index
      %get3A_1348 = tpu.vector_load %arg4[%get3A_1347] {strides = array<i32>} : memref<100000xf32, #tpu.memory_space<vmem>>, vector<16xf32>,
      %get3A_1349 = vector.shape_cast %get3A_1348 : vector<16xf32> to vector<16xf32>
      %sub3A_1350 = arith.subf %get3A_1349, %add3A_974 : vector<16xf32>
      %swap3A_1351 = arith.index_cast %add3A_1346 : i32 to index
      %swap3A_1352 = tpu.vector_load %arg4[%swap3A_1351] {strides = array<i32>} : memref<100000xf32, #tpu.memory_space<vmem>>, vector<16xf32>,
      %swap3A_1353 = vector.shape_cast %swap3A_1352 : vector<16xf32> to vector<16xf32>
      %swap3A_1354 = vector.shape_cast %sub3A_1350 : vector<16xf32> to vector<16xf32>
      tpu.vector_store %arg4[%swap3A_1351], %swap3A_1354 {strides = array<i32>} : memref<100000xf32, #tpu.memory_space<vmem>>, vector<16xf32>,
      %add3A_1355 = arith.constant 64 : i32
      %add3A_1356 = arith.addi %mul3A_1316, %add3A_1355 : i32
      %get3A_1357 = arith.index_cast %add3A_1356 : i32 to index
      %get3A_1358 = tpu.vector_load %arg4[%get3A_1357] {strides = array<i32>} : memref<100000xf32, #tpu.memory_space<vmem>>, vector<16xf32>,
      %get3A_1359 = vector.shape_cast %get3A_1358 : vector<16xf32> to vector<16xf32>
      %sub3A_1360 = arith.subf %get3A_1359, %add3A_974 : vector<16xf32>
      %swap3A_1361 = arith.index_cast %add3A_1356 : i32 to index
      %swap3A_1362 = tpu.vector_load %arg4[%swap3A_1361] {strides = array<i32>} : memref<100000xf32, #tpu.memory_space<vmem>>, vector<16xf32>,
      %swap3A_1363 = vector.shape_cast %swap3A_1362 : vector<16xf32> to vector<16xf32>
      %swap3A_1364 = vector.shape_cast %sub3A_1360 : vector<16xf32> to vector<16xf32>
      tpu.vector_store %arg4[%swap3A_1361], %swap3A_1364 {strides = array<i32>} : memref<100000xf32, #tpu.memory_space<vmem>>, vector<16xf32>,
      %add3A_1365 = arith.constant 80 : i32
      %add3A_1366 = arith.addi %mul3A_1316, %add3A_1365 : i32
      %get3A_1367 = arith.index_cast %add3A_1366 : i32 to index
      %get3A_1368 = tpu.vector_load %arg4[%get3A_1367] {strides = array<i32>} : memref<100000xf32, #tpu.memory_space<vmem>>, vector<16xf32>,
      %get3A_1369 = vector.shape_cast %get3A_1368 : vector<16xf32> to vector<16xf32>
      %sub3A_1370 = arith.subf %get3A_1369, %add3A_974 : vector<16xf32>
      %swap3A_1371 = arith.index_cast %add3A_1366 : i32 to index
      %swap3A_1372 = tpu.vector_load %arg4[%swap3A_1371] {strides = array<i32>} : memref<100000xf32, #tpu.memory_space<vmem>>, vector<16xf32>,
      %swap3A_1373 = vector.shape_cast %swap3A_1372 : vector<16xf32> to vector<16xf32>
      %swap3A_1374 = vector.shape_cast %sub3A_1370 : vector<16xf32> to vector<16xf32>
      tpu.vector_store %arg4[%swap3A_1371], %swap3A_1374 {strides = array<i32>} : memref<100000xf32, #tpu.memory_space<vmem>>, vector<16xf32>,
      %add3A_1375 = arith.constant 96 : i32
      %add3A_1376 = arith.addi %mul3A_1316, %add3A_1375 : i32
      %get3A_1377 = arith.index_cast %add3A_1376 : i32 to index
      %get3A_1378 = tpu.vector_load %arg4[%get3A_1377] {strides = array<i32>} : memref<100000xf32, #tpu.memory_space<vmem>>, vector<16xf32>,
      %get3A_1379 = vector.shape_cast %get3A_1378 : vector<16xf32> to vector<16xf32>
      %sub3A_1380 = arith.subf %get3A_1379, %add3A_974 : vector<16xf32>
      %swap3A_1381 = arith.index_cast %add3A_1376 : i32 to index
      %swap3A_1382 = tpu.vector_load %arg4[%swap3A_1381] {strides = array<i32>} : memref<100000xf32, #tpu.memory_space<vmem>>, vector<16xf32>,
      %swap3A_1383 = vector.shape_cast %swap3A_1382 : vector<16xf32> to vector<16xf32>
      %swap3A_1384 = vector.shape_cast %sub3A_1380 : vector<16xf32> to vector<16xf32>
      tpu.vector_store %arg4[%swap3A_1381], %swap3A_1384 {strides = array<i32>} : memref<100000xf32, #tpu.memory_space<vmem>>, vector<16xf32>,
      %add3A_1385 = arith.constant 112 : i32
      %add3A_1386 = arith.addi %mul3A_1316, %add3A_1385 : i32
      %get3A_1387 = arith.index_cast %add3A_1386 : i32 to index
      %get3A_1388 = tpu.vector_load %arg4[%get3A_1387] {strides = array<i32>} : memref<100000xf32, #tpu.memory_space<vmem>>, vector<16xf32>,
      %get3A_1389 = vector.shape_cast %get3A_1388 : vector<16xf32> to vector<16xf32>
      %sub3A_1390 = arith.subf %get3A_1389, %add3A_974 : vector<16xf32>
      %swap3A_1391 = arith.index_cast %add3A_1386 : i32 to index
      %swap3A_1392 = tpu.vector_load %arg4[%swap3A_1391] {strides = array<i32>} : memref<100000xf32, #tpu.memory_space<vmem>>, vector<16xf32>,
      %swap3A_1393 = vector.shape_cast %swap3A_1392 : vector<16xf32> to vector<16xf32>
      %swap3A_1394 = vector.shape_cast %sub3A_1390 : vector<16xf32> to vector<16xf32>
      tpu.vector_store %arg4[%swap3A_1391], %swap3A_1394 {strides = array<i32>} : memref<100000xf32, #tpu.memory_space<vmem>>, vector<16xf32>,
      %add3A_1395 = arith.constant 128 : i32
      %add3A_1396 = arith.addi %mul3A_1316, %add3A_1395 : i32
      %get3A_1397 = arith.index_cast %add3A_1396 : i32 to index
      %get3A_1398 = tpu.vector_load %arg4[%get3A_1397] {strides = array<i32>} : memref<100000xf32, #tpu.memory_space<vmem>>, vector<16xf32>,
      %get3A_1399 = vector.shape_cast %get3A_1398 : vector<16xf32> to vector<16xf32>
      %sub3A_1400 = arith.subf %get3A_1399, %add3A_974 : vector<16xf32>
      %swap3A_1401 = arith.index_cast %add3A_1396 : i32 to index
      %swap3A_1402 = tpu.vector_load %arg4[%swap3A_1401] {strides = array<i32>} : memref<100000xf32, #tpu.memory_space<vmem>>, vector<16xf32>,
      %swap3A_1403 = vector.shape_cast %swap3A_1402 : vector<16xf32> to vector<16xf32>
      %swap3A_1404 = vector.shape_cast %sub3A_1400 : vector<16xf32> to vector<16xf32>
      tpu.vector_store %arg4[%swap3A_1401], %swap3A_1404 {strides = array<i32>} : memref<100000xf32, #tpu.memory_space<vmem>>, vector<16xf32>,
      %add3A_1405 = arith.constant 144 : i32
      %add3A_1406 = arith.addi %mul3A_1316, %add3A_1405 : i32
      %get3A_1407 = arith.index_cast %add3A_1406 : i32 to index
      %get3A_1408 = tpu.vector_load %arg4[%get3A_1407] {strides = array<i32>} : memref<100000xf32, #tpu.memory_space<vmem>>, vector<16xf32>,
      %get3A_1409 = vector.shape_cast %get3A_1408 : vector<16xf32> to vector<16xf32>
      %sub3A_1410 = arith.subf %get3A_1409, %add3A_974 : vector<16xf32>
      %swap3A_1411 = arith.index_cast %add3A_1406 : i32 to index
      %swap3A_1412 = tpu.vector_load %arg4[%swap3A_1411] {strides = array<i32>} : memref<100000xf32, #tpu.memory_space<vmem>>, vector<16xf32>,
      %swap3A_1413 = vector.shape_cast %swap3A_1412 : vector<16xf32> to vector<16xf32>
      %swap3A_1414 = vector.shape_cast %sub3A_1410 : vector<16xf32> to vector<16xf32>
      tpu.vector_store %arg4[%swap3A_1411], %swap3A_1414 {strides = array<i32>} : memref<100000xf32, #tpu.memory_space<vmem>>, vector<16xf32>,
      %scan3A_1415 = arith.constant 0 : i32
      scf.yield %scan3A_1415 : i32
    }
    %scan3A_981 = arith.constant 625 : i32
    "tpu.region"() ({
      %run_scoped3A = tpu.sem_alloc : memref<!tpu.dma_semaphore, #tpu.memory_space<semaphore_mem>>
      %dma_start3A = arith.constant 0 : i32
      %dma_start3A_1313 = tpu.memref_slice %arg3[%add3A_654, %dma_start3A] : memref<128x100000xf32, #tpu.memory_space<hbm>> -> memref<1x100000xf32, #tpu.memory_space<hbm>>
      %dma_start3A_1314 = tpu.memref_squeeze %dma_start3A_1313 : memref<1x100000xf32, #tpu.memory_space<hbm>> -> memref<100000xf32, #tpu.memory_space<hbm>>
      %dma_start3A_1315 = arith.constant 0 : i32
      %dma_start3A_1316 = tpu.memref_slice %arg3[%add3A_654, %dma_start3A_1315] : memref<128x100000xf32, #tpu.memory_space<hbm>> -> memref<1x100000xf32, #tpu.memory_space<hbm>>
      %dma_start3A_1317 = tpu.memref_squeeze %dma_start3A_1316 : memref<1x100000xf32, #tpu.memory_space<hbm>> -> memref<100000xf32, #tpu.memory_space<hbm>>
      tpu.enqueue_dma source(%arg4 : memref<100000xf32, #tpu.memory_space<vmem>>) target(%dma_start3A_1317 : memref<100000xf32, #tpu.memory_space<hbm>>) target_semaphore(%run_scoped3A : memref<!tpu.dma_semaphore, #tpu.memory_space<semaphore_mem>>)
      %dma_wait3A = arith.constant 0 : i32
      %dma_wait3A_1318 = tpu.memref_slice %arg3[%add3A_654, %dma_wait3A] : memref<128x100000xf32, #tpu.memory_space<hbm>> -> memref<1x100000xf32, #tpu.memory_space<hbm>>
      %dma_wait3A_1319 = tpu.memref_squeeze %dma_wait3A_1318 : memref<1x100000xf32, #tpu.memory_space<hbm>> -> memref<100000xf32, #tpu.memory_space<hbm>>
      %dma_wait3A_1320 = arith.constant 0 : i32
      %dma_wait3A_1321 = tpu.memref_slice %arg3[%add3A_654, %dma_wait3A_1320] : memref<128x100000xf32, #tpu.memory_space<hbm>> -> memref<1x100000xf32, #tpu.memory_space<hbm>>
      %dma_wait3A_1322 = tpu.memref_squeeze %dma_wait3A_1321 : memref<1x100000xf32, #tpu.memory_space<hbm>> -> memref<100000xf32, #tpu.memory_space<hbm>>
      tpu.wait_dma2 semaphore(%run_scoped3A : memref<!tpu.dma_semaphore, #tpu.memory_space<semaphore_mem>>) src(%arg4 : memref<100000xf32, #tpu.memory_space<vmem>>) dst(%dma_wait3A_1322 : memref<100000xf32, #tpu.memory_space<hbm>>)
      tpu.yield
    }) : () -> ()
    %mul3A_982 = arith.constant 4 : i32
    %mul3A_983 = arith.muli %add3A, %mul3A_982 : i32
    %add3A_984 = arith.constant 3 : i32
    %add3A_985 = arith.addi %mul3A_983, %add3A_984 : i32
    "tpu.region"() ({
      %run_scoped3A = tpu.sem_alloc : memref<!tpu.dma_semaphore, #tpu.memory_space<semaphore_mem>>
      %dma_start3A = arith.constant 0 : i32
      %dma_start3A_1313 = tpu.memref_slice %arg2[%add3A_985, %dma_start3A] : memref<128x100000xf32, #tpu.memory_space<hbm>> -> memref<1x100000xf32, #tpu.memory_space<hbm>>
      %dma_start3A_1314 = tpu.memref_squeeze %dma_start3A_1313 : memref<1x100000xf32, #tpu.memory_space<hbm>> -> memref<100000xf32, #tpu.memory_space<hbm>>
      %dma_start3A_1315 = arith.constant 0 : i32
      %dma_start3A_1316 = tpu.memref_slice %arg2[%add3A_985, %dma_start3A_1315] : memref<128x100000xf32, #tpu.memory_space<hbm>> -> memref<1x100000xf32, #tpu.memory_space<hbm>>
      %dma_start3A_1317 = tpu.memref_squeeze %dma_start3A_1316 : memref<1x100000xf32, #tpu.memory_space<hbm>> -> memref<100000xf32, #tpu.memory_space<hbm>>
      tpu.enqueue_dma source(%dma_start3A_1317 : memref<100000xf32, #tpu.memory_space<hbm>>) target(%arg4 : memref<100000xf32, #tpu.memory_space<vmem>>) target_semaphore(%run_scoped3A : memref<!tpu.dma_semaphore, #tpu.memory_space<semaphore_mem>>)
      %dma_wait3A = arith.constant 0 : i32
      %dma_wait3A_1318 = tpu.memref_slice %arg2[%add3A_985, %dma_wait3A] : memref<128x100000xf32, #tpu.memory_space<hbm>> -> memref<1x100000xf32, #tpu.memory_space<hbm>>
      %dma_wait3A_1319 = tpu.memref_squeeze %dma_wait3A_1318 : memref<1x100000xf32, #tpu.memory_space<hbm>> -> memref<100000xf32, #tpu.memory_space<hbm>>
      %dma_wait3A_1320 = arith.constant 0 : i32
      %dma_wait3A_1321 = tpu.memref_slice %arg2[%add3A_985, %dma_wait3A_1320] : memref<128x100000xf32, #tpu.memory_space<hbm>> -> memref<1x100000xf32, #tpu.memory_space<hbm>>
      %dma_wait3A_1322 = tpu.memref_squeeze %dma_wait3A_1321 : memref<1x100000xf32, #tpu.memory_space<hbm>> -> memref<100000xf32, #tpu.memory_space<hbm>>
      tpu.wait_dma2 semaphore(%run_scoped3A : memref<!tpu.dma_semaphore, #tpu.memory_space<semaphore_mem>>) src(%dma_wait3A_1322 : memref<100000xf32, #tpu.memory_space<hbm>>) dst(%arg4 : memref<100000xf32, #tpu.memory_space<vmem>>)
      tpu.yield
    }) : () -> ()
    %broadcast_in_dim3A_986 = arith.constant 0xFF800000 : f32
    %broadcast_in_dim3A_987 = vector.broadcast %broadcast_in_dim3A_986 : f32 to vector<16xf32>
    %broadcast_in_dim3A_988 = arith.constant 0xFF800000 : f32
    %broadcast_in_dim3A_989 = vector.broadcast %broadcast_in_dim3A_988 : f32 to vector<16xf32>
    %broadcast_in_dim3A_990 = arith.constant 0xFF800000 : f32
    %broadcast_in_dim3A_991 = vector.broadcast %broadcast_in_dim3A_990 : f32 to vector<16xf32>
    %broadcast_in_dim3A_992 = arith.constant 0xFF800000 : f32
    %broadcast_in_dim3A_993 = vector.broadcast %broadcast_in_dim3A_992 : f32 to vector<16xf32>
    %broadcast_in_dim3A_994 = arith.constant 0xFF800000 : f32
    %broadcast_in_dim3A_995 = vector.broadcast %broadcast_in_dim3A_994 : f32 to vector<16xf32>
    %broadcast_in_dim3A_996 = arith.constant 0xFF800000 : f32
    %broadcast_in_dim3A_997 = vector.broadcast %broadcast_in_dim3A_996 : f32 to vector<16xf32>
    %broadcast_in_dim3A_998 = arith.constant 0xFF800000 : f32
    %broadcast_in_dim3A_999 = vector.broadcast %broadcast_in_dim3A_998 : f32 to vector<16xf32>
    %broadcast_in_dim3A_1000 = arith.constant 0xFF800000 : f32
    %broadcast_in_dim3A_1001 = vector.broadcast %broadcast_in_dim3A_1000 : f32 to vector<16xf32>
    %broadcast_in_dim3A_1002 = arith.constant 0xFF800000 : f32
    %broadcast_in_dim3A_1003 = vector.broadcast %broadcast_in_dim3A_1002 : f32 to vector<16xf32>
    %broadcast_in_dim3A_1004 = arith.constant 0xFF800000 : f32
    %broadcast_in_dim3A_1005 = vector.broadcast %broadcast_in_dim3A_1004 : f32 to vector<16xf32>
    %scan3A_1006 = arith.constant 0 : i32
    %scan3A_1007 = arith.constant 625 : i32
    %scan3A_1008 = arith.addi %scan3A_1006, %scan3A_1007 : i32
    %scan3A_1009 = arith.constant 1 : i32
    %scan3A_1010:10 = scf.for %scan3A_1313 = %scan3A_1006 to %scan3A_1008 step %scan3A_1009 iter_args(%scan3A_1314 = %broadcast_in_dim3A_987, %scan3A_1315 = %broadcast_in_dim3A_989, %scan3A_1316 = %broadcast_in_dim3A_991, %scan3A_1317 = %broadcast_in_dim3A_993, %scan3A_1318 = %broadcast_in_dim3A_995, %scan3A_1319 = %broadcast_in_dim3A_997, %scan3A_1320 = %broadcast_in_dim3A_999, %scan3A_1321 = %broadcast_in_dim3A_1001, %scan3A_1322 = %broadcast_in_dim3A_1003, %scan3A_1323 = %broadcast_in_dim3A_1005) -> (vector<16xf32>, vector<16xf32>, vector<16xf32>, vector<16xf32>, vector<16xf32>, vector<16xf32>, vector<16xf32>, vector<16xf32>, vector<16xf32>, vector<16xf32>)  : i32 {
      %mul3A_1324 = arith.constant 160 : i32
      %mul3A_1325 = arith.muli %scan3A_1313, %mul3A_1324 : i32
      %add3A_1326 = arith.constant 0 : i32
      %add3A_1327 = arith.addi %mul3A_1325, %add3A_1326 : i32
      %get3A = arith.index_cast %add3A_1327 : i32 to index
      %get3A_1328 = tpu.vector_load %arg4[%get3A] {strides = array<i32>} : memref<100000xf32, #tpu.memory_space<vmem>>, vector<16xf32>,
      %get3A_1329 = vector.shape_cast %get3A_1328 : vector<16xf32> to vector<16xf32>
      %max3A_1330 = arith.maximumf %scan3A_1314, %get3A_1329 : vector<16xf32>
      %add3A_1331 = arith.constant 16 : i32
      %add3A_1332 = arith.addi %mul3A_1325, %add3A_1331 : i32
      %get3A_1333 = arith.index_cast %add3A_1332 : i32 to index
      %get3A_1334 = tpu.vector_load %arg4[%get3A_1333] {strides = array<i32>} : memref<100000xf32, #tpu.memory_space<vmem>>, vector<16xf32>,
      %get3A_1335 = vector.shape_cast %get3A_1334 : vector<16xf32> to vector<16xf32>
      %max3A_1336 = arith.maximumf %scan3A_1315, %get3A_1335 : vector<16xf32>
      %add3A_1337 = arith.constant 32 : i32
      %add3A_1338 = arith.addi %mul3A_1325, %add3A_1337 : i32
      %get3A_1339 = arith.index_cast %add3A_1338 : i32 to index
      %get3A_1340 = tpu.vector_load %arg4[%get3A_1339] {strides = array<i32>} : memref<100000xf32, #tpu.memory_space<vmem>>, vector<16xf32>,
      %get3A_1341 = vector.shape_cast %get3A_1340 : vector<16xf32> to vector<16xf32>
      %max3A_1342 = arith.maximumf %scan3A_1316, %get3A_1341 : vector<16xf32>
      %add3A_1343 = arith.constant 48 : i32
      %add3A_1344 = arith.addi %mul3A_1325, %add3A_1343 : i32
      %get3A_1345 = arith.index_cast %add3A_1344 : i32 to index
      %get3A_1346 = tpu.vector_load %arg4[%get3A_1345] {strides = array<i32>} : memref<100000xf32, #tpu.memory_space<vmem>>, vector<16xf32>,
      %get3A_1347 = vector.shape_cast %get3A_1346 : vector<16xf32> to vector<16xf32>
      %max3A_1348 = arith.maximumf %scan3A_1317, %get3A_1347 : vector<16xf32>
      %add3A_1349 = arith.constant 64 : i32
      %add3A_1350 = arith.addi %mul3A_1325, %add3A_1349 : i32
      %get3A_1351 = arith.index_cast %add3A_1350 : i32 to index
      %get3A_1352 = tpu.vector_load %arg4[%get3A_1351] {strides = array<i32>} : memref<100000xf32, #tpu.memory_space<vmem>>, vector<16xf32>,
      %get3A_1353 = vector.shape_cast %get3A_1352 : vector<16xf32> to vector<16xf32>
      %max3A_1354 = arith.maximumf %scan3A_1318, %get3A_1353 : vector<16xf32>
      %add3A_1355 = arith.constant 80 : i32
      %add3A_1356 = arith.addi %mul3A_1325, %add3A_1355 : i32
      %get3A_1357 = arith.index_cast %add3A_1356 : i32 to index
      %get3A_1358 = tpu.vector_load %arg4[%get3A_1357] {strides = array<i32>} : memref<100000xf32, #tpu.memory_space<vmem>>, vector<16xf32>,
      %get3A_1359 = vector.shape_cast %get3A_1358 : vector<16xf32> to vector<16xf32>
      %max3A_1360 = arith.maximumf %scan3A_1319, %get3A_1359 : vector<16xf32>
      %add3A_1361 = arith.constant 96 : i32
      %add3A_1362 = arith.addi %mul3A_1325, %add3A_1361 : i32
      %get3A_1363 = arith.index_cast %add3A_1362 : i32 to index
      %get3A_1364 = tpu.vector_load %arg4[%get3A_1363] {strides = array<i32>} : memref<100000xf32, #tpu.memory_space<vmem>>, vector<16xf32>,
      %get3A_1365 = vector.shape_cast %get3A_1364 : vector<16xf32> to vector<16xf32>
      %max3A_1366 = arith.maximumf %scan3A_1320, %get3A_1365 : vector<16xf32>
      %add3A_1367 = arith.constant 112 : i32
      %add3A_1368 = arith.addi %mul3A_1325, %add3A_1367 : i32
      %get3A_1369 = arith.index_cast %add3A_1368 : i32 to index
      %get3A_1370 = tpu.vector_load %arg4[%get3A_1369] {strides = array<i32>} : memref<100000xf32, #tpu.memory_space<vmem>>, vector<16xf32>,
      %get3A_1371 = vector.shape_cast %get3A_1370 : vector<16xf32> to vector<16xf32>
      %max3A_1372 = arith.maximumf %scan3A_1321, %get3A_1371 : vector<16xf32>
      %add3A_1373 = arith.constant 128 : i32
      %add3A_1374 = arith.addi %mul3A_1325, %add3A_1373 : i32
      %get3A_1375 = arith.index_cast %add3A_1374 : i32 to index
      %get3A_1376 = tpu.vector_load %arg4[%get3A_1375] {strides = array<i32>} : memref<100000xf32, #tpu.memory_space<vmem>>, vector<16xf32>,
      %get3A_1377 = vector.shape_cast %get3A_1376 : vector<16xf32> to vector<16xf32>
      %max3A_1378 = arith.maximumf %scan3A_1322, %get3A_1377 : vector<16xf32>
      %add3A_1379 = arith.constant 144 : i32
      %add3A_1380 = arith.addi %mul3A_1325, %add3A_1379 : i32
      %get3A_1381 = arith.index_cast %add3A_1380 : i32 to index
      %get3A_1382 = tpu.vector_load %arg4[%get3A_1381] {strides = array<i32>} : memref<100000xf32, #tpu.memory_space<vmem>>, vector<16xf32>,
      %get3A_1383 = vector.shape_cast %get3A_1382 : vector<16xf32> to vector<16xf32>
      %max3A_1384 = arith.maximumf %scan3A_1323, %get3A_1383 : vector<16xf32>
      scf.yield %max3A_1330, %max3A_1336, %max3A_1342, %max3A_1348, %max3A_1354, %max3A_1360, %max3A_1366, %max3A_1372, %max3A_1378, %max3A_1384 : vector<16xf32>, vector<16xf32>, vector<16xf32>, vector<16xf32>, vector<16xf32>, vector<16xf32>, vector<16xf32>, vector<16xf32>, vector<16xf32>, vector<16xf32>
    }
    %scan3A_1011 = arith.constant 625 : i32
    %max3A_1012 = arith.maximumf %scan3A_1010#0, %scan3A_1010#1 : vector<16xf32>
    %max3A_1013 = arith.maximumf %max3A_1012, %scan3A_1010#2 : vector<16xf32>
    %max3A_1014 = arith.maximumf %max3A_1013, %scan3A_1010#3 : vector<16xf32>
    %max3A_1015 = arith.maximumf %max3A_1014, %scan3A_1010#4 : vector<16xf32>
    %max3A_1016 = arith.maximumf %max3A_1015, %scan3A_1010#5 : vector<16xf32>
    %max3A_1017 = arith.maximumf %max3A_1016, %scan3A_1010#6 : vector<16xf32>
    %max3A_1018 = arith.maximumf %max3A_1017, %scan3A_1010#7 : vector<16xf32>
    %max3A_1019 = arith.maximumf %max3A_1018, %scan3A_1010#8 : vector<16xf32>
    %max3A_1020 = arith.maximumf %max3A_1019, %scan3A_1010#9 : vector<16xf32>
    %iota3A_1021 = tpu.iota {dimensions = array<i32: 0>} : vector<16xi32>
    %xor3A_1022 = arith.constant 8 : i32
    %xor3A_1023 = vector.broadcast %xor3A_1022 : i32 to vector<16xi32>
    %xor3A_1024 = arith.xori %iota3A_1021, %xor3A_1023 : vector<16xi32>
    %broadcast_in_dim3A_1025 = vector.shape_cast %xor3A_1024 : vector<16xi32> to vector<16x1xi32>
    %gather3A_1026 = vector.shape_cast %broadcast_in_dim3A_1025 : vector<16x1xi32> to vector<16xi32>
    %gather3A_1027 = tpu.dynamic_gather %max3A_1020[%gather3A_1026] in [0] : vector<16xf32>, vector<16xi32> -> vector<16xf32>
    %max3A_1028 = arith.maximumf %max3A_1020, %gather3A_1027 : vector<16xf32>
    %xor3A_1029 = arith.constant 4 : i32
    %xor3A_1030 = vector.broadcast %xor3A_1029 : i32 to vector<16xi32>
    %xor3A_1031 = arith.xori %iota3A_1021, %xor3A_1030 : vector<16xi32>
    %broadcast_in_dim3A_1032 = vector.shape_cast %xor3A_1031 : vector<16xi32> to vector<16x1xi32>
    %gather3A_1033 = vector.shape_cast %broadcast_in_dim3A_1032 : vector<16x1xi32> to vector<16xi32>
    %gather3A_1034 = tpu.dynamic_gather %max3A_1028[%gather3A_1033] in [0] : vector<16xf32>, vector<16xi32> -> vector<16xf32>
    %max3A_1035 = arith.maximumf %max3A_1028, %gather3A_1034 : vector<16xf32>
    %xor3A_1036 = arith.constant 2 : i32
    %xor3A_1037 = vector.broadcast %xor3A_1036 : i32 to vector<16xi32>
    %xor3A_1038 = arith.xori %iota3A_1021, %xor3A_1037 : vector<16xi32>
    %broadcast_in_dim3A_1039 = vector.shape_cast %xor3A_1038 : vector<16xi32> to vector<16x1xi32>
    %gather3A_1040 = vector.shape_cast %broadcast_in_dim3A_1039 : vector<16x1xi32> to vector<16xi32>
    %gather3A_1041 = tpu.dynamic_gather %max3A_1035[%gather3A_1040] in [0] : vector<16xf32>, vector<16xi32> -> vector<16xf32>
    %max3A_1042 = arith.maximumf %max3A_1035, %gather3A_1041 : vector<16xf32>
    %xor3A_1043 = arith.constant 1 : i32
    %xor3A_1044 = vector.broadcast %xor3A_1043 : i32 to vector<16xi32>
    %xor3A_1045 = arith.xori %iota3A_1021, %xor3A_1044 : vector<16xi32>
    %broadcast_in_dim3A_1046 = vector.shape_cast %xor3A_1045 : vector<16xi32> to vector<16x1xi32>
    %gather3A_1047 = vector.shape_cast %broadcast_in_dim3A_1046 : vector<16x1xi32> to vector<16xi32>
    %gather3A_1048 = tpu.dynamic_gather %max3A_1042[%gather3A_1047] in [0] : vector<16xf32>, vector<16xi32> -> vector<16xf32>
    %max3A_1049 = arith.maximumf %max3A_1042, %gather3A_1048 : vector<16xf32>
    %broadcast_in_dim3A_1050 = arith.constant 0.000000e+00 : f32
    %broadcast_in_dim3A_1051 = vector.broadcast %broadcast_in_dim3A_1050 : f32 to vector<16xf32>
    %broadcast_in_dim3A_1052 = arith.constant 0.000000e+00 : f32
    %broadcast_in_dim3A_1053 = vector.broadcast %broadcast_in_dim3A_1052 : f32 to vector<16xf32>
    %broadcast_in_dim3A_1054 = arith.constant 0.000000e+00 : f32
    %broadcast_in_dim3A_1055 = vector.broadcast %broadcast_in_dim3A_1054 : f32 to vector<16xf32>
    %broadcast_in_dim3A_1056 = arith.constant 0.000000e+00 : f32
    %broadcast_in_dim3A_1057 = vector.broadcast %broadcast_in_dim3A_1056 : f32 to vector<16xf32>
    %broadcast_in_dim3A_1058 = arith.constant 0.000000e+00 : f32
    %broadcast_in_dim3A_1059 = vector.broadcast %broadcast_in_dim3A_1058 : f32 to vector<16xf32>
    %broadcast_in_dim3A_1060 = arith.constant 0.000000e+00 : f32
    %broadcast_in_dim3A_1061 = vector.broadcast %broadcast_in_dim3A_1060 : f32 to vector<16xf32>
    %broadcast_in_dim3A_1062 = arith.constant 0.000000e+00 : f32
    %broadcast_in_dim3A_1063 = vector.broadcast %broadcast_in_dim3A_1062 : f32 to vector<16xf32>
    %broadcast_in_dim3A_1064 = arith.constant 0.000000e+00 : f32
    %broadcast_in_dim3A_1065 = vector.broadcast %broadcast_in_dim3A_1064 : f32 to vector<16xf32>
    %broadcast_in_dim3A_1066 = arith.constant 0.000000e+00 : f32
    %broadcast_in_dim3A_1067 = vector.broadcast %broadcast_in_dim3A_1066 : f32 to vector<16xf32>
    %broadcast_in_dim3A_1068 = arith.constant 0.000000e+00 : f32
    %broadcast_in_dim3A_1069 = vector.broadcast %broadcast_in_dim3A_1068 : f32 to vector<16xf32>
    %scan3A_1070 = arith.constant 0 : i32
    %scan3A_1071 = arith.constant 625 : i32
    %scan3A_1072 = arith.addi %scan3A_1070, %scan3A_1071 : i32
    %scan3A_1073 = arith.constant 1 : i32
    %scan3A_1074:10 = scf.for %scan3A_1313 = %scan3A_1070 to %scan3A_1072 step %scan3A_1073 iter_args(%scan3A_1314 = %broadcast_in_dim3A_1051, %scan3A_1315 = %broadcast_in_dim3A_1053, %scan3A_1316 = %broadcast_in_dim3A_1055, %scan3A_1317 = %broadcast_in_dim3A_1057, %scan3A_1318 = %broadcast_in_dim3A_1059, %scan3A_1319 = %broadcast_in_dim3A_1061, %scan3A_1320 = %broadcast_in_dim3A_1063, %scan3A_1321 = %broadcast_in_dim3A_1065, %scan3A_1322 = %broadcast_in_dim3A_1067, %scan3A_1323 = %broadcast_in_dim3A_1069) -> (vector<16xf32>, vector<16xf32>, vector<16xf32>, vector<16xf32>, vector<16xf32>, vector<16xf32>, vector<16xf32>, vector<16xf32>, vector<16xf32>, vector<16xf32>)  : i32 {
      %mul3A_1324 = arith.constant 160 : i32
      %mul3A_1325 = arith.muli %scan3A_1313, %mul3A_1324 : i32
      %add3A_1326 = arith.constant 0 : i32
      %add3A_1327 = arith.addi %mul3A_1325, %add3A_1326 : i32
      %get3A = arith.index_cast %add3A_1327 : i32 to index
      %get3A_1328 = tpu.vector_load %arg4[%get3A] {strides = array<i32>} : memref<100000xf32, #tpu.memory_space<vmem>>, vector<16xf32>,
      %get3A_1329 = vector.shape_cast %get3A_1328 : vector<16xf32> to vector<16xf32>
      %sub3A_1330 = arith.subf %get3A_1329, %max3A_1049 : vector<16xf32>
      %exp3A_1331 = math.exp %sub3A_1330 : vector<16xf32>
      %add3A_1332 = arith.addf %scan3A_1314, %exp3A_1331 : vector<16xf32>
      %add3A_1333 = arith.constant 16 : i32
      %add3A_1334 = arith.addi %mul3A_1325, %add3A_1333 : i32
      %get3A_1335 = arith.index_cast %add3A_1334 : i32 to index
      %get3A_1336 = tpu.vector_load %arg4[%get3A_1335] {strides = array<i32>} : memref<100000xf32, #tpu.memory_space<vmem>>, vector<16xf32>,
      %get3A_1337 = vector.shape_cast %get3A_1336 : vector<16xf32> to vector<16xf32>
      %sub3A_1338 = arith.subf %get3A_1337, %max3A_1049 : vector<16xf32>
      %exp3A_1339 = math.exp %sub3A_1338 : vector<16xf32>
      %add3A_1340 = arith.addf %scan3A_1315, %exp3A_1339 : vector<16xf32>
      %add3A_1341 = arith.constant 32 : i32
      %add3A_1342 = arith.addi %mul3A_1325, %add3A_1341 : i32
      %get3A_1343 = arith.index_cast %add3A_1342 : i32 to index
      %get3A_1344 = tpu.vector_load %arg4[%get3A_1343] {strides = array<i32>} : memref<100000xf32, #tpu.memory_space<vmem>>, vector<16xf32>,
      %get3A_1345 = vector.shape_cast %get3A_1344 : vector<16xf32> to vector<16xf32>
      %sub3A_1346 = arith.subf %get3A_1345, %max3A_1049 : vector<16xf32>
      %exp3A_1347 = math.exp %sub3A_1346 : vector<16xf32>
      %add3A_1348 = arith.addf %scan3A_1316, %exp3A_1347 : vector<16xf32>
      %add3A_1349 = arith.constant 48 : i32
      %add3A_1350 = arith.addi %mul3A_1325, %add3A_1349 : i32
      %get3A_1351 = arith.index_cast %add3A_1350 : i32 to index
      %get3A_1352 = tpu.vector_load %arg4[%get3A_1351] {strides = array<i32>} : memref<100000xf32, #tpu.memory_space<vmem>>, vector<16xf32>,
      %get3A_1353 = vector.shape_cast %get3A_1352 : vector<16xf32> to vector<16xf32>
      %sub3A_1354 = arith.subf %get3A_1353, %max3A_1049 : vector<16xf32>
      %exp3A_1355 = math.exp %sub3A_1354 : vector<16xf32>
      %add3A_1356 = arith.addf %scan3A_1317, %exp3A_1355 : vector<16xf32>
      %add3A_1357 = arith.constant 64 : i32
      %add3A_1358 = arith.addi %mul3A_1325, %add3A_1357 : i32
      %get3A_1359 = arith.index_cast %add3A_1358 : i32 to index
      %get3A_1360 = tpu.vector_load %arg4[%get3A_1359] {strides = array<i32>} : memref<100000xf32, #tpu.memory_space<vmem>>, vector<16xf32>,
      %get3A_1361 = vector.shape_cast %get3A_1360 : vector<16xf32> to vector<16xf32>
      %sub3A_1362 = arith.subf %get3A_1361, %max3A_1049 : vector<16xf32>
      %exp3A_1363 = math.exp %sub3A_1362 : vector<16xf32>
      %add3A_1364 = arith.addf %scan3A_1318, %exp3A_1363 : vector<16xf32>
      %add3A_1365 = arith.constant 80 : i32
      %add3A_1366 = arith.addi %mul3A_1325, %add3A_1365 : i32
      %get3A_1367 = arith.index_cast %add3A_1366 : i32 to index
      %get3A_1368 = tpu.vector_load %arg4[%get3A_1367] {strides = array<i32>} : memref<100000xf32, #tpu.memory_space<vmem>>, vector<16xf32>,
      %get3A_1369 = vector.shape_cast %get3A_1368 : vector<16xf32> to vector<16xf32>
      %sub3A_1370 = arith.subf %get3A_1369, %max3A_1049 : vector<16xf32>
      %exp3A_1371 = math.exp %sub3A_1370 : vector<16xf32>
      %add3A_1372 = arith.addf %scan3A_1319, %exp3A_1371 : vector<16xf32>
      %add3A_1373 = arith.constant 96 : i32
      %add3A_1374 = arith.addi %mul3A_1325, %add3A_1373 : i32
      %get3A_1375 = arith.index_cast %add3A_1374 : i32 to index
      %get3A_1376 = tpu.vector_load %arg4[%get3A_1375] {strides = array<i32>} : memref<100000xf32, #tpu.memory_space<vmem>>, vector<16xf32>,
      %get3A_1377 = vector.shape_cast %get3A_1376 : vector<16xf32> to vector<16xf32>
      %sub3A_1378 = arith.subf %get3A_1377, %max3A_1049 : vector<16xf32>
      %exp3A_1379 = math.exp %sub3A_1378 : vector<16xf32>
      %add3A_1380 = arith.addf %scan3A_1320, %exp3A_1379 : vector<16xf32>
      %add3A_1381 = arith.constant 112 : i32
      %add3A_1382 = arith.addi %mul3A_1325, %add3A_1381 : i32
      %get3A_1383 = arith.index_cast %add3A_1382 : i32 to index
      %get3A_1384 = tpu.vector_load %arg4[%get3A_1383] {strides = array<i32>} : memref<100000xf32, #tpu.memory_space<vmem>>, vector<16xf32>,
      %get3A_1385 = vector.shape_cast %get3A_1384 : vector<16xf32> to vector<16xf32>
      %sub3A_1386 = arith.subf %get3A_1385, %max3A_1049 : vector<16xf32>
      %exp3A_1387 = math.exp %sub3A_1386 : vector<16xf32>
      %add3A_1388 = arith.addf %scan3A_1321, %exp3A_1387 : vector<16xf32>
      %add3A_1389 = arith.constant 128 : i32
      %add3A_1390 = arith.addi %mul3A_1325, %add3A_1389 : i32
      %get3A_1391 = arith.index_cast %add3A_1390 : i32 to index
      %get3A_1392 = tpu.vector_load %arg4[%get3A_1391] {strides = array<i32>} : memref<100000xf32, #tpu.memory_space<vmem>>, vector<16xf32>,
      %get3A_1393 = vector.shape_cast %get3A_1392 : vector<16xf32> to vector<16xf32>
      %sub3A_1394 = arith.subf %get3A_1393, %max3A_1049 : vector<16xf32>
      %exp3A_1395 = math.exp %sub3A_1394 : vector<16xf32>
      %add3A_1396 = arith.addf %scan3A_1322, %exp3A_1395 : vector<16xf32>
      %add3A_1397 = arith.constant 144 : i32
      %add3A_1398 = arith.addi %mul3A_1325, %add3A_1397 : i32
      %get3A_1399 = arith.index_cast %add3A_1398 : i32 to index
      %get3A_1400 = tpu.vector_load %arg4[%get3A_1399] {strides = array<i32>} : memref<100000xf32, #tpu.memory_space<vmem>>, vector<16xf32>,
      %get3A_1401 = vector.shape_cast %get3A_1400 : vector<16xf32> to vector<16xf32>
      %sub3A_1402 = arith.subf %get3A_1401, %max3A_1049 : vector<16xf32>
      %exp3A_1403 = math.exp %sub3A_1402 : vector<16xf32>
      %add3A_1404 = arith.addf %scan3A_1323, %exp3A_1403 : vector<16xf32>
      scf.yield %add3A_1332, %add3A_1340, %add3A_1348, %add3A_1356, %add3A_1364, %add3A_1372, %add3A_1380, %add3A_1388, %add3A_1396, %add3A_1404 : vector<16xf32>, vector<16xf32>, vector<16xf32>, vector<16xf32>, vector<16xf32>, vector<16xf32>, vector<16xf32>, vector<16xf32>, vector<16xf32>, vector<16xf32>
    }
    %scan3A_1075 = arith.constant 625 : i32
    %add3A_1076 = arith.addf %scan3A_1074#0, %scan3A_1074#1 : vector<16xf32>
    %add3A_1077 = arith.addf %add3A_1076, %scan3A_1074#2 : vector<16xf32>
    %add3A_1078 = arith.addf %add3A_1077, %scan3A_1074#3 : vector<16xf32>
    %add3A_1079 = arith.addf %add3A_1078, %scan3A_1074#4 : vector<16xf32>
    %add3A_1080 = arith.addf %add3A_1079, %scan3A_1074#5 : vector<16xf32>
    %add3A_1081 = arith.addf %add3A_1080, %scan3A_1074#6 : vector<16xf32>
    %add3A_1082 = arith.addf %add3A_1081, %scan3A_1074#7 : vector<16xf32>
    %add3A_1083 = arith.addf %add3A_1082, %scan3A_1074#8 : vector<16xf32>
    %add3A_1084 = arith.addf %add3A_1083, %scan3A_1074#9 : vector<16xf32>
    %iota3A_1085 = tpu.iota {dimensions = array<i32: 0>} : vector<16xi32>
    %xor3A_1086 = arith.constant 8 : i32
    %xor3A_1087 = vector.broadcast %xor3A_1086 : i32 to vector<16xi32>
    %xor3A_1088 = arith.xori %iota3A_1085, %xor3A_1087 : vector<16xi32>
    %broadcast_in_dim3A_1089 = vector.shape_cast %xor3A_1088 : vector<16xi32> to vector<16x1xi32>
    %gather3A_1090 = vector.shape_cast %broadcast_in_dim3A_1089 : vector<16x1xi32> to vector<16xi32>
    %gather3A_1091 = tpu.dynamic_gather %add3A_1084[%gather3A_1090] in [0] : vector<16xf32>, vector<16xi32> -> vector<16xf32>
    %add3A_1092 = arith.addf %add3A_1084, %gather3A_1091 : vector<16xf32>
    %xor3A_1093 = arith.constant 4 : i32
    %xor3A_1094 = vector.broadcast %xor3A_1093 : i32 to vector<16xi32>
    %xor3A_1095 = arith.xori %iota3A_1085, %xor3A_1094 : vector<16xi32>
    %broadcast_in_dim3A_1096 = vector.shape_cast %xor3A_1095 : vector<16xi32> to vector<16x1xi32>
    %gather3A_1097 = vector.shape_cast %broadcast_in_dim3A_1096 : vector<16x1xi32> to vector<16xi32>
    %gather3A_1098 = tpu.dynamic_gather %add3A_1092[%gather3A_1097] in [0] : vector<16xf32>, vector<16xi32> -> vector<16xf32>
    %add3A_1099 = arith.addf %add3A_1092, %gather3A_1098 : vector<16xf32>
    %xor3A_1100 = arith.constant 2 : i32
    %xor3A_1101 = vector.broadcast %xor3A_1100 : i32 to vector<16xi32>
    %xor3A_1102 = arith.xori %iota3A_1085, %xor3A_1101 : vector<16xi32>
    %broadcast_in_dim3A_1103 = vector.shape_cast %xor3A_1102 : vector<16xi32> to vector<16x1xi32>
    %gather3A_1104 = vector.shape_cast %broadcast_in_dim3A_1103 : vector<16x1xi32> to vector<16xi32>
    %gather3A_1105 = tpu.dynamic_gather %add3A_1099[%gather3A_1104] in [0] : vector<16xf32>, vector<16xi32> -> vector<16xf32>
    %add3A_1106 = arith.addf %add3A_1099, %gather3A_1105 : vector<16xf32>
    %xor3A_1107 = arith.constant 1 : i32
    %xor3A_1108 = vector.broadcast %xor3A_1107 : i32 to vector<16xi32>
    %xor3A_1109 = arith.xori %iota3A_1085, %xor3A_1108 : vector<16xi32>
    %broadcast_in_dim3A_1110 = vector.shape_cast %xor3A_1109 : vector<16xi32> to vector<16x1xi32>
    %gather3A_1111 = vector.shape_cast %broadcast_in_dim3A_1110 : vector<16x1xi32> to vector<16xi32>
    %gather3A_1112 = tpu.dynamic_gather %add3A_1106[%gather3A_1111] in [0] : vector<16xf32>, vector<16xi32> -> vector<16xf32>
    %add3A_1113 = arith.addf %add3A_1106, %gather3A_1112 : vector<16xf32>
    %broadcast_in_dim3A_1114 = arith.constant 0.000000e+00 : f32
    %broadcast_in_dim3A_1115 = vector.broadcast %broadcast_in_dim3A_1114 : f32 to vector<16xf32>
    %ge3A_1116 = arith.constant 2.000000e+00 : f32
    %ge3A_1117 = vector.broadcast %ge3A_1116 : f32 to vector<16xf32>
    %ge3A_1118 = arith.cmpf oge, %add3A_1113, %ge3A_1117 : vector<16xf32>
    %jit3A_1119 = arith.constant 0.693147182 : f32
    %jit3A_1120 = arith.constant 0.000000e+00 : f32
    %broadcast_in_dim3A_1121 = vector.broadcast %jit3A_1119 : f32 to vector<16xf32>
    %broadcast_in_dim3A_1122 = vector.broadcast %jit3A_1120 : f32 to vector<16xf32>
    %select_n3A_1123 = arith.select %ge3A_1118, %broadcast_in_dim3A_1121, %broadcast_in_dim3A_1122 : vector<16xi1>, vector<16xf32>
    %add3A_1124 = arith.addf %broadcast_in_dim3A_1115, %select_n3A_1123 : vector<16xf32>
    %ge3A_1125 = arith.constant 4.000000e+00 : f32
    %ge3A_1126 = vector.broadcast %ge3A_1125 : f32 to vector<16xf32>
    %ge3A_1127 = arith.cmpf oge, %add3A_1113, %ge3A_1126 : vector<16xf32>
    %jit3A_1128 = arith.constant 0.693147182 : f32
    %jit3A_1129 = arith.constant 0.000000e+00 : f32
    %broadcast_in_dim3A_1130 = vector.broadcast %jit3A_1128 : f32 to vector<16xf32>
    %broadcast_in_dim3A_1131 = vector.broadcast %jit3A_1129 : f32 to vector<16xf32>
    %select_n3A_1132 = arith.select %ge3A_1127, %broadcast_in_dim3A_1130, %broadcast_in_dim3A_1131 : vector<16xi1>, vector<16xf32>
    %add3A_1133 = arith.addf %add3A_1124, %select_n3A_1132 : vector<16xf32>
    %ge3A_1134 = arith.constant 8.000000e+00 : f32
    %ge3A_1135 = vector.broadcast %ge3A_1134 : f32 to vector<16xf32>
    %ge3A_1136 = arith.cmpf oge, %add3A_1113, %ge3A_1135 : vector<16xf32>
    %jit3A_1137 = arith.constant 0.693147182 : f32
    %jit3A_1138 = arith.constant 0.000000e+00 : f32
    %broadcast_in_dim3A_1139 = vector.broadcast %jit3A_1137 : f32 to vector<16xf32>
    %broadcast_in_dim3A_1140 = vector.broadcast %jit3A_1138 : f32 to vector<16xf32>
    %select_n3A_1141 = arith.select %ge3A_1136, %broadcast_in_dim3A_1139, %broadcast_in_dim3A_1140 : vector<16xi1>, vector<16xf32>
    %add3A_1142 = arith.addf %add3A_1133, %select_n3A_1141 : vector<16xf32>
    %ge3A_1143 = arith.constant 1.600000e+01 : f32
    %ge3A_1144 = vector.broadcast %ge3A_1143 : f32 to vector<16xf32>
    %ge3A_1145 = arith.cmpf oge, %add3A_1113, %ge3A_1144 : vector<16xf32>
    %jit3A_1146 = arith.constant 0.693147182 : f32
    %jit3A_1147 = arith.constant 0.000000e+00 : f32
    %broadcast_in_dim3A_1148 = vector.broadcast %jit3A_1146 : f32 to vector<16xf32>
    %broadcast_in_dim3A_1149 = vector.broadcast %jit3A_1147 : f32 to vector<16xf32>
    %select_n3A_1150 = arith.select %ge3A_1145, %broadcast_in_dim3A_1148, %broadcast_in_dim3A_1149 : vector<16xi1>, vector<16xf32>
    %add3A_1151 = arith.addf %add3A_1142, %select_n3A_1150 : vector<16xf32>
    %ge3A_1152 = arith.constant 3.200000e+01 : f32
    %ge3A_1153 = vector.broadcast %ge3A_1152 : f32 to vector<16xf32>
    %ge3A_1154 = arith.cmpf oge, %add3A_1113, %ge3A_1153 : vector<16xf32>
    %jit3A_1155 = arith.constant 0.693147182 : f32
    %jit3A_1156 = arith.constant 0.000000e+00 : f32
    %broadcast_in_dim3A_1157 = vector.broadcast %jit3A_1155 : f32 to vector<16xf32>
    %broadcast_in_dim3A_1158 = vector.broadcast %jit3A_1156 : f32 to vector<16xf32>
    %select_n3A_1159 = arith.select %ge3A_1154, %broadcast_in_dim3A_1157, %broadcast_in_dim3A_1158 : vector<16xi1>, vector<16xf32>
    %add3A_1160 = arith.addf %add3A_1151, %select_n3A_1159 : vector<16xf32>
    %ge3A_1161 = arith.constant 6.400000e+01 : f32
    %ge3A_1162 = vector.broadcast %ge3A_1161 : f32 to vector<16xf32>
    %ge3A_1163 = arith.cmpf oge, %add3A_1113, %ge3A_1162 : vector<16xf32>
    %jit3A_1164 = arith.constant 0.693147182 : f32
    %jit3A_1165 = arith.constant 0.000000e+00 : f32
    %broadcast_in_dim3A_1166 = vector.broadcast %jit3A_1164 : f32 to vector<16xf32>
    %broadcast_in_dim3A_1167 = vector.broadcast %jit3A_1165 : f32 to vector<16xf32>
    %select_n3A_1168 = arith.select %ge3A_1163, %broadcast_in_dim3A_1166, %broadcast_in_dim3A_1167 : vector<16xi1>, vector<16xf32>
    %add3A_1169 = arith.addf %add3A_1160, %select_n3A_1168 : vector<16xf32>
    %ge3A_1170 = arith.constant 1.280000e+02 : f32
    %ge3A_1171 = vector.broadcast %ge3A_1170 : f32 to vector<16xf32>
    %ge3A_1172 = arith.cmpf oge, %add3A_1113, %ge3A_1171 : vector<16xf32>
    %jit3A_1173 = arith.constant 0.693147182 : f32
    %jit3A_1174 = arith.constant 0.000000e+00 : f32
    %broadcast_in_dim3A_1175 = vector.broadcast %jit3A_1173 : f32 to vector<16xf32>
    %broadcast_in_dim3A_1176 = vector.broadcast %jit3A_1174 : f32 to vector<16xf32>
    %select_n3A_1177 = arith.select %ge3A_1172, %broadcast_in_dim3A_1175, %broadcast_in_dim3A_1176 : vector<16xi1>, vector<16xf32>
    %add3A_1178 = arith.addf %add3A_1169, %select_n3A_1177 : vector<16xf32>
    %ge3A_1179 = arith.constant 2.560000e+02 : f32
    %ge3A_1180 = vector.broadcast %ge3A_1179 : f32 to vector<16xf32>
    %ge3A_1181 = arith.cmpf oge, %add3A_1113, %ge3A_1180 : vector<16xf32>
    %jit3A_1182 = arith.constant 0.693147182 : f32
    %jit3A_1183 = arith.constant 0.000000e+00 : f32
    %broadcast_in_dim3A_1184 = vector.broadcast %jit3A_1182 : f32 to vector<16xf32>
    %broadcast_in_dim3A_1185 = vector.broadcast %jit3A_1183 : f32 to vector<16xf32>
    %select_n3A_1186 = arith.select %ge3A_1181, %broadcast_in_dim3A_1184, %broadcast_in_dim3A_1185 : vector<16xi1>, vector<16xf32>
    %add3A_1187 = arith.addf %add3A_1178, %select_n3A_1186 : vector<16xf32>
    %ge3A_1188 = arith.constant 5.120000e+02 : f32
    %ge3A_1189 = vector.broadcast %ge3A_1188 : f32 to vector<16xf32>
    %ge3A_1190 = arith.cmpf oge, %add3A_1113, %ge3A_1189 : vector<16xf32>
    %jit3A_1191 = arith.constant 0.693147182 : f32
    %jit3A_1192 = arith.constant 0.000000e+00 : f32
    %broadcast_in_dim3A_1193 = vector.broadcast %jit3A_1191 : f32 to vector<16xf32>
    %broadcast_in_dim3A_1194 = vector.broadcast %jit3A_1192 : f32 to vector<16xf32>
    %select_n3A_1195 = arith.select %ge3A_1190, %broadcast_in_dim3A_1193, %broadcast_in_dim3A_1194 : vector<16xi1>, vector<16xf32>
    %add3A_1196 = arith.addf %add3A_1187, %select_n3A_1195 : vector<16xf32>
    %ge3A_1197 = arith.constant 1.024000e+03 : f32
    %ge3A_1198 = vector.broadcast %ge3A_1197 : f32 to vector<16xf32>
    %ge3A_1199 = arith.cmpf oge, %add3A_1113, %ge3A_1198 : vector<16xf32>
    %jit3A_1200 = arith.constant 0.693147182 : f32
    %jit3A_1201 = arith.constant 0.000000e+00 : f32
    %broadcast_in_dim3A_1202 = vector.broadcast %jit3A_1200 : f32 to vector<16xf32>
    %broadcast_in_dim3A_1203 = vector.broadcast %jit3A_1201 : f32 to vector<16xf32>
    %select_n3A_1204 = arith.select %ge3A_1199, %broadcast_in_dim3A_1202, %broadcast_in_dim3A_1203 : vector<16xi1>, vector<16xf32>
    %add3A_1205 = arith.addf %add3A_1196, %select_n3A_1204 : vector<16xf32>
    %ge3A_1206 = arith.constant 2.048000e+03 : f32
    %ge3A_1207 = vector.broadcast %ge3A_1206 : f32 to vector<16xf32>
    %ge3A_1208 = arith.cmpf oge, %add3A_1113, %ge3A_1207 : vector<16xf32>
    %jit3A_1209 = arith.constant 0.693147182 : f32
    %jit3A_1210 = arith.constant 0.000000e+00 : f32
    %broadcast_in_dim3A_1211 = vector.broadcast %jit3A_1209 : f32 to vector<16xf32>
    %broadcast_in_dim3A_1212 = vector.broadcast %jit3A_1210 : f32 to vector<16xf32>
    %select_n3A_1213 = arith.select %ge3A_1208, %broadcast_in_dim3A_1211, %broadcast_in_dim3A_1212 : vector<16xi1>, vector<16xf32>
    %add3A_1214 = arith.addf %add3A_1205, %select_n3A_1213 : vector<16xf32>
    %ge3A_1215 = arith.constant 4.096000e+03 : f32
    %ge3A_1216 = vector.broadcast %ge3A_1215 : f32 to vector<16xf32>
    %ge3A_1217 = arith.cmpf oge, %add3A_1113, %ge3A_1216 : vector<16xf32>
    %jit3A_1218 = arith.constant 0.693147182 : f32
    %jit3A_1219 = arith.constant 0.000000e+00 : f32
    %broadcast_in_dim3A_1220 = vector.broadcast %jit3A_1218 : f32 to vector<16xf32>
    %broadcast_in_dim3A_1221 = vector.broadcast %jit3A_1219 : f32 to vector<16xf32>
    %select_n3A_1222 = arith.select %ge3A_1217, %broadcast_in_dim3A_1220, %broadcast_in_dim3A_1221 : vector<16xi1>, vector<16xf32>
    %add3A_1223 = arith.addf %add3A_1214, %select_n3A_1222 : vector<16xf32>
    %ge3A_1224 = arith.constant 8.192000e+03 : f32
    %ge3A_1225 = vector.broadcast %ge3A_1224 : f32 to vector<16xf32>
    %ge3A_1226 = arith.cmpf oge, %add3A_1113, %ge3A_1225 : vector<16xf32>
    %jit3A_1227 = arith.constant 0.693147182 : f32
    %jit3A_1228 = arith.constant 0.000000e+00 : f32
    %broadcast_in_dim3A_1229 = vector.broadcast %jit3A_1227 : f32 to vector<16xf32>
    %broadcast_in_dim3A_1230 = vector.broadcast %jit3A_1228 : f32 to vector<16xf32>
    %select_n3A_1231 = arith.select %ge3A_1226, %broadcast_in_dim3A_1229, %broadcast_in_dim3A_1230 : vector<16xi1>, vector<16xf32>
    %add3A_1232 = arith.addf %add3A_1223, %select_n3A_1231 : vector<16xf32>
    %ge3A_1233 = arith.constant 1.638400e+04 : f32
    %ge3A_1234 = vector.broadcast %ge3A_1233 : f32 to vector<16xf32>
    %ge3A_1235 = arith.cmpf oge, %add3A_1113, %ge3A_1234 : vector<16xf32>
    %jit3A_1236 = arith.constant 0.693147182 : f32
    %jit3A_1237 = arith.constant 0.000000e+00 : f32
    %broadcast_in_dim3A_1238 = vector.broadcast %jit3A_1236 : f32 to vector<16xf32>
    %broadcast_in_dim3A_1239 = vector.broadcast %jit3A_1237 : f32 to vector<16xf32>
    %select_n3A_1240 = arith.select %ge3A_1235, %broadcast_in_dim3A_1238, %broadcast_in_dim3A_1239 : vector<16xi1>, vector<16xf32>
    %add3A_1241 = arith.addf %add3A_1232, %select_n3A_1240 : vector<16xf32>
    %ge3A_1242 = arith.constant 3.276800e+04 : f32
    %ge3A_1243 = vector.broadcast %ge3A_1242 : f32 to vector<16xf32>
    %ge3A_1244 = arith.cmpf oge, %add3A_1113, %ge3A_1243 : vector<16xf32>
    %jit3A_1245 = arith.constant 0.693147182 : f32
    %jit3A_1246 = arith.constant 0.000000e+00 : f32
    %broadcast_in_dim3A_1247 = vector.broadcast %jit3A_1245 : f32 to vector<16xf32>
    %broadcast_in_dim3A_1248 = vector.broadcast %jit3A_1246 : f32 to vector<16xf32>
    %select_n3A_1249 = arith.select %ge3A_1244, %broadcast_in_dim3A_1247, %broadcast_in_dim3A_1248 : vector<16xi1>, vector<16xf32>
    %add3A_1250 = arith.addf %add3A_1241, %select_n3A_1249 : vector<16xf32>
    %ge3A_1251 = arith.constant 6.553600e+04 : f32
    %ge3A_1252 = vector.broadcast %ge3A_1251 : f32 to vector<16xf32>
    %ge3A_1253 = arith.cmpf oge, %add3A_1113, %ge3A_1252 : vector<16xf32>
    %jit3A_1254 = arith.constant 0.693147182 : f32
    %jit3A_1255 = arith.constant 0.000000e+00 : f32
    %broadcast_in_dim3A_1256 = vector.broadcast %jit3A_1254 : f32 to vector<16xf32>
    %broadcast_in_dim3A_1257 = vector.broadcast %jit3A_1255 : f32 to vector<16xf32>
    %select_n3A_1258 = arith.select %ge3A_1253, %broadcast_in_dim3A_1256, %broadcast_in_dim3A_1257 : vector<16xi1>, vector<16xf32>
    %add3A_1259 = arith.addf %add3A_1250, %select_n3A_1258 : vector<16xf32>
    %ge3A_1260 = arith.constant 1.310720e+05 : f32
    %ge3A_1261 = vector.broadcast %ge3A_1260 : f32 to vector<16xf32>
    %ge3A_1262 = arith.cmpf oge, %add3A_1113, %ge3A_1261 : vector<16xf32>
    %jit3A_1263 = arith.constant 0.693147182 : f32
    %jit3A_1264 = arith.constant 0.000000e+00 : f32
    %broadcast_in_dim3A_1265 = vector.broadcast %jit3A_1263 : f32 to vector<16xf32>
    %broadcast_in_dim3A_1266 = vector.broadcast %jit3A_1264 : f32 to vector<16xf32>
    %select_n3A_1267 = arith.select %ge3A_1262, %broadcast_in_dim3A_1265, %broadcast_in_dim3A_1266 : vector<16xi1>, vector<16xf32>
    %add3A_1268 = arith.addf %add3A_1259, %select_n3A_1267 : vector<16xf32>
    %sub3A_1269 = arith.constant 1.000000e+00 : f32
    %sub3A_1270 = vector.broadcast %sub3A_1269 : f32 to vector<16xf32>
    %sub3A_1271 = arith.subf %add3A_1268, %sub3A_1270 : vector<16xf32>
    %neg3A_1272 = arith.constant 0.000000e+00 : f32
    %neg3A_1273 = vector.broadcast %neg3A_1272 : f32 to vector<16xf32>
    %neg3A_1274 = arith.subf %neg3A_1273, %add3A_1268 : vector<16xf32>
    %exp3A_1275 = math.exp %neg3A_1274 : vector<16xf32>
    %mul3A_1276 = arith.mulf %add3A_1113, %exp3A_1275 : vector<16xf32>
    %add3A_1277 = arith.addf %sub3A_1271, %mul3A_1276 : vector<16xf32>
    %sub3A_1278 = arith.constant 1.000000e+00 : f32
    %sub3A_1279 = vector.broadcast %sub3A_1278 : f32 to vector<16xf32>
    %sub3A_1280 = arith.subf %add3A_1277, %sub3A_1279 : vector<16xf32>
    %neg3A_1281 = arith.constant 0.000000e+00 : f32
    %neg3A_1282 = vector.broadcast %neg3A_1281 : f32 to vector<16xf32>
    %neg3A_1283 = arith.subf %neg3A_1282, %add3A_1277 : vector<16xf32>
    %exp3A_1284 = math.exp %neg3A_1283 : vector<16xf32>
    %mul3A_1285 = arith.mulf %add3A_1113, %exp3A_1284 : vector<16xf32>
    %add3A_1286 = arith.addf %sub3A_1280, %mul3A_1285 : vector<16xf32>
    %sub3A_1287 = arith.constant 1.000000e+00 : f32
    %sub3A_1288 = vector.broadcast %sub3A_1287 : f32 to vector<16xf32>
    %sub3A_1289 = arith.subf %add3A_1286, %sub3A_1288 : vector<16xf32>
    %neg3A_1290 = arith.constant 0.000000e+00 : f32
    %neg3A_1291 = vector.broadcast %neg3A_1290 : f32 to vector<16xf32>
    %neg3A_1292 = arith.subf %neg3A_1291, %add3A_1286 : vector<16xf32>
    %exp3A_1293 = math.exp %neg3A_1292 : vector<16xf32>
    %mul3A_1294 = arith.mulf %add3A_1113, %exp3A_1293 : vector<16xf32>
    %add3A_1295 = arith.addf %sub3A_1289, %mul3A_1294 : vector<16xf32>
    %sub3A_1296 = arith.constant 1.000000e+00 : f32
    %sub3A_1297 = vector.broadcast %sub3A_1296 : f32 to vector<16xf32>
    %sub3A_1298 = arith.subf %add3A_1295, %sub3A_1297 : vector<16xf32>
    %neg3A_1299 = arith.constant 0.000000e+00 : f32
    %neg3A_1300 = vector.broadcast %neg3A_1299 : f32 to vector<16xf32>
    %neg3A_1301 = arith.subf %neg3A_1300, %add3A_1295 : vector<16xf32>
    %exp3A_1302 = math.exp %neg3A_1301 : vector<16xf32>
    %mul3A_1303 = arith.mulf %add3A_1113, %exp3A_1302 : vector<16xf32>
    %add3A_1304 = arith.addf %sub3A_1298, %mul3A_1303 : vector<16xf32>
    %add3A_1305 = arith.addf %max3A_1049, %add3A_1304 : vector<16xf32>
    %scan3A_1306 = arith.constant 0 : i32
    %scan3A_1307 = arith.constant 0 : i32
    %scan3A_1308 = arith.constant 625 : i32
    %scan3A_1309 = arith.addi %scan3A_1307, %scan3A_1308 : i32
    %scan3A_1310 = arith.constant 1 : i32
    %scan3A_1311 = scf.for %scan3A_1313 = %scan3A_1307 to %scan3A_1309 step %scan3A_1310 iter_args(%scan3A_1314 = %scan3A_1306) -> (i32)  : i32 {
      %mul3A_1315 = arith.constant 160 : i32
      %mul3A_1316 = arith.muli %scan3A_1313, %mul3A_1315 : i32
      %add3A_1317 = arith.constant 0 : i32
      %add3A_1318 = arith.addi %mul3A_1316, %add3A_1317 : i32
      %get3A = arith.index_cast %add3A_1318 : i32 to index
      %get3A_1319 = tpu.vector_load %arg4[%get3A] {strides = array<i32>} : memref<100000xf32, #tpu.memory_space<vmem>>, vector<16xf32>,
      %get3A_1320 = vector.shape_cast %get3A_1319 : vector<16xf32> to vector<16xf32>
      %sub3A_1321 = arith.subf %get3A_1320, %add3A_1305 : vector<16xf32>
      %swap3A = arith.index_cast %add3A_1318 : i32 to index
      %swap3A_1322 = tpu.vector_load %arg4[%swap3A] {strides = array<i32>} : memref<100000xf32, #tpu.memory_space<vmem>>, vector<16xf32>,
      %swap3A_1323 = vector.shape_cast %swap3A_1322 : vector<16xf32> to vector<16xf32>
      %swap3A_1324 = vector.shape_cast %sub3A_1321 : vector<16xf32> to vector<16xf32>
      tpu.vector_store %arg4[%swap3A], %swap3A_1324 {strides = array<i32>} : memref<100000xf32, #tpu.memory_space<vmem>>, vector<16xf32>,
      %add3A_1325 = arith.constant 16 : i32
      %add3A_1326 = arith.addi %mul3A_1316, %add3A_1325 : i32
      %get3A_1327 = arith.index_cast %add3A_1326 : i32 to index
      %get3A_1328 = tpu.vector_load %arg4[%get3A_1327] {strides = array<i32>} : memref<100000xf32, #tpu.memory_space<vmem>>, vector<16xf32>,
      %get3A_1329 = vector.shape_cast %get3A_1328 : vector<16xf32> to vector<16xf32>
      %sub3A_1330 = arith.subf %get3A_1329, %add3A_1305 : vector<16xf32>
      %swap3A_1331 = arith.index_cast %add3A_1326 : i32 to index
      %swap3A_1332 = tpu.vector_load %arg4[%swap3A_1331] {strides = array<i32>} : memref<100000xf32, #tpu.memory_space<vmem>>, vector<16xf32>,
      %swap3A_1333 = vector.shape_cast %swap3A_1332 : vector<16xf32> to vector<16xf32>
      %swap3A_1334 = vector.shape_cast %sub3A_1330 : vector<16xf32> to vector<16xf32>
      tpu.vector_store %arg4[%swap3A_1331], %swap3A_1334 {strides = array<i32>} : memref<100000xf32, #tpu.memory_space<vmem>>, vector<16xf32>,
      %add3A_1335 = arith.constant 32 : i32
      %add3A_1336 = arith.addi %mul3A_1316, %add3A_1335 : i32
      %get3A_1337 = arith.index_cast %add3A_1336 : i32 to index
      %get3A_1338 = tpu.vector_load %arg4[%get3A_1337] {strides = array<i32>} : memref<100000xf32, #tpu.memory_space<vmem>>, vector<16xf32>,
      %get3A_1339 = vector.shape_cast %get3A_1338 : vector<16xf32> to vector<16xf32>
      %sub3A_1340 = arith.subf %get3A_1339, %add3A_1305 : vector<16xf32>
      %swap3A_1341 = arith.index_cast %add3A_1336 : i32 to index
      %swap3A_1342 = tpu.vector_load %arg4[%swap3A_1341] {strides = array<i32>} : memref<100000xf32, #tpu.memory_space<vmem>>, vector<16xf32>,
      %swap3A_1343 = vector.shape_cast %swap3A_1342 : vector<16xf32> to vector<16xf32>
      %swap3A_1344 = vector.shape_cast %sub3A_1340 : vector<16xf32> to vector<16xf32>
      tpu.vector_store %arg4[%swap3A_1341], %swap3A_1344 {strides = array<i32>} : memref<100000xf32, #tpu.memory_space<vmem>>, vector<16xf32>,
      %add3A_1345 = arith.constant 48 : i32
      %add3A_1346 = arith.addi %mul3A_1316, %add3A_1345 : i32
      %get3A_1347 = arith.index_cast %add3A_1346 : i32 to index
      %get3A_1348 = tpu.vector_load %arg4[%get3A_1347] {strides = array<i32>} : memref<100000xf32, #tpu.memory_space<vmem>>, vector<16xf32>,
      %get3A_1349 = vector.shape_cast %get3A_1348 : vector<16xf32> to vector<16xf32>
      %sub3A_1350 = arith.subf %get3A_1349, %add3A_1305 : vector<16xf32>
      %swap3A_1351 = arith.index_cast %add3A_1346 : i32 to index
      %swap3A_1352 = tpu.vector_load %arg4[%swap3A_1351] {strides = array<i32>} : memref<100000xf32, #tpu.memory_space<vmem>>, vector<16xf32>,
      %swap3A_1353 = vector.shape_cast %swap3A_1352 : vector<16xf32> to vector<16xf32>
      %swap3A_1354 = vector.shape_cast %sub3A_1350 : vector<16xf32> to vector<16xf32>
      tpu.vector_store %arg4[%swap3A_1351], %swap3A_1354 {strides = array<i32>} : memref<100000xf32, #tpu.memory_space<vmem>>, vector<16xf32>,
      %add3A_1355 = arith.constant 64 : i32
      %add3A_1356 = arith.addi %mul3A_1316, %add3A_1355 : i32
      %get3A_1357 = arith.index_cast %add3A_1356 : i32 to index
      %get3A_1358 = tpu.vector_load %arg4[%get3A_1357] {strides = array<i32>} : memref<100000xf32, #tpu.memory_space<vmem>>, vector<16xf32>,
      %get3A_1359 = vector.shape_cast %get3A_1358 : vector<16xf32> to vector<16xf32>
      %sub3A_1360 = arith.subf %get3A_1359, %add3A_1305 : vector<16xf32>
      %swap3A_1361 = arith.index_cast %add3A_1356 : i32 to index
      %swap3A_1362 = tpu.vector_load %arg4[%swap3A_1361] {strides = array<i32>} : memref<100000xf32, #tpu.memory_space<vmem>>, vector<16xf32>,
      %swap3A_1363 = vector.shape_cast %swap3A_1362 : vector<16xf32> to vector<16xf32>
      %swap3A_1364 = vector.shape_cast %sub3A_1360 : vector<16xf32> to vector<16xf32>
      tpu.vector_store %arg4[%swap3A_1361], %swap3A_1364 {strides = array<i32>} : memref<100000xf32, #tpu.memory_space<vmem>>, vector<16xf32>,
      %add3A_1365 = arith.constant 80 : i32
      %add3A_1366 = arith.addi %mul3A_1316, %add3A_1365 : i32
      %get3A_1367 = arith.index_cast %add3A_1366 : i32 to index
      %get3A_1368 = tpu.vector_load %arg4[%get3A_1367] {strides = array<i32>} : memref<100000xf32, #tpu.memory_space<vmem>>, vector<16xf32>,
      %get3A_1369 = vector.shape_cast %get3A_1368 : vector<16xf32> to vector<16xf32>
      %sub3A_1370 = arith.subf %get3A_1369, %add3A_1305 : vector<16xf32>
      %swap3A_1371 = arith.index_cast %add3A_1366 : i32 to index
      %swap3A_1372 = tpu.vector_load %arg4[%swap3A_1371] {strides = array<i32>} : memref<100000xf32, #tpu.memory_space<vmem>>, vector<16xf32>,
      %swap3A_1373 = vector.shape_cast %swap3A_1372 : vector<16xf32> to vector<16xf32>
      %swap3A_1374 = vector.shape_cast %sub3A_1370 : vector<16xf32> to vector<16xf32>
      tpu.vector_store %arg4[%swap3A_1371], %swap3A_1374 {strides = array<i32>} : memref<100000xf32, #tpu.memory_space<vmem>>, vector<16xf32>,
      %add3A_1375 = arith.constant 96 : i32
      %add3A_1376 = arith.addi %mul3A_1316, %add3A_1375 : i32
      %get3A_1377 = arith.index_cast %add3A_1376 : i32 to index
      %get3A_1378 = tpu.vector_load %arg4[%get3A_1377] {strides = array<i32>} : memref<100000xf32, #tpu.memory_space<vmem>>, vector<16xf32>,
      %get3A_1379 = vector.shape_cast %get3A_1378 : vector<16xf32> to vector<16xf32>
      %sub3A_1380 = arith.subf %get3A_1379, %add3A_1305 : vector<16xf32>
      %swap3A_1381 = arith.index_cast %add3A_1376 : i32 to index
      %swap3A_1382 = tpu.vector_load %arg4[%swap3A_1381] {strides = array<i32>} : memref<100000xf32, #tpu.memory_space<vmem>>, vector<16xf32>,
      %swap3A_1383 = vector.shape_cast %swap3A_1382 : vector<16xf32> to vector<16xf32>
      %swap3A_1384 = vector.shape_cast %sub3A_1380 : vector<16xf32> to vector<16xf32>
      tpu.vector_store %arg4[%swap3A_1381], %swap3A_1384 {strides = array<i32>} : memref<100000xf32, #tpu.memory_space<vmem>>, vector<16xf32>,
      %add3A_1385 = arith.constant 112 : i32
      %add3A_1386 = arith.addi %mul3A_1316, %add3A_1385 : i32
      %get3A_1387 = arith.index_cast %add3A_1386 : i32 to index
      %get3A_1388 = tpu.vector_load %arg4[%get3A_1387] {strides = array<i32>} : memref<100000xf32, #tpu.memory_space<vmem>>, vector<16xf32>,
      %get3A_1389 = vector.shape_cast %get3A_1388 : vector<16xf32> to vector<16xf32>
      %sub3A_1390 = arith.subf %get3A_1389, %add3A_1305 : vector<16xf32>
      %swap3A_1391 = arith.index_cast %add3A_1386 : i32 to index
      %swap3A_1392 = tpu.vector_load %arg4[%swap3A_1391] {strides = array<i32>} : memref<100000xf32, #tpu.memory_space<vmem>>, vector<16xf32>,
      %swap3A_1393 = vector.shape_cast %swap3A_1392 : vector<16xf32> to vector<16xf32>
      %swap3A_1394 = vector.shape_cast %sub3A_1390 : vector<16xf32> to vector<16xf32>
      tpu.vector_store %arg4[%swap3A_1391], %swap3A_1394 {strides = array<i32>} : memref<100000xf32, #tpu.memory_space<vmem>>, vector<16xf32>,
      %add3A_1395 = arith.constant 128 : i32
      %add3A_1396 = arith.addi %mul3A_1316, %add3A_1395 : i32
      %get3A_1397 = arith.index_cast %add3A_1396 : i32 to index
      %get3A_1398 = tpu.vector_load %arg4[%get3A_1397] {strides = array<i32>} : memref<100000xf32, #tpu.memory_space<vmem>>, vector<16xf32>,
      %get3A_1399 = vector.shape_cast %get3A_1398 : vector<16xf32> to vector<16xf32>
      %sub3A_1400 = arith.subf %get3A_1399, %add3A_1305 : vector<16xf32>
      %swap3A_1401 = arith.index_cast %add3A_1396 : i32 to index
      %swap3A_1402 = tpu.vector_load %arg4[%swap3A_1401] {strides = array<i32>} : memref<100000xf32, #tpu.memory_space<vmem>>, vector<16xf32>,
      %swap3A_1403 = vector.shape_cast %swap3A_1402 : vector<16xf32> to vector<16xf32>
      %swap3A_1404 = vector.shape_cast %sub3A_1400 : vector<16xf32> to vector<16xf32>
      tpu.vector_store %arg4[%swap3A_1401], %swap3A_1404 {strides = array<i32>} : memref<100000xf32, #tpu.memory_space<vmem>>, vector<16xf32>,
      %add3A_1405 = arith.constant 144 : i32
      %add3A_1406 = arith.addi %mul3A_1316, %add3A_1405 : i32
      %get3A_1407 = arith.index_cast %add3A_1406 : i32 to index
      %get3A_1408 = tpu.vector_load %arg4[%get3A_1407] {strides = array<i32>} : memref<100000xf32, #tpu.memory_space<vmem>>, vector<16xf32>,
      %get3A_1409 = vector.shape_cast %get3A_1408 : vector<16xf32> to vector<16xf32>
      %sub3A_1410 = arith.subf %get3A_1409, %add3A_1305 : vector<16xf32>
      %swap3A_1411 = arith.index_cast %add3A_1406 : i32 to index
      %swap3A_1412 = tpu.vector_load %arg4[%swap3A_1411] {strides = array<i32>} : memref<100000xf32, #tpu.memory_space<vmem>>, vector<16xf32>,
      %swap3A_1413 = vector.shape_cast %swap3A_1412 : vector<16xf32> to vector<16xf32>
      %swap3A_1414 = vector.shape_cast %sub3A_1410 : vector<16xf32> to vector<16xf32>
      tpu.vector_store %arg4[%swap3A_1411], %swap3A_1414 {strides = array<i32>} : memref<100000xf32, #tpu.memory_space<vmem>>, vector<16xf32>,
      %scan3A_1415 = arith.constant 0 : i32
      scf.yield %scan3A_1415 : i32
    }
    %scan3A_1312 = arith.constant 625 : i32
    "tpu.region"() ({
      %run_scoped3A = tpu.sem_alloc : memref<!tpu.dma_semaphore, #tpu.memory_space<semaphore_mem>>
      %dma_start3A = arith.constant 0 : i32
      %dma_start3A_1313 = tpu.memref_slice %arg3[%add3A_985, %dma_start3A] : memref<128x100000xf32, #tpu.memory_space<hbm>> -> memref<1x100000xf32, #tpu.memory_space<hbm>>
      %dma_start3A_1314 = tpu.memref_squeeze %dma_start3A_1313 : memref<1x100000xf32, #tpu.memory_space<hbm>> -> memref<100000xf32, #tpu.memory_space<hbm>>
      %dma_start3A_1315 = arith.constant 0 : i32
      %dma_start3A_1316 = tpu.memref_slice %arg3[%add3A_985, %dma_start3A_1315] : memref<128x100000xf32, #tpu.memory_space<hbm>> -> memref<1x100000xf32, #tpu.memory_space<hbm>>
      %dma_start3A_1317 = tpu.memref_squeeze %dma_start3A_1316 : memref<1x100000xf32, #tpu.memory_space<hbm>> -> memref<100000xf32, #tpu.memory_space<hbm>>
      tpu.enqueue_dma source(%arg4 : memref<100000xf32, #tpu.memory_space<vmem>>) target(%dma_start3A_1317 : memref<100000xf32, #tpu.memory_space<hbm>>) target_semaphore(%run_scoped3A : memref<!tpu.dma_semaphore, #tpu.memory_space<semaphore_mem>>)
      %dma_wait3A = arith.constant 0 : i32
      %dma_wait3A_1318 = tpu.memref_slice %arg3[%add3A_985, %dma_wait3A] : memref<128x100000xf32, #tpu.memory_space<hbm>> -> memref<1x100000xf32, #tpu.memory_space<hbm>>
      %dma_wait3A_1319 = tpu.memref_squeeze %dma_wait3A_1318 : memref<1x100000xf32, #tpu.memory_space<hbm>> -> memref<100000xf32, #tpu.memory_space<hbm>>
      %dma_wait3A_1320 = arith.constant 0 : i32
      %dma_wait3A_1321 = tpu.memref_slice %arg3[%add3A_985, %dma_wait3A_1320] : memref<128x100000xf32, #tpu.memory_space<hbm>> -> memref<1x100000xf32, #tpu.memory_space<hbm>>
      %dma_wait3A_1322 = tpu.memref_squeeze %dma_wait3A_1321 : memref<1x100000xf32, #tpu.memory_space<hbm>> -> memref<100000xf32, #tpu.memory_space<hbm>>
      tpu.wait_dma2 semaphore(%run_scoped3A : memref<!tpu.dma_semaphore, #tpu.memory_space<semaphore_mem>>) src(%arg4 : memref<100000xf32, #tpu.memory_space<vmem>>) dst(%dma_wait3A_1322 : memref<100000xf32, #tpu.memory_space<hbm>>)
      tpu.yield
    }) : () -> ()
    return
  }
}

</mosaic_0001>

<sc_bundles>
// kernel: kernel.3.cloned.1.call-start
scs
__scs_entry_jumppad:
0x0: {  	(pc) =	sbr.rel $0x88, $3  }
0x1: {  	(tag) =	ssettag $0x0;
	lr =	simm.s32 $0x1  }
0x2: {  	[smem:$0x3FA0] =	sst lr;
	_ =	strace $0xD0000000  }
0x3: {  	_ = 	snop  }
0x4: {  	_ = 	snop  }
0x5: {  	_ = 	snop  }
0x6: {  	_ = 	snop  }
0x7: {  	_ = 	snop  }
__scs_overlays_trampoline_lowered:
0x8: {  	[smem:$0x3FAF] =	sst s0  }
0x9: {  	[smem:$0x3FB0] =	sst s1  }
0xa: {  	[smem:$0x3FB1] =	sst s2  }
0xb: {  	[smem:$0x3FB2] =	sst s3  }
0xc: {  	[smem:$0x3FB3] =	sst s4  }
0xd: {  	[smem:$0x3FB4] =	sst s5  }
0xe: {  	[smem:$0x3FB5] =	sst s6  }
0xf: {  	[smem:$0x3FB6] =	sst s7  }
0x10: {  	[smem:$0x3FB7] =	sst s8  }
0x11: {  	[smem:$0x3FB8] =	sst s9;
	s0 =	simm.s32 @!p0 $0x0  }
0x12: {  	s1 =	sld [smem:$0x3F9E];
	s0 =	simm.s32 @p0 $0x1  }
0x13: {  	[smem:$0x3FB9] =	sst s0;
	s0 =	simm.s32 @!p1 $0x0  }
0x14: {  	s2 =	sld [smem:$0x3F9D];
	s0 =	simm.s32 @p1 $0x1  }
0x15: {  	[smem:$0x3FBA] =	sst s0;
	s0 =	simm.s32 @!p2 $0x0  }
0x16: {  	s3 =	sld [smem:$0x3FDB];
	s0 =	simm.s32 @p2 $0x1  }
0x17: {  	s4 =	simm.s32 $0x1BF5;
	[smem:$0x3FBC] =	sst s0  }
0x18: {  	s0 =	sld [smem:$0x3F9F];
	_ =	swait.ge [sflag:s4], $0x0  }
0x19: {  	s7 =	sld [smem:$0x3FA0]  }
0x1a: {  	s8 =	sadd.s32 $0xFFFFE003, lr  }
0x1b: {  	s9 =	sadd.s32 $0xFFFFFEF7, lr;
	s5 =	simm.s32 $0xFFFFFFFF;
	p2 =	slt.u32 s8, $0xFFFFF086  }
0x1c: {  	p1 =	slt.u32 s9, $0xF7A;
	s5 =	simm.s32 @!p2 $0x0  }
0x1d: {  	s5 =	simm.s32 @p1 $0x1;
	p0 =	seq.s32 s7, s2  }
0x1e: {  	s7 =	smul.u32 @!p0 $0xF7A, s2;
	p2 =	seq.s32 @!p0 s5, $0x0  }
0x1f: {  	s9 =	smul.u32 $0xF7A, s1;
	s8 =	simm.s32 @!p0 $0x1BF5;
	p2 =	por !p2, p0  }
0x20: {  	[sflag:s8] =	ssyncset.s32 @!p0 $0xFFFFF086;
	s6 =	sadd.s32 @!p0 s3, s7;
	s7 =	simm.s32 @!p0 $0x108  }
0x21: {  	s3 =	sadd.s32 s3, s9;
	s6 =	sadd.s32 @!p0 $0x88, s6;
	s7 =	simm.s32 @p2 $0x1082  }
0x22: {  	[simem:s7], [sflag:s8] =	dma.local @!p0 [hbm:s6], $0xF7A  }
0x23: {  	s9 =	sor.u32 $0xD0000000, s2;
	s6 =	simm.s32 $0x108;
	_ =	swait.ge @!p0 [sflag:s8], $0x0  }
0x24: {  	s3 =	sadd.s32 $0x88, s3;
	s6 =	simm.s32 @!p1 $0x1082;
	[sflag:s4] =	ssyncset.s32 $0xFFFFF086  }
0x25: {  	[simem:s6], [sflag:s4] =	dma.local [hbm:s3], $0xF7A  }
0x26: {  	[smem:$0x3FA0] =	sst s1;
	(tag) =	ssettag s2;
	_ =	strace s9  }
0x27: {  	s1 =	sld [smem:$0x3FB0]  }
0x28: {  	s2 =	sld [smem:$0x3FB1]  }
0x29: {  	s4 =	sld [smem:$0x3FB3]  }
0x2a: {  	p0 =	seq.s32 s5, $0x0;
	s5 =	sld [smem:$0x3FB4]  }
0x2b: {  	s6 =	sld [smem:$0x3FB5]  }
0x2c: {  	s7 =	sld [smem:$0x3FB6]  }
0x2d: {  	s3 =	simm.s32 $0x108;
	s8 =	sld [smem:$0x3FB7]  }
0x2e: {  	s3 =	simm.s32 @!p0 $0x1082;
	s9 =	sld [smem:$0x3FB8]  }
0x2f: {  	lr =	sadd.s32 s0, s3;
	s0 =	sld [smem:$0x3FAF]  }
0x30: {  	s3 =	sld [smem:$0x3FB2]  }
0x31: {  	[smem:$0x3FBB] =	sst s10  }
0x32: {  	s10 =	sld [smem:$0x3FB9];
	_ =	sdelay $0x3  }
0x33: {  	p0 =	seq.s32 s10, $0x1;
	s10 =	sld [smem:$0x3FBB];
	_ =	sdelay $0x3  }
0x34: {  	[smem:$0x3FBB] =	sst s10  }
0x35: {  	s10 =	sld [smem:$0x3FBA];
	_ =	sdelay $0x3  }
0x36: {  	p1 =	seq.s32 s10, $0x1;
	s10 =	sld [smem:$0x3FBB];
	_ =	sdelay $0x3  }
0x37: {  	[smem:$0x3FBB] =	sst s10  }
0x38: {  	s10 =	sld [smem:$0x3FBC]  }
0x39: {  	_ = 	snop;
	(pc) =	sbr.ind lr, $3  }
0x3a: {  	_ = 	snop  }
0x3b: {  	_ = 	snop  }
0x3c: {  	p2 =	seq.s32 s10, $0x1;
	s10 =	sld [smem:$0x3FBB]  }
0x3d: {  	_ =	shalt  }
0x3e: {  	_ =	shalt  }
0x3f: {  	_ =	shalt  }
0x40: {  	_ =	shalt  }
0x41: {  	_ =	shalt  }
0x42: {  	_ =	shalt  }
0x43: {  	_ =	shalt  }
0x44: {  	_ =	shalt  }
0x45: {  	_ =	shalt  }
0x46: {  	_ =	shalt  }
0x47: {  	_ =	shalt  }
0x48: {  	_ =	shalt  }
0x49: {  	_ =	shalt  }
0x4a: {  	_ =	shalt  }
0x4b: {  	_ =	shalt  }
0x4c: {  	_ =	shalt  }
0x4d: {  	_ =	shalt  }
0x4e: {  	_ =	shalt  }
0x4f: {  	_ =	shalt  }
0x50: {  	_ =	shalt  }
0x51: {  	_ =	shalt  }
0x52: {  	_ =	shalt  }
0x53: {  	_ =	shalt  }
0x54: {  	_ =	shalt  }
0x55: {  	_ =	shalt  }
0x56: {  	_ =	shalt  }
0x57: {  	_ =	shalt  }
0x58: {  	_ =	shalt  }
0x59: {  	_ =	shalt  }
0x5a: {  	_ =	shalt  }
0x5b: {  	_ =	shalt  }
0x5c: {  	_ =	shalt  }
0x5d: {  	_ =	shalt  }
0x5e: {  	_ =	shalt  }
0x5f: {  	_ =	shalt  }
0x60: {  	_ =	shalt  }
0x61: {  	_ =	shalt  }
0x62: {  	_ =	shalt  }
0x63: {  	_ =	shalt  }
0x64: {  	_ =	shalt  }
0x65: {  	_ =	shalt  }
0x66: {  	_ =	shalt  }
0x67: {  	_ =	shalt  }
0x68: {  	_ =	shalt  }
0x69: {  	_ =	shalt  }
0x6a: {  	_ =	shalt  }
0x6b: {  	_ =	shalt  }
0x6c: {  	_ =	shalt  }
0x6d: {  	_ =	shalt  }
0x6e: {  	_ =	shalt  }
0x6f: {  	_ =	shalt  }
0x70: {  	_ =	shalt  }
0x71: {  	_ =	shalt  }
0x72: {  	_ =	shalt  }
0x73: {  	_ =	shalt  }
0x74: {  	_ =	shalt  }
0x75: {  	_ =	shalt  }
0x76: {  	_ =	shalt  }
0x77: {  	_ =	shalt  }
0x78: {  	_ =	shalt  }
0x79: {  	_ =	shalt  }
0x7a: {  	_ =	shalt  }
0x7b: {  	_ =	shalt  }
0x7c: {  	_ =	shalt  }
0x7d: {  	_ =	shalt  }
0x7e: {  	_ =	shalt  }
0x7f: {  	_ =	shalt  }
0x80: {  	_ =	shalt  }
0x81: {  	_ =	shalt  }
0x82: {  	_ =	shalt  }
0x83: {  	_ =	shalt  }
0x84: {  	_ =	shalt  }
0x85: {  	_ =	shalt  }
0x86: {  	_ =	shalt  }
0x87: {  	_ =	shalt  }
.Lfunc_end0:
.L_simem_size_0:
called_computation_lowered:
.L_overlay_start_0:
0x88: {  	s2 =	sld [smem:$0x3FD9]  }
0x89: {  	s3 =	sld [smem:$0x3FFE];
	_ =	sdelay $0x1  }
0x8a: {  	s1 =	srdreg.scid  }
0x8b: {  	s0 =	sand.u32 $0x1, s1  }
0x8c: {  	s16 =	sshll.u32 s0, $0xA;
	s2 =	sadd.s32 s3, s2  }
0x8d: {  	s2 =	sadd.s32 s2, s16  }
0x8e: {  	[smem:$0x3FC7] =	sst s2  }
0x8f: {  	_ = 	snop  }
0x90: {  	(tm) =	ssettm $0x1  }
0x91: {  	s17 =	sld [smem:$0x3FFB];
	_ =	sdelay $0x3  }
0x92: {  	_ =	strace s17  }
0x93: {  	s2 =	sld [smem:$0x3FFC];
	_ =	sdelay $0x3  }
0x94: {  	_ =	strace s2  }
0x95: {  	s2 =	sld [smem:$0x3FFD];
	_ =	sdelay $0x3  }
0x96: {  	_ =	strace s2  }
0x97: {  	_ =	strace $0x8FFFFFFF  }
0x98: {  	s18 =	sld [smem:$0x3FDB];
	_ =	sdelay $0x1  }
0x99: {  	s19 =	simm.s32 $_scs_section_size  }
0x9a: {  	s4 =	simm.s32 $_size__tile_overlayer_lowered;
	s5 =	simm.s32 $_tile_overlayer_lowered  }
0x9b: {  	s22 =	simm.s32 $0x1BFF;
	s21 =	sshll.u32 s5, $0x1;
	s2 =	sadd.s32 s19, s18  }
0x9c: {  	s6 =	simm.s32 $0x0;
	s20 =	sshll.u32 s4, $0x1;
	s4 =	sadd.s32 s21, s2  }
0x9d: {  	[timem:s6], [sflag:s22] =	dma.local [hbm:s4], s20  }
0x9e: {  	_ =	swait.ge [sflag:s22], s20  }
0x9f: {  	s3 =	ssub.s32 $0x0, s20;
	[sflag:s22] =	ssyncset.done $0x0  }
0xa0: {  	[sflag:s22] =	ssyncadd.s32 s3;
	_ =	sdelay $0x1  }
0xa1: {  	s23 =	simm.s32 $0x1B8B  }
0xa2: {  	_ =	swait.ge [sflag:s23], $0x1  }
0xa3: {  	[sflag:s23] =	ssyncset.done $0x0  }
0xa4: {  	s25 =	simm.s32 $0x1B8E;
	s24 =	sld [smem:$0x3FFE];
	[sflag:s23] =	ssyncadd.s32 $0xFFFFFFFF  }
0xa5: {  	s26 =	simm.s32 $execute0_lowered;
	[smem:$0x3FD2] =	sst s25  }
0xa6: {  	s4 =	sshll.u32 s26, $0x1;
	_ =	strace $0x80000046;
	[dreg:$0x1] =	wrdreg $0xFFFFFFFF  }
0xa7: {  	s28 =	simm.s32 $_size_execute0_lowered;
	s2 =	sadd.s32 s2, s4;
	[dreg:$0x0] =	wrdreg $0x0  }
0xa8: {  	s4 =	sshll.u32 s28, $0x1;
	[dreg:$0x2] =	wrdreg s2  }
0xa9: {  	[dreg:$0x3] =	wrdreg s4  }
0xaa: {  	[dreg:$0x4] =	wrdreg $0xC0  }
0xab: {  	_ =	task [dreg:s6], $0x5FFFF  }
0xac: {  	[dreg:$0x1] =	wrdreg $0xFFFFFFFF  }
0xad: {  	[dreg:$0x0] =	wrdreg $0x60  }
0xae: {  	[dreg:$0x2] =	wrdreg s24  }
0xaf: {  	[dreg:$0x3] =	wrdreg $0x9  }
0xb0: {  	_ =	task.clear_ibuf [dreg:s6], $0x4FFFF;
	_ =	strace $0x90000046  }
0xb1: {  	s29 =	simm.s32 $0x9;
	_ =	strace $0x80000048  }
0xb2: {  	_ =	swait.ge [sflag:s29], $0x1  }
0xb3: {  	[sflag:s29] =	ssyncadd.s32 $0xFFFFFFFF  }
0xb4: {  	_ =	strace $0x90000048  }
0xb5: {  	_ =	sfence  }
0xb6: {  	s30 =	sld [smem:$0x0];
	_ =	sdelay $0x2  }
0xb7: {  	s31 =	sshll.u32 s1, $0xD;
	s1 =	sshrl.u32 s1, $0x2  }
0xb8: {  	s3 =	sand.u32 $0x4000, s31;
	s1 =	sadd.s32 s1, s30  }
0xb9: {  	s0 =	sor.u32 s3, s0;
	s1 =	sshll.u32 s1, $0x11  }
0xba: {  	s0 =	sor.u32 s1, s0  }
0xbb: {  	s0 =	sadd.s32 $0x8F2B, s0  }
0xbc: {  	[sflag:s0] =	ssyncadd.remote.s32 $0x1  }
0xbd: {  	_ =	sfence.sel $0xFFFF  }
0xbe: {  	[dreg:$0x0] =	wrdreg $0xFFFFFFFF;
	(pc) =	sbr.abs _section_cstart, $3  }
0xbf: {  	[dreg:$0x1] =	wrdreg $0xFFFFFFFF  }
0xc0: {  	_ =	task.clear_ibuf [dreg:s6], $0x2FFFF;
	_ =	strace $0x9FFFFFFF  }
0xc1: {  	(tm) =	ssettm $0x7FFFFFFF  }
tec
execute0_lowered:
.L_overlay_start_1:
0x0: {  	(tag) =	ssettag $0x1  }
0x1: {  	s3 =	rddreg [dreg:$0x0]  }
0x2: {  	v0 =	vimm.s32 $0xFEDCBA98;
	s0 =	rddreg [dreg:$0x1];
	v1 =	vimm.s32 $0x76543210;
	s2 =	simm.s32 $0x0;
	v2 =	vimm.s32 $0xBA98FEDC  }
0x3: {  	s4 =	srdreg.scid;
	s1 =	stileid.u32;
	v3 =	vimm.s32 $0x32107654;
	v4 =	vimm.s32 $0xDCFE98BA;
	s13 =	simm.s32 $0x400  }
0x4: {  	v5 =	vimm.s32 $0x54761032;
	v6 =	vimm.s32 $0xEFCDAB89;
	s14 =	simm.s32 $0x1;
	s4 =	sand.u32 $0x1, s4;
	s5 =	smul.u32 $0xC3800, s1  }
0x5: {  	v7 =	vimm.s32 $0x67452301;
	s15 =	simm.s32 $0x0;
	v0 =	vunpack.c.l.s4.s8 v0;
	v1 =	vunpack.c.l.s4.s8 v1;
	[smem:$0x7FF] =	sst s2;
	s6 =	sshll.u32 s4, $0x9  }
0x6: {  	s9 =	sadd.s32 $0x400, s3;
	v2 =	vunpack.c.l.s4.s8 v2;
	v3 =	vunpack.c.l.s4.s8 v3;
	v4 =	vunpack.c.l.s4.s8 v4;
	s4 =	ssub.s32 $0x2, s4;
	s5 =	sor.u32 s6, s5  }
0x7: {  	s10 =	sadd.s32 $0x187400, s3;
	v5 =	vunpack.c.l.s4.s8 v5;
	v6 =	vunpack.c.l.s4.s8 v6;
	v7 =	vunpack.c.l.s4.s8 v7;
	s30 =	sshrl.u32 s4, $0x1;
	s7 =	sshrl.u32 s5, $0x3  }
0x8: {  	_ =	strace $0x80000047;
	v0 =	vunpack.c.0.s8.s32 v0;
	v1 =	vunpack.c.0.s8.s32 v1;
	v2 =	vunpack.c.0.s8.s32 v2;
	s11 =	ssub.s32 s4, s30;
	s31 =	sor.u32 $0x10, s7  }
0x9: {  	v3 =	vunpack.c.0.s8.s32 v3;
	v4 =	vunpack.c.0.s8.s32 v4;
	v5 =	vunpack.c.0.s8.s32 v5;
	s3 =	sadd.s32 s9, s7;
	s4 =	sadd.s32 s10, s7;
	s8 =	sor.u32 $0x20, s7  }
0xa: {  	v6 =	vunpack.c.0.s8.s32 v6;
	v7 =	vunpack.c.0.s8.s32 v7;
	v0 =	vand.u32 $0xF, v0;
	s12 =	sor.u32 $0x30, s7;
	s11 =	smax.u32 s11, $0x1;
	s5 =	sadd.s32 s9, s31  }
0xb: {  	s6 =	sadd.s32 s10, s31;
	s7 =	sadd.s32 s9, s8;
	s8 =	sadd.s32 s10, s8;
	v0 =	vcombine.low v0, v1;
	v1 =	vcombine.low v3, v2  }
0xc: {  	s9 =	sadd.s32 s9, s12;
	s10 =	sadd.s32 s10, s12;
	s12 =	simm.s32 $0x80;
	v2 =	vcombine.low v5, v4;
	v3 =	vcombine.low v7, v6;
	v4 =	vimm.f32 $0.0e+00  }
.LBB2_1:
0xd: {  	[tilespmem:s2], [sflag:$0x1] =	stream.strided.gather [hbm4b:s3+s12], $0x18700, s13, s12, $0x38;
	[tilespmem:$0x18700] =	vst v63  }
0xe: {  	_ =	swait.ge [sflag:s14], $0x18700  }
0xf: {  	[sflag:s14] =	ssyncset.done $0x0  }
0x10: {  	s16 =	sand.u32 $0x3FFE0, s2;
	[sflag:s14] =	ssyncadd.s32 $0xFFFE7900  }
0x11: {  	s17 =	simm.s32 $0x50;
	v5 =	vld [tilespmem:s16+$0x80]  }
0x12: {  	v8 =	vld [tilespmem:s17+$0x40]  }
0x13: {  	v9 =	vld [tilespmem:s17+$0xFFFFFFC0]  }
0x14: {  	v11 =	vld [tilespmem:s17+$0xFFFFFFD0]  }
0x15: {  	v14 =	vld [tilespmem:s17+$0xFFFFFFE0]  }
0x16: {  	v15 =	vld [tilespmem:s17+$0xFFFFFFF0]  }
0x17: {  	v10 =	vld [tilespmem:s17+$0x0]  }
0x18: {  	v7 =	vimm.f32 $-Inf;
	v12 =	vld [tilespmem:s17+$0x10]  }
0x19: {  	s31 =	simm.s32 $0xA0;
	v18 =	vimm.f32 $-Inf;
	v17 =	vld [tilespmem:s17+$0x20];
	v6 =	vmax.f32 v7, v5;
	v5 =	vmax.f32 v7, v8  }
0x1a: {  	s16 =	sand.u32 $0x3FFE0, s31;
	v19 =	vld [tilespmem:s17+$0xFFFFFFB0];
	v16 =	vmax.f32 v7, v9;
	v13 =	vmax.f32 v7, v11;
	v14 =	vmax.f32 v7, v14  }
0x1b: {  	s17 =	simm.s32 $0x140;
	v9 =	vmax.f32 v7, v15;
	v15 =	vld [tilespmem:s16+$0x80];
	s16 =	simm.s32 $0xF0;
	v11 =	vimm.f32 $-Inf;
	v8 =	vimm.f32 $-Inf  }
.LBB2_2:
0x1c: {  	p0 =	sne.s32 s17, $0x18600;
	v20 =	vld [tilespmem:s16+$0x40];
	v7 =	vmax.f32 v7, v10  }
0x1d: {  	v21 =	vld [tilespmem:s16+$0xFFFFFFC0];
	v11 =	vmax.f32 v11, v12  }
0x1e: {  	v22 =	vld [tilespmem:s16+$0xFFFFFFD0];
	v8 =	vmax.f32 v8, v17  }
0x1f: {  	v23 =	vld [tilespmem:s16+$0xFFFFFFE0];
	v18 =	vmax.f32 v18, v19  }
0x20: {  	v24 =	vld [tilespmem:s16+$0xFFFFFFF0]  }
.Ltmp0:
0x21: {  	v6 =	vmax.f32 v6, v15;
	v10 =	vld [tilespmem:s16+$0x0];
	v5 =	vmax.f32 v5, v20;
	(pc) =	sbr.rel @p0 .LBB2_2-.Ltmp0, $4  }
0x22: {  	v16 =	vmax.f32 v16, v21;
	v12 =	vld [tilespmem:s16+$0x10]  }
0x23: {  	v13 =	vmax.f32 v13, v22;
	v17 =	vld [tilespmem:s16+$0x20]  }
0x24: {  	s18 =	sand.u32 $0x3FFE0, s17;
	v19 =	vld [tilespmem:s16+$0xFFFFFFB0];
	v14 =	vmax.f32 v14, v23  }
0x25: {  	s17 =	sadd.s32 $0xA0, s17;
	s16 =	sadd.s32 $0xA0, s16;
	v15 =	vld [tilespmem:s18+$0x80];
	v9 =	vmax.f32 v9, v24  }
0x26: {  	v20 =	vld [tilespmem:s16+$0xFFFFFFC0]  }
0x27: {  	v21 =	vld [tilespmem:s16+$0xFFFFFFB0]  }
0x28: {  	v22 =	vld [tilespmem:s16+$0xFFFFFFD0]  }
0x29: {  	v23 =	vld [tilespmem:s16+$0xFFFFFFE0]  }
0x2a: {  	v24 =	vld [tilespmem:s16+$0xFFFFFFF0]  }
0x2b: {  	v18 =	vmax.f32 v18, v19;
	v19 =	vld [tilespmem:s16+$0x0]  }
0x2c: {  	v16 =	vmax.f32 v16, v20;
	v20 =	vld [tilespmem:s16+$0x10];
	v18 =	vmax.f32 v18, v21  }
0x2d: {  	v13 =	vmax.f32 v13, v22;
	v21 =	vld [tilespmem:s16+$0x20];
	v16 =	vmax.f32 v18, v16  }
0x2e: {  	v14 =	vmax.f32 v14, v23;
	v13 =	vmax.f32 v16, v13  }
0x2f: {  	v7 =	vmax.f32 v7, v10;
	v9 =	vmax.f32 v9, v24;
	v16 =	vld [tilespmem:s16+$0x40];
	v10 =	vmax.f32 v13, v14  }
0x30: {  	v11 =	vmax.f32 v11, v12;
	v7 =	vmax.f32 v7, v19;
	v9 =	vmax.f32 v10, v9  }
0x31: {  	v8 =	vmax.f32 v8, v17;
	v10 =	vmax.f32 v11, v20;
	v7 =	vmax.f32 v9, v7  }
0x32: {  	v8 =	vmax.f32 v8, v21;
	v7 =	vmax.f32 v7, v10  }
0x33: {  	v6 =	vmax.f32 v6, v15;
	v7 =	vmax.f32 v7, v8  }
0x34: {  	v5 =	vmax.f32 v5, v16;
	v6 =	vmax.f32 v7, v6  }
0x35: {  	v5 =	vmax.f32 v6, v5  }
0x36: {  	v6 =	vperm.xlane v5, v0;
	_ =	sdelay $0x1  }
0x37: {  	v5 =	vmax.f32 v5, v6  }
0x38: {  	v6 =	vperm.xlane v5, v1;
	_ =	sdelay $0x1  }
0x39: {  	v5 =	vmax.f32 v5, v6  }
0x3a: {  	s29 =	simm.s32 $0x50;
	v6 =	vperm.xlane v5, v2  }
0x3b: {  	v7 =	vld [tilespmem:s29+$0xFFFFFFE0]  }
0x3c: {  	v5 =	vmax.f32 v5, v6  }
0x3d: {  	s17 =	simm.s32 $0x0;
	v8 =	vld [tilespmem:s29+$0xFFFFFFC0];
	v6 =	vperm.xlane v5, v3  }
0x3e: {  	s17 =	sand.u32 $0x3FFE0, s17;
	v9 =	vld [tilespmem:s29+$0x20]  }
0x3f: {  	v12 =	vld [tilespmem:s17+$0x80];
	v5 =	vmax.f32 v5, v6  }
0x40: {  	v6 =	vld [tilespmem:s29+$0x10];
	v7 =	vsub.f32 v7, v5  }
0x41: {  	v10 =	vld [tilespmem:s29+$0x40]  }
0x42: {  	v13 =	vld [tilespmem:s29+$0xFFFFFFD0];
	v8 =	vsub.f32 v8, v5;
	v7 =	vmul.f32 $1.442695020e+00, v7  }
0x43: {  	v14 =	vld [tilespmem:s29+$0xFFFFFFF0];
	v9 =	vsub.f32 v9, v5  }
0x44: {  	v11 =	vld [tilespmem:s29+$0xFFFFFFB0];
	(erf) = vpow2.f32 v7;
	v7 =	vmul.f32 $1.442695020e+00, v8  }
0x45: {  	s30 =	simm.s32 $0xF0;
	v9 =	vmul.f32 $1.442695020e+00, v9;
	v6 =	vsub.f32 v6, v5;
	v8 =	vld [tilespmem:s29+$0x0]  }
0x46: {  	s31 =	simm.s32 $0xA0;
	v15 =	vld [tilespmem:s30+$0x10];
	v10 =	vsub.f32 v10, v5;
	(erf) = vpow2.f32 v7  }
0x47: {  	s16 =	sand.u32 $0x3FFE0, s31;
	v19 =	vld [tilespmem:s30+$0xFFFFFFD0];
	v6 =	vmul.f32 $1.442695020e+00, v6;
	(erf) = vpow2.f32 v9;
	v9 =	vsub.f32 v12, v5  }
0x48: {  	v22 =	vld [tilespmem:s16+$0x80];
	v13 =	vsub.f32 v13, v5;
	v14 =	vsub.f32 v14, v5;
	v10 =	vmul.f32 $1.442695020e+00, v10  }
0x49: {  	v11 =	vsub.f32 v11, v5;
	v7 =	vld [tilespmem:s30+$0xFFFFFFE0];
	(erf) = vpow2.f32 v6;
	v9 =	vmul.f32 $1.442695020e+00, v9  }
0x4a: {  	v13 =	vmul.f32 $1.442695020e+00, v13;
	v12 =	vld [tilespmem:s30+$0x40];
	(erf) = vpow2.f32 v10;
	v8 =	vsub.f32 v8, v5  }
0x4b: {  	v16 =	vld [tilespmem:s30+$0xFFFFFFC0];
	v15 =	vsub.f32 v15, v5;
	v11 =	vmul.f32 $1.442695020e+00, v11;
	(erf) = vpow2.f32 v9  }
0x4c: {  	v21 =	vsub.f32 v19, v5;
	v10 =	vld [tilespmem:s30+$0xFFFFFFB0];
	v8 =	vmul.f32 $1.442695020e+00, v8;
	(erf) = vpow2.f32 v13  }
0x4d: {  	v27 =	vsub.f32 v22, v5;
	v25 =	vmul.f32 $1.442695020e+00, v15;
	v9 =	vld [tilespmem:s30+$0x20];
	v13 =	vmul.f32 $1.442695020e+00, v14  }
0x4e: {  	v15 =	vimm.f32 $0.0e+00;
	v17 =	vsub.f32 v7, v5;
	(erf) = vpow2.f32 v8;
	v8 =	vld [tilespmem:s30+$0xFFFFFFF0]  }
0x4f: {  	v6 =	vimm.f32 $0.0e+00;
	v24 =	vsub.f32 v12, v5;
	v14 =	vpop (erf);
	(erf) = vpow2.f32 v13  }
0x50: {  	v7 =	vadd.f32 v14, v6;
	v14 =	vmul.f32 $1.442695020e+00, v17;
	v18 =	vpop (erf);
	(erf) = vpow2.f32 v11  }
0x51: {  	v17 =	vsub.f32 v10, v5;
	v11 =	vsub.f32 v16, v5;
	v16 =	vimm.f32 $0.0e+00;
	v13 =	vpop (erf)  }
0x52: {  	v9 =	vsub.f32 v9, v5;
	(erf) = vpow2.f32 v14;
	v10 =	vadd.f32 v18, v6;
	v18 =	vpop (erf)  }
0x53: {  	v22 =	vld [tilespmem:s30+$0x0];
	v14 =	vimm.f32 $0.0e+00;
	v11 =	vmul.f32 $1.442695020e+00, v11;
	v12 =	vpop (erf);
	v20 =	vsub.f32 v8, v5  }
0x54: {  	v26 =	vmul.f32 $1.442695020e+00, v9;
	v9 =	vimm.f32 $0.0e+00;
	v8 =	vadd.f32 v12, v6;
	v19 =	vpop (erf)  }
0x55: {  	s17 =	simm.s32 $0x190;
	s16 =	simm.s32 $0x140;
	(erf) = vpow2.f32 v11;
	v11 =	vimm.f32 $0.0e+00;
	v12 =	vimm.f32 $0.0e+00;
	v23 =	vpop (erf)  }
.LBB2_4:
0x56: {  	v28 =	vld [tilespmem:s17+$0xFFFFFFE0];
	p0 =	sne.s32 s16, $0x18600;
	v29 =	vmul.f32 $1.442695020e+00, v24;
	(erf) = vpow2.f32 v26;
	v6 =	vadd.f32 v23, v6;
	s18 =	smov.u32 s16;
	s16 =	sadd.s32 $0xA0, s16  }
0x57: {  	v11 =	vadd.f32 v18, v11;
	v23 =	vld [tilespmem:s17+$0x40];
	v26 =	vmul.f32 $1.442695020e+00, v27;
	(erf) = vpow2.f32 v25;
	v18 =	vpop (erf)  }
0x58: {  	v21 =	vmul.f32 $1.442695020e+00, v21;
	v25 =	vld [tilespmem:s17+$0x10];
	v22 =	vsub.f32 v22, v5;
	(erf) = vpow2.f32 v29;
	v24 =	vpop (erf)  }
0x59: {  	v9 =	vadd.f32 v19, v9;
	s18 =	sand.u32 $0x3FFE0, s18;
	v27 =	vld [tilespmem:s17+$0xFFFFFFB0];
	(erf) = vpow2.f32 v26;
	v14 =	vadd.f32 v24, v14;
	v19 =	vpop (erf)  }
0x5a: {  	v12 =	vadd.f32 v13, v12;
	v24 =	vld [tilespmem:s17+$0xFFFFFFC0];
	v22 =	vmul.f32 $1.442695020e+00, v22;
	(erf) = vpow2.f32 v21  }
0x5b: {  	v13 =	vmul.f32 $1.442695020e+00, v17;
	v17 =	vmul.f32 $1.442695020e+00, v20;
	v15 =	vadd.f32 v18, v15;
	v21 =	vld [tilespmem:s17+$0x20];
	v20 =	vpop (erf)  }
0x5c: {  	v16 =	vadd.f32 v19, v16;
	v18 =	vsub.f32 v28, v5;
	v26 =	vld [tilespmem:s17+$0xFFFFFFD0];
	(erf) = vpow2.f32 v22  }
0x5d: {  	v7 =	vadd.f32 v20, v7;
	v19 =	vld [tilespmem:s17+$0xFFFFFFF0];
	(erf) = vpow2.f32 v17  }
0x5e: {  	v29 =	vmul.f32 $1.442695020e+00, v18;
	v25 =	vsub.f32 v25, v5;
	v28 =	vld [tilespmem:s18+$0x80];
	(erf) = vpow2.f32 v13;
	v20 =	vpop (erf)  }
.Ltmp1:
0x5f: {  	v17 =	vsub.f32 v27, v5;
	v22 =	vsub.f32 v24, v5;
	v13 =	vpop (erf);
	(pc) =	sbr.rel @p0 .LBB2_4-.Ltmp1, $4  }
0x60: {  	v10 =	vadd.f32 v20, v10;
	v27 =	vsub.f32 v21, v5;
	(erf) = vpow2.f32 v29;
	v18 =	vpop (erf)  }
0x61: {  	v24 =	vsub.f32 v23, v5;
	v29 =	vmul.f32 $1.442695020e+00, v22;
	v21 =	vsub.f32 v26, v5;
	v22 =	vld [tilespmem:s17+$0x0];
	v23 =	vpop (erf)  }
0x62: {  	v20 =	vsub.f32 v19, v5;
	v26 =	vmul.f32 $1.442695020e+00, v27;
	v8 =	vadd.f32 v23, v8;
	v19 =	vpop (erf)  }
0x63: {  	v25 =	vmul.f32 $1.442695020e+00, v25;
	s17 =	sadd.s32 $0xA0, s17;
	v27 =	vsub.f32 v28, v5;
	(erf) = vpow2.f32 v29;
	v23 =	vpop (erf)  }
0x64: {  	_ = 	snop  }
0x65: {  	v24 =	vmul.f32 $1.442695020e+00, v24;
	(erf) = vpow2.f32 v26  }
0x66: {  	v45 =	vmul.f32 $1.442695020e+00, v27;
	(erf) = vpow2.f32 v25;
	v22 =	vsub.f32 v22, v5  }
0x67: {  	v21 =	vmul.f32 $1.442695020e+00, v21;
	(erf) = vpow2.f32 v24  }
0x68: {  	(erf) = vpow2.f32 v45;
	v22 =	vmul.f32 $1.442695020e+00, v22  }
0x69: {  	v20 =	vmul.f32 $1.442695020e+00, v20;
	v46 =	vpop (erf);
	(erf) = vpow2.f32 v21  }
0x6a: {  	v17 =	vmul.f32 $1.442695020e+00, v17;
	v47 =	vpop (erf);
	(erf) = vpow2.f32 v22  }
0x6b: {  	v48 =	vpop (erf);
	(erf) = vpow2.f32 v20  }
0x6c: {  	v49 =	vpop (erf);
	(erf) = vpow2.f32 v17  }
0x6d: {  	v50 =	vpop (erf)  }
0x6e: {  	v51 =	vpop (erf)  }
0x6f: {  	v52 =	vpop (erf)  }
0x70: {  	v53 =	vpop (erf)  }
0x71: {  	v28 =	vpop (erf)  }
0x72: {  	v29 =	vpop (erf)  }
0x73: {  	v30 =	vpop (erf)  }
0x74: {  	v16 =	vadd.f32 v48, v16;
	v54 =	vpop (erf)  }
0x75: {  	v6 =	vadd.f32 v23, v6;
	v55 =	vpop (erf)  }
0x76: {  	v10 =	vadd.f32 v50, v10;
	v16 =	vadd.f32 v55, v16;
	_ =	sdelay $0x1  }
0x77: {  	v6 =	vadd.f32 v29, v6;
	v10 =	vadd.f32 v10, v16  }
0x78: {  	v14 =	vadd.f32 v47, v14  }
0x79: {  	v7 =	vadd.f32 v49, v7;
	v6 =	vadd.f32 v6, v10  }
0x7a: {  	v56 =	vadd.f32 v46, v15  }
0x7b: {  	v14 =	vadd.f32 v54, v14;
	v6 =	vadd.f32 v7, v6  }
0x7c: {  	v10 =	vadd.f32 v30, v56  }
0x7d: {  	v7 =	vadd.f32 v18, v11;
	v6 =	vadd.f32 v14, v6  }
0x7e: {  	v57 =	vadd.f32 v13, v12  }
0x7f: {  	v7 =	vadd.f32 v52, v7;
	v6 =	vadd.f32 v10, v6  }
0x80: {  	v9 =	vadd.f32 v19, v9  }
0x81: {  	v58 =	vadd.f32 v51, v57;
	v6 =	vadd.f32 v7, v6;
	_ =	sdelay $0x1  }
0x82: {  	v7 =	vadd.f32 v28, v9;
	v6 =	vadd.f32 v58, v6;
	_ =	sdelay $0x1  }
0x83: {  	v8 =	vadd.f32 v53, v8;
	v6 =	vadd.f32 v7, v6;
	_ =	sdelay $0x1  }
0x84: {  	v6 =	vadd.f32 v8, v6;
	_ =	sdelay $0x1  }
0x85: {  	v7 =	vperm.xlane v6, v0;
	_ =	sdelay $0x1  }
0x86: {  	v6 =	vadd.f32 v7, v6;
	_ =	sdelay $0x1  }
0x87: {  	v7 =	vperm.xlane v6, v1;
	_ =	sdelay $0x1  }
0x88: {  	v6 =	vadd.f32 v7, v6;
	_ =	sdelay $0x1  }
0x89: {  	v7 =	vperm.xlane v6, v2;
	_ =	sdelay $0x1  }
0x8a: {  	v6 =	vadd.f32 v7, v6;
	_ =	sdelay $0x1  }
0x8b: {  	v7 =	vperm.xlane v6, v3;
	_ =	sdelay $0x1  }
0x8c: {  	v6 =	vadd.f32 v7, v6;
	_ =	sdelay $0x1  }
0x8d: {  	vm0 =	vge.f32 v6, $2.000000000e+00;
	vm1 =	vge.f32 v6, $4.000000000e+00  }
0x8e: {  	v7 =	vsel vm0, $0x3F317218, v4;
	v8 =	vsel vm1, $0x3F317218, v4  }
0x8f: {  	vm13 =	vge.f32 v6, $8.000000000e+00;
	v7 =	vadd.f32 v8, v7  }
0x90: {  	v8 =	vsel vm13, $0x3F317218, v4  }
0x91: {  	vm14 =	vge.f32 v6, $1.600000000e+01;
	v7 =	vadd.f32 v7, v8  }
0x92: {  	v8 =	vsel vm14, $0x3F317218, v4  }
0x93: {  	vm15 =	vge.f32 v6, $3.200000000e+01;
	v7 =	vadd.f32 v7, v8  }
0x94: {  	v8 =	vsel vm15, $0x3F317218, v4  }
0x95: {  	vm4 =	vge.f32 v6, $6.400000000e+01;
	v7 =	vadd.f32 v7, v8  }
0x96: {  	v8 =	vsel vm4, $0x3F317218, v4  }
0x97: {  	vm5 =	vge.f32 v6, $1.280000000e+02;
	v7 =	vadd.f32 v7, v8  }
0x98: {  	v8 =	vsel vm5, $0x3F317218, v4  }
0x99: {  	vm6 =	vge.f32 v6, $2.560000000e+02;
	v7 =	vadd.f32 v7, v8  }
0x9a: {  	v8 =	vsel vm6, $0x3F317218, v4  }
0x9b: {  	vm7 =	vge.f32 v6, $5.120000000e+02;
	v7 =	vadd.f32 v7, v8  }
0x9c: {  	v8 =	vsel vm7, $0x3F317218, v4  }
0x9d: {  	vm8 =	vge.f32 v6, $1.024000000e+03;
	v7 =	vadd.f32 v7, v8  }
0x9e: {  	v8 =	vsel vm8, $0x3F317218, v4  }
0x9f: {  	vm9 =	vge.f32 v6, $2.048000000e+03;
	v7 =	vadd.f32 v7, v8  }
0xa0: {  	v8 =	vsel vm9, $0x3F317218, v4  }
0xa1: {  	vm10 =	vge.f32 v6, $4.096000000e+03;
	v7 =	vadd.f32 v7, v8  }
0xa2: {  	v8 =	vsel vm10, $0x3F317218, v4  }
0xa3: {  	vm11 =	vge.f32 v6, $8.192000000e+03;
	v7 =	vadd.f32 v7, v8  }
0xa4: {  	v8 =	vsel vm11, $0x3F317218, v4  }
0xa5: {  	vm12 =	vge.f32 v6, $1.638400000e+04;
	v7 =	vadd.f32 v7, v8  }
0xa6: {  	v8 =	vsel vm12, $0x3F317218, v4  }
0xa7: {  	vm13 =	vge.f32 v6, $3.276800000e+04;
	v7 =	vadd.f32 v7, v8  }
0xa8: {  	v8 =	vsel vm13, $0x3F317218, v4  }
0xa9: {  	vm14 =	vge.f32 v6, $6.553600000e+04;
	v7 =	vadd.f32 v7, v8  }
0xaa: {  	v8 =	vsel vm14, $0x3F317218, v4  }
0xab: {  	vm15 =	vge.f32 v6, $1.310720000e+05;
	v7 =	vadd.f32 v7, v8  }
0xac: {  	v8 =	vsel vm15, $0x3F317218, v4  }
0xad: {  	v7 =	vadd.f32 v7, v8;
	_ =	sdelay $0x1  }
0xae: {  	v8 =	vsub.f32 $0.0e+00, v7;
	_ =	sdelay $0x1  }
0xaf: {  	v8 =	vmul.f32 $1.442695020e+00, v8;
	_ =	sdelay $0x1  }
0xb0: {  	(erf) = vpow2.f32 v8;
	_ =	sdelay $0x8  }
0xb1: {  	v8 =	vpop (erf)  }
0xb2: {  	v7 =	vadd.f32 $-1.000000000e+00, v7;
	v8 =	vmul.f32 v8, v6;
	_ =	sdelay $0x1  }
0xb3: {  	v7 =	vadd.f32 v8, v7;
	_ =	sdelay $0x1  }
0xb4: {  	v8 =	vsub.f32 $0.0e+00, v7;
	_ =	sdelay $0x1  }
0xb5: {  	v8 =	vmul.f32 $1.442695020e+00, v8;
	_ =	sdelay $0x1  }
0xb6: {  	(erf) = vpow2.f32 v8;
	_ =	sdelay $0x8  }
0xb7: {  	v8 =	vpop (erf)  }
0xb8: {  	v7 =	vadd.f32 $-1.000000000e+00, v7;
	v8 =	vmul.f32 v8, v6;
	_ =	sdelay $0x1  }
0xb9: {  	v7 =	vadd.f32 v8, v7;
	_ =	sdelay $0x1  }
0xba: {  	v8 =	vsub.f32 $0.0e+00, v7;
	_ =	sdelay $0x1  }
0xbb: {  	v8 =	vmul.f32 $1.442695020e+00, v8;
	_ =	sdelay $0x1  }
0xbc: {  	(erf) = vpow2.f32 v8;
	_ =	sdelay $0x8  }
0xbd: {  	v8 =	vpop (erf)  }
0xbe: {  	v7 =	vadd.f32 $-1.000000000e+00, v7;
	v8 =	vmul.f32 v8, v6;
	_ =	sdelay $0x1  }
0xbf: {  	v7 =	vadd.f32 v8, v7;
	_ =	sdelay $0x1  }
0xc0: {  	v8 =	vsub.f32 $0.0e+00, v7;
	_ =	sdelay $0x1  }
0xc1: {  	v8 =	vmul.f32 $1.442695020e+00, v8;
	_ =	sdelay $0x1  }
0xc2: {  	(erf) = vpow2.f32 v8;
	_ =	sdelay $0x8  }
0xc3: {  	v8 =	vpop (erf)  }
0xc4: {  	s16 =	simm.s32 $0x50;
	v7 =	vadd.f32 $-1.000000000e+00, v7;
	v6 =	vmul.f32 v8, v6  }
0xc5: {  	v8 =	vld [tilespmem:s16+$0xFFFFFFD0]  }
0xc6: {  	v59 =	vld [tilespmem:s16+$0x20];
	v6 =	vadd.f32 v6, v7  }
0xc7: {  	v61 =	vld [tilespmem:s16+$0xFFFFFFF0]  }
0xc8: {  	v7 =	vld [tilespmem:s16+$0xFFFFFFB0];
	v5 =	vadd.f32 v6, v5  }
0xc9: {  	v6 =	vld [tilespmem:s16+$0x10]  }
0xca: {  	v60 =	vld [tilespmem:s16+$0x0];
	v8 =	vsub.f32 v8, v5  }
0xcb: {  	v62 =	vld [tilespmem:s16+$0xFFFFFFC0];
	v9 =	vsub.f32 v59, v5  }
0xcc: {  	v63 =	vsub.f32 v61, v5;
	[tilespmem:s16+$0xFFFFFFD0] =	vst v8;
	v8 =	vld [tilespmem:s16+$0xFFFFFFE0]  }
0xcd: {  	v7 =	vsub.f32 v7, v5;
	[tilespmem:s16+$0x20] =	vst v9  }
0xce: {  	[tilespmem:s16+$0xFFFFFFF0] =	vst v63;
	v6 =	vsub.f32 v6, v5  }
0xcf: {  	[tilespmem:s16+$0xFFFFFFB0] =	vst v7;
	v7 =	vsub.f32 v60, v5  }
0xd0: {  	[tilespmem:s16+$0x10] =	vst v6;
	v6 =	vsub.f32 v62, v5  }
0xd1: {  	[tilespmem:s16+$0x0] =	vst v7;
	v7 =	vsub.f32 v8, v5  }
0xd2: {  	s17 =	simm.s32 $0x0;
	[tilespmem:s16+$0xFFFFFFC0] =	vst v6  }
0xd3: {  	s17 =	sand.u32 $0x3FFE0, s17;
	[tilespmem:s16+$0xFFFFFFE0] =	vst v7  }
0xd4: {  	v6 =	vld [tilespmem:s17+$0x80];
	_ =	sdelay $0x4  }
0xd5: {  	v6 =	vsub.f32 v6, v5;
	_ =	sdelay $0x1  }
0xd6: {  	[tilespmem:s17+$0x80] =	vst v6  }
0xd7: {  	s18 =	simm.s32 $0xF0;
	s17 =	simm.s32 $0xA0;
	v6 =	vld [tilespmem:s16+$0x40]  }
.LBB2_6:
0xd8: {  	v7 =	vld [tilespmem:s18+$0xFFFFFFD0];
	p0 =	sne.s32 s17, $0x18600;
	s19 =	smov.u32 s17;
	s17 =	sadd.s32 $0xA0, s17  }
0xd9: {  	v8 =	vld [tilespmem:s18+$0xFFFFFFB0]  }
0xda: {  	v9 =	vld [tilespmem:s18+$0x20]  }
0xdb: {  	v10 =	vld [tilespmem:s18+$0x10]  }
0xdc: {  	v11 =	vld [tilespmem:s18+$0x0];
	v6 =	vsub.f32 v6, v5  }
0xdd: {  	v7 =	vsub.f32 v7, v5;
	v12 =	vld [tilespmem:s18+$0xFFFFFFF0]  }
0xde: {  	v8 =	vsub.f32 v8, v5;
	v13 =	vld [tilespmem:s18+$0xFFFFFFC0];
	[tilespmem:s16+$0x40] =	vst v6;
	s16 =	smov.u32 s18  }
0xdf: {  	[tilespmem:s18+$0xFFFFFFD0] =	vst v7;
	v6 =	vld [tilespmem:s18+$0xFFFFFFE0];
	v7 =	vsub.f32 v9, v5  }
0xe0: {  	[tilespmem:s18+$0xFFFFFFB0] =	vst v8;
	v8 =	vsub.f32 v10, v5  }
0xe1: {  	v9 =	vsub.f32 v11, v5;
	[tilespmem:s18+$0x20] =	vst v7  }
0xe2: {  	v7 =	vsub.f32 v12, v5;
	[tilespmem:s18+$0x10] =	vst v8  }
0xe3: {  	v8 =	vsub.f32 v13, v5;
	[tilespmem:s18+$0x0] =	vst v9  }
0xe4: {  	v6 =	vsub.f32 v6, v5;
	[tilespmem:s18+$0xFFFFFFF0] =	vst v7  }
0xe5: {  	[tilespmem:s18+$0xFFFFFFC0] =	vst v8  }
0xe6: {  	s19 =	sand.u32 $0x3FFE0, s19;
	[tilespmem:s18+$0xFFFFFFE0] =	vst v6  }
0xe7: {  	v6 =	vld [tilespmem:s19+$0x80];
	_ =	sdelay $0x3  }
.Ltmp2:
0xe8: {  	(pc) =	sbr.rel @p0 .LBB2_6-.Ltmp2, $3  }
0xe9: {  	v6 =	vsub.f32 v6, v5;
	_ =	sdelay $0x1  }
0xea: {  	[tilespmem:s19+$0x80] =	vst v6  }
0xeb: {  	s18 =	sadd.s32 $0xA0, s18;
	v6 =	vld [tilespmem:s16+$0x40]  }
0xec: {  	_ =	sdelay $0x3  }
0xed: {  	v5 =	vsub.f32 v6, v5;
	_ =	sdelay $0x1  }
0xee: {  	s30 =	simm.s32 $0x0;
	[tilespmem:s16+$0x40] =	vst v5  }
0xef: {  	[hbm4b:s4+s12] =	stream.strided.scatter [tilespmem:s30], [sflag:$0x1], $0x18700, s13, s12, $0x38;
	[tilespmem:$0x18700] =	vst v63  }
0xf0: {  	_ =	swait.ge [sflag:s14], $0x18700  }
0xf1: {  	[sflag:s14] =	ssyncset.done $0x0  }
0xf2: {  	[sflag:s14] =	ssyncadd.s32 $0xFFFE7900  }
0xf3: {  	[tilespmem:s30], [sflag:$0x1] =	stream.strided.gather [hbm4b:s5+s12], $0x18700, s13, s12, $0x38;
	[tilespmem:$0x18700] =	vst v63  }
0xf4: {  	_ =	swait.ge [sflag:s14], $0x18700  }
0xf5: {  	[sflag:s14] =	ssyncset.done $0x0  }
0xf6: {  	s16 =	sand.u32 $0x3FFE0, s30;
	[sflag:s14] =	ssyncadd.s32 $0xFFFE7900  }
0xf7: {  	s17 =	simm.s32 $0x50;
	v5 =	vld [tilespmem:s16+$0x80]  }
0xf8: {  	v8 =	vld [tilespmem:s17+$0x40]  }
0xf9: {  	v9 =	vld [tilespmem:s17+$0xFFFFFFC0]  }
0xfa: {  	v11 =	vld [tilespmem:s17+$0xFFFFFFD0]  }
0xfb: {  	v14 =	vld [tilespmem:s17+$0xFFFFFFE0]  }
0xfc: {  	v15 =	vld [tilespmem:s17+$0xFFFFFFF0]  }
0xfd: {  	v10 =	vld [tilespmem:s17+$0x0]  }
0xfe: {  	v7 =	vimm.f32 $-Inf;
	v12 =	vld [tilespmem:s17+$0x10]  }
0xff: {  	s31 =	simm.s32 $0xA0;
	v18 =	vimm.f32 $-Inf;
	v17 =	vld [tilespmem:s17+$0x20];
	v6 =	vmax.f32 v7, v5;
	v5 =	vmax.f32 v7, v8  }
0x100: {  	s16 =	sand.u32 $0x3FFE0, s31;
	v19 =	vld [tilespmem:s17+$0xFFFFFFB0];
	v16 =	vmax.f32 v7, v9;
	v13 =	vmax.f32 v7, v11;
	v14 =	vmax.f32 v7, v14  }
0x101: {  	s17 =	simm.s32 $0x140;
	v9 =	vmax.f32 v7, v15;
	v15 =	vld [tilespmem:s16+$0x80];
	s16 =	simm.s32 $0xF0;
	v11 =	vimm.f32 $-Inf;
	v8 =	vimm.f32 $-Inf  }
.LBB2_8:
0x102: {  	p0 =	sne.s32 s17, $0x18600;
	v20 =	vld [tilespmem:s16+$0x40];
	v7 =	vmax.f32 v7, v10  }
0x103: {  	v21 =	vld [tilespmem:s16+$0xFFFFFFC0];
	v11 =	vmax.f32 v11, v12  }
0x104: {  	v22 =	vld [tilespmem:s16+$0xFFFFFFD0];
	v8 =	vmax.f32 v8, v17  }
0x105: {  	v23 =	vld [tilespmem:s16+$0xFFFFFFE0];
	v18 =	vmax.f32 v18, v19  }
0x106: {  	v24 =	vld [tilespmem:s16+$0xFFFFFFF0]  }
.Ltmp3:
0x107: {  	v6 =	vmax.f32 v6, v15;
	v10 =	vld [tilespmem:s16+$0x0];
	v5 =	vmax.f32 v5, v20;
	(pc) =	sbr.rel @p0 .LBB2_8-.Ltmp3, $4  }
0x108: {  	v16 =	vmax.f32 v16, v21;
	v12 =	vld [tilespmem:s16+$0x10]  }
0x109: {  	v13 =	vmax.f32 v13, v22;
	v17 =	vld [tilespmem:s16+$0x20]  }
0x10a: {  	s18 =	sand.u32 $0x3FFE0, s17;
	v19 =	vld [tilespmem:s16+$0xFFFFFFB0];
	v14 =	vmax.f32 v14, v23  }
0x10b: {  	s17 =	sadd.s32 $0xA0, s17;
	s16 =	sadd.s32 $0xA0, s16;
	v15 =	vld [tilespmem:s18+$0x80];
	v9 =	vmax.f32 v9, v24  }
0x10c: {  	v20 =	vld [tilespmem:s16+$0xFFFFFFC0]  }
0x10d: {  	v21 =	vld [tilespmem:s16+$0xFFFFFFB0]  }
0x10e: {  	v22 =	vld [tilespmem:s16+$0xFFFFFFD0]  }
0x10f: {  	v23 =	vld [tilespmem:s16+$0xFFFFFFE0]  }
0x110: {  	v24 =	vld [tilespmem:s16+$0xFFFFFFF0]  }
0x111: {  	v18 =	vmax.f32 v18, v19;
	v19 =	vld [tilespmem:s16+$0x0]  }
0x112: {  	v16 =	vmax.f32 v16, v20;
	v20 =	vld [tilespmem:s16+$0x10];
	v18 =	vmax.f32 v18, v21  }
0x113: {  	v13 =	vmax.f32 v13, v22;
	v21 =	vld [tilespmem:s16+$0x20];
	v16 =	vmax.f32 v18, v16  }
0x114: {  	v14 =	vmax.f32 v14, v23;
	v13 =	vmax.f32 v16, v13  }
0x115: {  	v7 =	vmax.f32 v7, v10;
	v9 =	vmax.f32 v9, v24;
	v16 =	vld [tilespmem:s16+$0x40];
	v10 =	vmax.f32 v13, v14  }
0x116: {  	v11 =	vmax.f32 v11, v12;
	v7 =	vmax.f32 v7, v19;
	v9 =	vmax.f32 v10, v9  }
0x117: {  	v8 =	vmax.f32 v8, v17;
	v10 =	vmax.f32 v11, v20;
	v7 =	vmax.f32 v9, v7  }
0x118: {  	v8 =	vmax.f32 v8, v21;
	v7 =	vmax.f32 v7, v10  }
0x119: {  	v6 =	vmax.f32 v6, v15;
	v7 =	vmax.f32 v7, v8  }
0x11a: {  	v5 =	vmax.f32 v5, v16;
	v6 =	vmax.f32 v7, v6  }
0x11b: {  	v5 =	vmax.f32 v6, v5  }
0x11c: {  	v6 =	vperm.xlane v5, v0;
	_ =	sdelay $0x1  }
0x11d: {  	v5 =	vmax.f32 v5, v6  }
0x11e: {  	v6 =	vperm.xlane v5, v1;
	_ =	sdelay $0x1  }
0x11f: {  	v5 =	vmax.f32 v5, v6  }
0x120: {  	s29 =	simm.s32 $0x50;
	v6 =	vperm.xlane v5, v2  }
0x121: {  	v7 =	vld [tilespmem:s29+$0xFFFFFFE0]  }
0x122: {  	v5 =	vmax.f32 v5, v6  }
0x123: {  	s17 =	simm.s32 $0x0;
	v8 =	vld [tilespmem:s29+$0xFFFFFFC0];
	v6 =	vperm.xlane v5, v3  }
0x124: {  	s17 =	sand.u32 $0x3FFE0, s17;
	v9 =	vld [tilespmem:s29+$0x20]  }
0x125: {  	v12 =	vld [tilespmem:s17+$0x80];
	v5 =	vmax.f32 v5, v6  }
0x126: {  	v6 =	vld [tilespmem:s29+$0x10];
	v7 =	vsub.f32 v7, v5  }
0x127: {  	v10 =	vld [tilespmem:s29+$0x40]  }
0x128: {  	v13 =	vld [tilespmem:s29+$0xFFFFFFD0];
	v8 =	vsub.f32 v8, v5;
	v7 =	vmul.f32 $1.442695020e+00, v7  }
0x129: {  	v14 =	vld [tilespmem:s29+$0xFFFFFFF0];
	v9 =	vsub.f32 v9, v5  }
0x12a: {  	v11 =	vld [tilespmem:s29+$0xFFFFFFB0];
	(erf) = vpow2.f32 v7;
	v7 =	vmul.f32 $1.442695020e+00, v8  }
0x12b: {  	s30 =	simm.s32 $0xF0;
	v9 =	vmul.f32 $1.442695020e+00, v9;
	v6 =	vsub.f32 v6, v5;
	v8 =	vld [tilespmem:s29+$0x0]  }
0x12c: {  	s31 =	simm.s32 $0xA0;
	v15 =	vld [tilespmem:s30+$0x10];
	v10 =	vsub.f32 v10, v5;
	(erf) = vpow2.f32 v7  }
0x12d: {  	s16 =	sand.u32 $0x3FFE0, s31;
	v19 =	vld [tilespmem:s30+$0xFFFFFFD0];
	v6 =	vmul.f32 $1.442695020e+00, v6;
	(erf) = vpow2.f32 v9;
	v9 =	vsub.f32 v12, v5  }
0x12e: {  	v22 =	vld [tilespmem:s16+$0x80];
	v13 =	vsub.f32 v13, v5;
	v14 =	vsub.f32 v14, v5;
	v10 =	vmul.f32 $1.442695020e+00, v10  }
0x12f: {  	v11 =	vsub.f32 v11, v5;
	v7 =	vld [tilespmem:s30+$0xFFFFFFE0];
	(erf) = vpow2.f32 v6;
	v9 =	vmul.f32 $1.442695020e+00, v9  }
0x130: {  	v13 =	vmul.f32 $1.442695020e+00, v13;
	v12 =	vld [tilespmem:s30+$0x40];
	(erf) = vpow2.f32 v10;
	v8 =	vsub.f32 v8, v5  }
0x131: {  	v16 =	vld [tilespmem:s30+$0xFFFFFFC0];
	v15 =	vsub.f32 v15, v5;
	v11 =	vmul.f32 $1.442695020e+00, v11;
	(erf) = vpow2.f32 v9  }
0x132: {  	v21 =	vsub.f32 v19, v5;
	v10 =	vld [tilespmem:s30+$0xFFFFFFB0];
	v8 =	vmul.f32 $1.442695020e+00, v8;
	(erf) = vpow2.f32 v13  }
0x133: {  	v27 =	vsub.f32 v22, v5;
	v25 =	vmul.f32 $1.442695020e+00, v15;
	v9 =	vld [tilespmem:s30+$0x20];
	v13 =	vmul.f32 $1.442695020e+00, v14  }
0x134: {  	v15 =	vimm.f32 $0.0e+00;
	v17 =	vsub.f32 v7, v5;
	(erf) = vpow2.f32 v8;
	v8 =	vld [tilespmem:s30+$0xFFFFFFF0]  }
0x135: {  	v6 =	vimm.f32 $0.0e+00;
	v24 =	vsub.f32 v12, v5;
	v14 =	vpop (erf);
	(erf) = vpow2.f32 v13  }
0x136: {  	v7 =	vadd.f32 v14, v6;
	v14 =	vmul.f32 $1.442695020e+00, v17;
	v18 =	vpop (erf);
	(erf) = vpow2.f32 v11  }
0x137: {  	v17 =	vsub.f32 v10, v5;
	v11 =	vsub.f32 v16, v5;
	v16 =	vimm.f32 $0.0e+00;
	v13 =	vpop (erf)  }
0x138: {  	v9 =	vsub.f32 v9, v5;
	(erf) = vpow2.f32 v14;
	v10 =	vadd.f32 v18, v6;
	v18 =	vpop (erf)  }
0x139: {  	v22 =	vld [tilespmem:s30+$0x0];
	v14 =	vimm.f32 $0.0e+00;
	v11 =	vmul.f32 $1.442695020e+00, v11;
	v12 =	vpop (erf);
	v20 =	vsub.f32 v8, v5  }
0x13a: {  	v26 =	vmul.f32 $1.442695020e+00, v9;
	v9 =	vimm.f32 $0.0e+00;
	v8 =	vadd.f32 v12, v6;
	v19 =	vpop (erf)  }
0x13b: {  	s17 =	simm.s32 $0x190;
	s16 =	simm.s32 $0x140;
	(erf) = vpow2.f32 v11;
	v11 =	vimm.f32 $0.0e+00;
	v12 =	vimm.f32 $0.0e+00;
	v23 =	vpop (erf)  }
.LBB2_10:
0x13c: {  	v28 =	vld [tilespmem:s17+$0xFFFFFFE0];
	p0 =	sne.s32 s16, $0x18600;
	v29 =	vmul.f32 $1.442695020e+00, v24;
	(erf) = vpow2.f32 v26;
	v6 =	vadd.f32 v23, v6;
	s18 =	smov.u32 s16;
	s16 =	sadd.s32 $0xA0, s16  }
0x13d: {  	v11 =	vadd.f32 v18, v11;
	v23 =	vld [tilespmem:s17+$0x40];
	v26 =	vmul.f32 $1.442695020e+00, v27;
	(erf) = vpow2.f32 v25;
	v18 =	vpop (erf)  }
0x13e: {  	v21 =	vmul.f32 $1.442695020e+00, v21;
	v25 =	vld [tilespmem:s17+$0x10];
	v22 =	vsub.f32 v22, v5;
	(erf) = vpow2.f32 v29;
	v24 =	vpop (erf)  }
0x13f: {  	v9 =	vadd.f32 v19, v9;
	s18 =	sand.u32 $0x3FFE0, s18;
	v27 =	vld [tilespmem:s17+$0xFFFFFFB0];
	(erf) = vpow2.f32 v26;
	v14 =	vadd.f32 v24, v14;
	v19 =	vpop (erf)  }
0x140: {  	v12 =	vadd.f32 v13, v12;
	v24 =	vld [tilespmem:s17+$0xFFFFFFC0];
	v22 =	vmul.f32 $1.442695020e+00, v22;
	(erf) = vpow2.f32 v21  }
0x141: {  	v13 =	vmul.f32 $1.442695020e+00, v17;
	v17 =	vmul.f32 $1.442695020e+00, v20;
	v15 =	vadd.f32 v18, v15;
	v21 =	vld [tilespmem:s17+$0x20];
	v20 =	vpop (erf)  }
0x142: {  	v16 =	vadd.f32 v19, v16;
	v18 =	vsub.f32 v28, v5;
	v26 =	vld [tilespmem:s17+$0xFFFFFFD0];
	(erf) = vpow2.f32 v22  }
0x143: {  	v7 =	vadd.f32 v20, v7;
	v19 =	vld [tilespmem:s17+$0xFFFFFFF0];
	(erf) = vpow2.f32 v17  }
0x144: {  	v29 =	vmul.f32 $1.442695020e+00, v18;
	v25 =	vsub.f32 v25, v5;
	v28 =	vld [tilespmem:s18+$0x80];
	(erf) = vpow2.f32 v13;
	v20 =	vpop (erf)  }
.Ltmp4:
0x145: {  	v17 =	vsub.f32 v27, v5;
	v22 =	vsub.f32 v24, v5;
	v13 =	vpop (erf);
	(pc) =	sbr.rel @p0 .LBB2_10-.Ltmp4, $4  }
0x146: {  	v10 =	vadd.f32 v20, v10;
	v27 =	vsub.f32 v21, v5;
	(erf) = vpow2.f32 v29;
	v18 =	vpop (erf)  }
0x147: {  	v24 =	vsub.f32 v23, v5;
	v29 =	vmul.f32 $1.442695020e+00, v22;
	v21 =	vsub.f32 v26, v5;
	v22 =	vld [tilespmem:s17+$0x0];
	v23 =	vpop (erf)  }
0x148: {  	v20 =	vsub.f32 v19, v5;
	v26 =	vmul.f32 $1.442695020e+00, v27;
	v8 =	vadd.f32 v23, v8;
	v19 =	vpop (erf)  }
0x149: {  	v25 =	vmul.f32 $1.442695020e+00, v25;
	s17 =	sadd.s32 $0xA0, s17;
	v27 =	vsub.f32 v28, v5;
	(erf) = vpow2.f32 v29;
	v23 =	vpop (erf)  }
0x14a: {  	_ = 	snop  }
0x14b: {  	v24 =	vmul.f32 $1.442695020e+00, v24;
	(erf) = vpow2.f32 v26  }
0x14c: {  	v45 =	vmul.f32 $1.442695020e+00, v27;
	(erf) = vpow2.f32 v25;
	v22 =	vsub.f32 v22, v5  }
0x14d: {  	v21 =	vmul.f32 $1.442695020e+00, v21;
	(erf) = vpow2.f32 v24  }
0x14e: {  	(erf) = vpow2.f32 v45;
	v22 =	vmul.f32 $1.442695020e+00, v22  }
0x14f: {  	v20 =	vmul.f32 $1.442695020e+00, v20;
	v46 =	vpop (erf);
	(erf) = vpow2.f32 v21  }
0x150: {  	v17 =	vmul.f32 $1.442695020e+00, v17;
	v47 =	vpop (erf);
	(erf) = vpow2.f32 v22  }
0x151: {  	v48 =	vpop (erf);
	(erf) = vpow2.f32 v20  }
0x152: {  	v49 =	vpop (erf);
	(erf) = vpow2.f32 v17  }
0x153: {  	v50 =	vpop (erf)  }
0x154: {  	v51 =	vpop (erf)  }
0x155: {  	v52 =	vpop (erf)  }
0x156: {  	v53 =	vpop (erf)  }
0x157: {  	v28 =	vpop (erf)  }
0x158: {  	v29 =	vpop (erf)  }
0x159: {  	v30 =	vpop (erf)  }
0x15a: {  	v16 =	vadd.f32 v48, v16;
	v54 =	vpop (erf)  }
0x15b: {  	v6 =	vadd.f32 v23, v6;
	v55 =	vpop (erf)  }
0x15c: {  	v10 =	vadd.f32 v50, v10;
	v16 =	vadd.f32 v55, v16;
	_ =	sdelay $0x1  }
0x15d: {  	v6 =	vadd.f32 v29, v6;
	v10 =	vadd.f32 v10, v16  }
0x15e: {  	v14 =	vadd.f32 v47, v14  }
0x15f: {  	v7 =	vadd.f32 v49, v7;
	v6 =	vadd.f32 v6, v10  }
0x160: {  	v56 =	vadd.f32 v46, v15  }
0x161: {  	v14 =	vadd.f32 v54, v14;
	v6 =	vadd.f32 v7, v6  }
0x162: {  	v10 =	vadd.f32 v30, v56  }
0x163: {  	v7 =	vadd.f32 v18, v11;
	v6 =	vadd.f32 v14, v6  }
0x164: {  	v57 =	vadd.f32 v13, v12  }
0x165: {  	v7 =	vadd.f32 v52, v7;
	v6 =	vadd.f32 v10, v6  }
0x166: {  	v9 =	vadd.f32 v19, v9  }
0x167: {  	v58 =	vadd.f32 v51, v57;
	v6 =	vadd.f32 v7, v6;
	_ =	sdelay $0x1  }
0x168: {  	v7 =	vadd.f32 v28, v9;
	v6 =	vadd.f32 v58, v6;
	_ =	sdelay $0x1  }
0x169: {  	v8 =	vadd.f32 v53, v8;
	v6 =	vadd.f32 v7, v6;
	_ =	sdelay $0x1  }
0x16a: {  	v6 =	vadd.f32 v8, v6;
	_ =	sdelay $0x1  }
0x16b: {  	v7 =	vperm.xlane v6, v0;
	_ =	sdelay $0x1  }
0x16c: {  	v6 =	vadd.f32 v7, v6;
	_ =	sdelay $0x1  }
0x16d: {  	v7 =	vperm.xlane v6, v1;
	_ =	sdelay $0x1  }
0x16e: {  	v6 =	vadd.f32 v7, v6;
	_ =	sdelay $0x1  }
0x16f: {  	v7 =	vperm.xlane v6, v2;
	_ =	sdelay $0x1  }
0x170: {  	v6 =	vadd.f32 v7, v6;
	_ =	sdelay $0x1  }
0x171: {  	v7 =	vperm.xlane v6, v3;
	_ =	sdelay $0x1  }
0x172: {  	v6 =	vadd.f32 v7, v6;
	_ =	sdelay $0x1  }
0x173: {  	vm0 =	vge.f32 v6, $2.000000000e+00;
	vm1 =	vge.f32 v6, $4.000000000e+00  }
0x174: {  	v7 =	vsel vm0, $0x3F317218, v4;
	v8 =	vsel vm1, $0x3F317218, v4  }
0x175: {  	vm13 =	vge.f32 v6, $8.000000000e+00;
	v7 =	vadd.f32 v8, v7  }
0x176: {  	v8 =	vsel vm13, $0x3F317218, v4  }
0x177: {  	vm14 =	vge.f32 v6, $1.600000000e+01;
	v7 =	vadd.f32 v7, v8  }
0x178: {  	v8 =	vsel vm14, $0x3F317218, v4  }
0x179: {  	vm15 =	vge.f32 v6, $3.200000000e+01;
	v7 =	vadd.f32 v7, v8  }
0x17a: {  	v8 =	vsel vm15, $0x3F317218, v4  }
0x17b: {  	vm4 =	vge.f32 v6, $6.400000000e+01;
	v7 =	vadd.f32 v7, v8  }
0x17c: {  	v8 =	vsel vm4, $0x3F317218, v4  }
0x17d: {  	vm5 =	vge.f32 v6, $1.280000000e+02;
	v7 =	vadd.f32 v7, v8  }
0x17e: {  	v8 =	vsel vm5, $0x3F317218, v4  }
0x17f: {  	vm6 =	vge.f32 v6, $2.560000000e+02;
	v7 =	vadd.f32 v7, v8  }
0x180: {  	v8 =	vsel vm6, $0x3F317218, v4  }
0x181: {  	vm7 =	vge.f32 v6, $5.120000000e+02;
	v7 =	vadd.f32 v7, v8  }
0x182: {  	v8 =	vsel vm7, $0x3F317218, v4  }
0x183: {  	vm8 =	vge.f32 v6, $1.024000000e+03;
	v7 =	vadd.f32 v7, v8  }
0x184: {  	v8 =	vsel vm8, $0x3F317218, v4  }
0x185: {  	vm9 =	vge.f32 v6, $2.048000000e+03;
	v7 =	vadd.f32 v7, v8  }
0x186: {  	v8 =	vsel vm9, $0x3F317218, v4  }
0x187: {  	vm10 =	vge.f32 v6, $4.096000000e+03;
	v7 =	vadd.f32 v7, v8  }
0x188: {  	v8 =	vsel vm10, $0x3F317218, v4  }
0x189: {  	vm11 =	vge.f32 v6, $8.192000000e+03;
	v7 =	vadd.f32 v7, v8  }
0x18a: {  	v8 =	vsel vm11, $0x3F317218, v4  }
0x18b: {  	vm12 =	vge.f32 v6, $1.638400000e+04;
	v7 =	vadd.f32 v7, v8  }
0x18c: {  	v8 =	vsel vm12, $0x3F317218, v4  }
0x18d: {  	vm13 =	vge.f32 v6, $3.276800000e+04;
	v7 =	vadd.f32 v7, v8  }
0x18e: {  	v8 =	vsel vm13, $0x3F317218, v4  }
0x18f: {  	vm14 =	vge.f32 v6, $6.553600000e+04;
	v7 =	vadd.f32 v7, v8  }
0x190: {  	v8 =	vsel vm14, $0x3F317218, v4  }
0x191: {  	vm15 =	vge.f32 v6, $1.310720000e+05;
	v7 =	vadd.f32 v7, v8  }
0x192: {  	v8 =	vsel vm15, $0x3F317218, v4  }
0x193: {  	v7 =	vadd.f32 v7, v8;
	_ =	sdelay $0x1  }
0x194: {  	v8 =	vsub.f32 $0.0e+00, v7;
	_ =	sdelay $0x1  }
0x195: {  	v8 =	vmul.f32 $1.442695020e+00, v8;
	_ =	sdelay $0x1  }
0x196: {  	(erf) = vpow2.f32 v8;
	_ =	sdelay $0x8  }
0x197: {  	v8 =	vpop (erf)  }
0x198: {  	v7 =	vadd.f32 $-1.000000000e+00, v7;
	v8 =	vmul.f32 v8, v6;
	_ =	sdelay $0x1  }
0x199: {  	v7 =	vadd.f32 v8, v7;
	_ =	sdelay $0x1  }
0x19a: {  	v8 =	vsub.f32 $0.0e+00, v7;
	_ =	sdelay $0x1  }
0x19b: {  	v8 =	vmul.f32 $1.442695020e+00, v8;
	_ =	sdelay $0x1  }
0x19c: {  	(erf) = vpow2.f32 v8;
	_ =	sdelay $0x8  }
0x19d: {  	v8 =	vpop (erf)  }
0x19e: {  	v7 =	vadd.f32 $-1.000000000e+00, v7;
	v8 =	vmul.f32 v8, v6;
	_ =	sdelay $0x1  }
0x19f: {  	v7 =	vadd.f32 v8, v7;
	_ =	sdelay $0x1  }
0x1a0: {  	v8 =	vsub.f32 $0.0e+00, v7;
	_ =	sdelay $0x1  }
0x1a1: {  	v8 =	vmul.f32 $1.442695020e+00, v8;
	_ =	sdelay $0x1  }
0x1a2: {  	(erf) = vpow2.f32 v8;
	_ =	sdelay $0x8  }
0x1a3: {  	v8 =	vpop (erf)  }
0x1a4: {  	v7 =	vadd.f32 $-1.000000000e+00, v7;
	v8 =	vmul.f32 v8, v6;
	_ =	sdelay $0x1  }
0x1a5: {  	v7 =	vadd.f32 v8, v7;
	_ =	sdelay $0x1  }
0x1a6: {  	v8 =	vsub.f32 $0.0e+00, v7;
	_ =	sdelay $0x1  }
0x1a7: {  	v8 =	vmul.f32 $1.442695020e+00, v8;
	_ =	sdelay $0x1  }
0x1a8: {  	(erf) = vpow2.f32 v8;
	_ =	sdelay $0x8  }
0x1a9: {  	v8 =	vpop (erf)  }
0x1aa: {  	s16 =	simm.s32 $0x50;
	v7 =	vadd.f32 $-1.000000000e+00, v7;
	v6 =	vmul.f32 v8, v6  }
0x1ab: {  	v8 =	vld [tilespmem:s16+$0xFFFFFFD0]  }
0x1ac: {  	v59 =	vld [tilespmem:s16+$0x20];
	v6 =	vadd.f32 v6, v7  }
0x1ad: {  	v61 =	vld [tilespmem:s16+$0xFFFFFFF0]  }
0x1ae: {  	v7 =	vld [tilespmem:s16+$0xFFFFFFB0];
	v5 =	vadd.f32 v6, v5  }
0x1af: {  	v6 =	vld [tilespmem:s16+$0x10]  }
0x1b0: {  	v60 =	vld [tilespmem:s16+$0x0];
	v8 =	vsub.f32 v8, v5  }
0x1b1: {  	v62 =	vld [tilespmem:s16+$0xFFFFFFC0];
	v9 =	vsub.f32 v59, v5  }
0x1b2: {  	v63 =	vsub.f32 v61, v5;
	[tilespmem:s16+$0xFFFFFFD0] =	vst v8;
	v8 =	vld [tilespmem:s16+$0xFFFFFFE0]  }
0x1b3: {  	v7 =	vsub.f32 v7, v5;
	[tilespmem:s16+$0x20] =	vst v9  }
0x1b4: {  	[tilespmem:s16+$0xFFFFFFF0] =	vst v63;
	v6 =	vsub.f32 v6, v5  }
0x1b5: {  	[tilespmem:s16+$0xFFFFFFB0] =	vst v7;
	v7 =	vsub.f32 v60, v5  }
0x1b6: {  	[tilespmem:s16+$0x10] =	vst v6;
	v6 =	vsub.f32 v62, v5  }
0x1b7: {  	[tilespmem:s16+$0x0] =	vst v7;
	v7 =	vsub.f32 v8, v5  }
0x1b8: {  	s17 =	simm.s32 $0x0;
	[tilespmem:s16+$0xFFFFFFC0] =	vst v6  }
0x1b9: {  	s17 =	sand.u32 $0x3FFE0, s17;
	[tilespmem:s16+$0xFFFFFFE0] =	vst v7  }
0x1ba: {  	v6 =	vld [tilespmem:s17+$0x80];
	_ =	sdelay $0x4  }
0x1bb: {  	v6 =	vsub.f32 v6, v5;
	_ =	sdelay $0x1  }
0x1bc: {  	[tilespmem:s17+$0x80] =	vst v6  }
0x1bd: {  	s18 =	simm.s32 $0xF0;
	s17 =	simm.s32 $0xA0;
	v6 =	vld [tilespmem:s16+$0x40]  }
.LBB2_12:
0x1be: {  	v7 =	vld [tilespmem:s18+$0xFFFFFFD0];
	p0 =	sne.s32 s17, $0x18600;
	s19 =	smov.u32 s17;
	s17 =	sadd.s32 $0xA0, s17  }
0x1bf: {  	v8 =	vld [tilespmem:s18+$0xFFFFFFB0]  }
0x1c0: {  	v9 =	vld [tilespmem:s18+$0x20]  }
0x1c1: {  	v10 =	vld [tilespmem:s18+$0x10]  }
0x1c2: {  	v11 =	vld [tilespmem:s18+$0x0];
	v6 =	vsub.f32 v6, v5  }
0x1c3: {  	v7 =	vsub.f32 v7, v5;
	v12 =	vld [tilespmem:s18+$0xFFFFFFF0]  }
0x1c4: {  	v8 =	vsub.f32 v8, v5;
	v13 =	vld [tilespmem:s18+$0xFFFFFFC0];
	[tilespmem:s16+$0x40] =	vst v6;
	s16 =	smov.u32 s18  }
0x1c5: {  	[tilespmem:s18+$0xFFFFFFD0] =	vst v7;
	v6 =	vld [tilespmem:s18+$0xFFFFFFE0];
	v7 =	vsub.f32 v9, v5  }
0x1c6: {  	[tilespmem:s18+$0xFFFFFFB0] =	vst v8;
	v8 =	vsub.f32 v10, v5  }
0x1c7: {  	v9 =	vsub.f32 v11, v5;
	[tilespmem:s18+$0x20] =	vst v7  }
0x1c8: {  	v7 =	vsub.f32 v12, v5;
	[tilespmem:s18+$0x10] =	vst v8  }
0x1c9: {  	v8 =	vsub.f32 v13, v5;
	[tilespmem:s18+$0x0] =	vst v9  }
0x1ca: {  	v6 =	vsub.f32 v6, v5;
	[tilespmem:s18+$0xFFFFFFF0] =	vst v7  }
0x1cb: {  	[tilespmem:s18+$0xFFFFFFC0] =	vst v8  }
0x1cc: {  	s19 =	sand.u32 $0x3FFE0, s19;
	[tilespmem:s18+$0xFFFFFFE0] =	vst v6  }
0x1cd: {  	v6 =	vld [tilespmem:s19+$0x80];
	_ =	sdelay $0x3  }
.Ltmp5:
0x1ce: {  	(pc) =	sbr.rel @p0 .LBB2_12-.Ltmp5, $3  }
0x1cf: {  	v6 =	vsub.f32 v6, v5;
	_ =	sdelay $0x1  }
0x1d0: {  	[tilespmem:s19+$0x80] =	vst v6  }
0x1d1: {  	s18 =	sadd.s32 $0xA0, s18;
	v6 =	vld [tilespmem:s16+$0x40]  }
0x1d2: {  	_ =	sdelay $0x3  }
0x1d3: {  	v5 =	vsub.f32 v6, v5;
	_ =	sdelay $0x1  }
0x1d4: {  	s30 =	simm.s32 $0x0;
	[tilespmem:s16+$0x40] =	vst v5  }
0x1d5: {  	[hbm4b:s6+s12] =	stream.strided.scatter [tilespmem:s30], [sflag:$0x1], $0x18700, s13, s12, $0x38;
	[tilespmem:$0x18700] =	vst v63  }
0x1d6: {  	_ =	swait.ge [sflag:s14], $0x18700  }
0x1d7: {  	[sflag:s14] =	ssyncset.done $0x0  }
0x1d8: {  	[sflag:s14] =	ssyncadd.s32 $0xFFFE7900  }
0x1d9: {  	[tilespmem:s30], [sflag:$0x1] =	stream.strided.gather [hbm4b:s7+s12], $0x18700, s13, s12, $0x38;
	[tilespmem:$0x18700] =	vst v63  }
0x1da: {  	_ =	swait.ge [sflag:s14], $0x18700  }
0x1db: {  	[sflag:s14] =	ssyncset.done $0x0  }
0x1dc: {  	s16 =	sand.u32 $0x3FFE0, s30;
	[sflag:s14] =	ssyncadd.s32 $0xFFFE7900  }
0x1dd: {  	s17 =	simm.s32 $0x50;
	v5 =	vld [tilespmem:s16+$0x80]  }
0x1de: {  	v8 =	vld [tilespmem:s17+$0x40]  }
0x1df: {  	v9 =	vld [tilespmem:s17+$0xFFFFFFC0]  }
0x1e0: {  	v11 =	vld [tilespmem:s17+$0xFFFFFFD0]  }
0x1e1: {  	v14 =	vld [tilespmem:s17+$0xFFFFFFE0]  }
0x1e2: {  	v15 =	vld [tilespmem:s17+$0xFFFFFFF0]  }
0x1e3: {  	v10 =	vld [tilespmem:s17+$0x0]  }
0x1e4: {  	v7 =	vimm.f32 $-Inf;
	v12 =	vld [tilespmem:s17+$0x10]  }
0x1e5: {  	s31 =	simm.s32 $0xA0;
	v18 =	vimm.f32 $-Inf;
	v17 =	vld [tilespmem:s17+$0x20];
	v6 =	vmax.f32 v7, v5;
	v5 =	vmax.f32 v7, v8  }
0x1e6: {  	s16 =	sand.u32 $0x3FFE0, s31;
	v19 =	vld [tilespmem:s17+$0xFFFFFFB0];
	v16 =	vmax.f32 v7, v9;
	v13 =	vmax.f32 v7, v11;
	v14 =	vmax.f32 v7, v14  }
0x1e7: {  	s17 =	simm.s32 $0x140;
	v9 =	vmax.f32 v7, v15;
	v15 =	vld [tilespmem:s16+$0x80];
	s16 =	simm.s32 $0xF0;
	v11 =	vimm.f32 $-Inf;
	v8 =	vimm.f32 $-Inf  }
.LBB2_14:
0x1e8: {  	p0 =	sne.s32 s17, $0x18600;
	v20 =	vld [tilespmem:s16+$0x40];
	v7 =	vmax.f32 v7, v10  }
0x1e9: {  	v21 =	vld [tilespmem:s16+$0xFFFFFFC0];
	v11 =	vmax.f32 v11, v12  }
0x1ea: {  	v22 =	vld [tilespmem:s16+$0xFFFFFFD0];
	v8 =	vmax.f32 v8, v17  }
0x1eb: {  	v23 =	vld [tilespmem:s16+$0xFFFFFFE0];
	v18 =	vmax.f32 v18, v19  }
0x1ec: {  	v24 =	vld [tilespmem:s16+$0xFFFFFFF0]  }
.Ltmp6:
0x1ed: {  	v6 =	vmax.f32 v6, v15;
	v10 =	vld [tilespmem:s16+$0x0];
	v5 =	vmax.f32 v5, v20;
	(pc) =	sbr.rel @p0 .LBB2_14-.Ltmp6, $4  }
0x1ee: {  	v16 =	vmax.f32 v16, v21;
	v12 =	vld [tilespmem:s16+$0x10]  }
0x1ef: {  	v13 =	vmax.f32 v13, v22;
	v17 =	vld [tilespmem:s16+$0x20]  }
0x1f0: {  	s18 =	sand.u32 $0x3FFE0, s17;
	v19 =	vld [tilespmem:s16+$0xFFFFFFB0];
	v14 =	vmax.f32 v14, v23  }
0x1f1: {  	s17 =	sadd.s32 $0xA0, s17;
	s16 =	sadd.s32 $0xA0, s16;
	v15 =	vld [tilespmem:s18+$0x80];
	v9 =	vmax.f32 v9, v24  }
0x1f2: {  	v20 =	vld [tilespmem:s16+$0xFFFFFFC0]  }
0x1f3: {  	v21 =	vld [tilespmem:s16+$0xFFFFFFB0]  }
0x1f4: {  	v22 =	vld [tilespmem:s16+$0xFFFFFFD0]  }
0x1f5: {  	v23 =	vld [tilespmem:s16+$0xFFFFFFE0]  }
0x1f6: {  	v24 =	vld [tilespmem:s16+$0xFFFFFFF0]  }
0x1f7: {  	v18 =	vmax.f32 v18, v19;
	v19 =	vld [tilespmem:s16+$0x0]  }
0x1f8: {  	v16 =	vmax.f32 v16, v20;
	v20 =	vld [tilespmem:s16+$0x10];
	v18 =	vmax.f32 v18, v21  }
0x1f9: {  	v13 =	vmax.f32 v13, v22;
	v21 =	vld [tilespmem:s16+$0x20];
	v16 =	vmax.f32 v18, v16  }
0x1fa: {  	v14 =	vmax.f32 v14, v23;
	v13 =	vmax.f32 v16, v13  }
0x1fb: {  	v7 =	vmax.f32 v7, v10;
	v9 =	vmax.f32 v9, v24;
	v16 =	vld [tilespmem:s16+$0x40];
	v10 =	vmax.f32 v13, v14  }
0x1fc: {  	v11 =	vmax.f32 v11, v12;
	v7 =	vmax.f32 v7, v19;
	v9 =	vmax.f32 v10, v9  }
0x1fd: {  	v8 =	vmax.f32 v8, v17;
	v10 =	vmax.f32 v11, v20;
	v7 =	vmax.f32 v9, v7  }
0x1fe: {  	v8 =	vmax.f32 v8, v21;
	v7 =	vmax.f32 v7, v10  }
0x1ff: {  	v6 =	vmax.f32 v6, v15;
	v7 =	vmax.f32 v7, v8  }
0x200: {  	v5 =	vmax.f32 v5, v16;
	v6 =	vmax.f32 v7, v6  }
0x201: {  	v5 =	vmax.f32 v6, v5  }
0x202: {  	v6 =	vperm.xlane v5, v0;
	_ =	sdelay $0x1  }
0x203: {  	v5 =	vmax.f32 v5, v6  }
0x204: {  	v6 =	vperm.xlane v5, v1;
	_ =	sdelay $0x1  }
0x205: {  	v5 =	vmax.f32 v5, v6  }
0x206: {  	s29 =	simm.s32 $0x50;
	v6 =	vperm.xlane v5, v2  }
0x207: {  	v7 =	vld [tilespmem:s29+$0xFFFFFFE0]  }
0x208: {  	v5 =	vmax.f32 v5, v6  }
0x209: {  	s17 =	simm.s32 $0x0;
	v8 =	vld [tilespmem:s29+$0xFFFFFFC0];
	v6 =	vperm.xlane v5, v3  }
0x20a: {  	s17 =	sand.u32 $0x3FFE0, s17;
	v9 =	vld [tilespmem:s29+$0x20]  }
0x20b: {  	v12 =	vld [tilespmem:s17+$0x80];
	v5 =	vmax.f32 v5, v6  }
0x20c: {  	v6 =	vld [tilespmem:s29+$0x10];
	v7 =	vsub.f32 v7, v5  }
0x20d: {  	v10 =	vld [tilespmem:s29+$0x40]  }
0x20e: {  	v13 =	vld [tilespmem:s29+$0xFFFFFFD0];
	v8 =	vsub.f32 v8, v5;
	v7 =	vmul.f32 $1.442695020e+00, v7  }
0x20f: {  	v14 =	vld [tilespmem:s29+$0xFFFFFFF0];
	v9 =	vsub.f32 v9, v5  }
0x210: {  	v11 =	vld [tilespmem:s29+$0xFFFFFFB0];
	(erf) = vpow2.f32 v7;
	v7 =	vmul.f32 $1.442695020e+00, v8  }
0x211: {  	s30 =	simm.s32 $0xF0;
	v9 =	vmul.f32 $1.442695020e+00, v9;
	v6 =	vsub.f32 v6, v5;
	v8 =	vld [tilespmem:s29+$0x0]  }
0x212: {  	s31 =	simm.s32 $0xA0;
	v15 =	vld [tilespmem:s30+$0x10];
	v10 =	vsub.f32 v10, v5;
	(erf) = vpow2.f32 v7  }
0x213: {  	s16 =	sand.u32 $0x3FFE0, s31;
	v19 =	vld [tilespmem:s30+$0xFFFFFFD0];
	v6 =	vmul.f32 $1.442695020e+00, v6;
	(erf) = vpow2.f32 v9;
	v9 =	vsub.f32 v12, v5  }
0x214: {  	v22 =	vld [tilespmem:s16+$0x80];
	v13 =	vsub.f32 v13, v5;
	v14 =	vsub.f32 v14, v5;
	v10 =	vmul.f32 $1.442695020e+00, v10  }
0x215: {  	v11 =	vsub.f32 v11, v5;
	v7 =	vld [tilespmem:s30+$0xFFFFFFE0];
	(erf) = vpow2.f32 v6;
	v9 =	vmul.f32 $1.442695020e+00, v9  }
0x216: {  	v13 =	vmul.f32 $1.442695020e+00, v13;
	v12 =	vld [tilespmem:s30+$0x40];
	(erf) = vpow2.f32 v10;
	v8 =	vsub.f32 v8, v5  }
0x217: {  	v16 =	vld [tilespmem:s30+$0xFFFFFFC0];
	v15 =	vsub.f32 v15, v5;
	v11 =	vmul.f32 $1.442695020e+00, v11;
	(erf) = vpow2.f32 v9  }
0x218: {  	v21 =	vsub.f32 v19, v5;
	v10 =	vld [tilespmem:s30+$0xFFFFFFB0];
	v8 =	vmul.f32 $1.442695020e+00, v8;
	(erf) = vpow2.f32 v13  }
0x219: {  	v27 =	vsub.f32 v22, v5;
	v25 =	vmul.f32 $1.442695020e+00, v15;
	v9 =	vld [tilespmem:s30+$0x20];
	v13 =	vmul.f32 $1.442695020e+00, v14  }
0x21a: {  	v15 =	vimm.f32 $0.0e+00;
	v17 =	vsub.f32 v7, v5;
	(erf) = vpow2.f32 v8;
	v8 =	vld [tilespmem:s30+$0xFFFFFFF0]  }
0x21b: {  	v6 =	vimm.f32 $0.0e+00;
	v24 =	vsub.f32 v12, v5;
	v14 =	vpop (erf);
	(erf) = vpow2.f32 v13  }
0x21c: {  	v7 =	vadd.f32 v14, v6;
	v14 =	vmul.f32 $1.442695020e+00, v17;
	v18 =	vpop (erf);
	(erf) = vpow2.f32 v11  }
0x21d: {  	v17 =	vsub.f32 v10, v5;
	v11 =	vsub.f32 v16, v5;
	v16 =	vimm.f32 $0.0e+00;
	v13 =	vpop (erf)  }
0x21e: {  	v9 =	vsub.f32 v9, v5;
	(erf) = vpow2.f32 v14;
	v10 =	vadd.f32 v18, v6;
	v18 =	vpop (erf)  }
0x21f: {  	v22 =	vld [tilespmem:s30+$0x0];
	v14 =	vimm.f32 $0.0e+00;
	v11 =	vmul.f32 $1.442695020e+00, v11;
	v12 =	vpop (erf);
	v20 =	vsub.f32 v8, v5  }
0x220: {  	v26 =	vmul.f32 $1.442695020e+00, v9;
	v9 =	vimm.f32 $0.0e+00;
	v8 =	vadd.f32 v12, v6;
	v19 =	vpop (erf)  }
0x221: {  	s17 =	simm.s32 $0x190;
	s16 =	simm.s32 $0x140;
	(erf) = vpow2.f32 v11;
	v11 =	vimm.f32 $0.0e+00;
	v12 =	vimm.f32 $0.0e+00;
	v23 =	vpop (erf)  }
.LBB2_16:
0x222: {  	v28 =	vld [tilespmem:s17+$0xFFFFFFE0];
	p0 =	sne.s32 s16, $0x18600;
	v29 =	vmul.f32 $1.442695020e+00, v24;
	(erf) = vpow2.f32 v26;
	v6 =	vadd.f32 v23, v6;
	s18 =	smov.u32 s16;
	s16 =	sadd.s32 $0xA0, s16  }
0x223: {  	v11 =	vadd.f32 v18, v11;
	v23 =	vld [tilespmem:s17+$0x40];
	v26 =	vmul.f32 $1.442695020e+00, v27;
	(erf) = vpow2.f32 v25;
	v18 =	vpop (erf)  }
0x224: {  	v21 =	vmul.f32 $1.442695020e+00, v21;
	v25 =	vld [tilespmem:s17+$0x10];
	v22 =	vsub.f32 v22, v5;
	(erf) = vpow2.f32 v29;
	v24 =	vpop (erf)  }
0x225: {  	v9 =	vadd.f32 v19, v9;
	s18 =	sand.u32 $0x3FFE0, s18;
	v27 =	vld [tilespmem:s17+$0xFFFFFFB0];
	(erf) = vpow2.f32 v26;
	v14 =	vadd.f32 v24, v14;
	v19 =	vpop (erf)  }
0x226: {  	v12 =	vadd.f32 v13, v12;
	v24 =	vld [tilespmem:s17+$0xFFFFFFC0];
	v22 =	vmul.f32 $1.442695020e+00, v22;
	(erf) = vpow2.f32 v21  }
0x227: {  	v13 =	vmul.f32 $1.442695020e+00, v17;
	v17 =	vmul.f32 $1.442695020e+00, v20;
	v15 =	vadd.f32 v18, v15;
	v21 =	vld [tilespmem:s17+$0x20];
	v20 =	vpop (erf)  }
0x228: {  	v16 =	vadd.f32 v19, v16;
	v18 =	vsub.f32 v28, v5;
	v26 =	vld [tilespmem:s17+$0xFFFFFFD0];
	(erf) = vpow2.f32 v22  }
0x229: {  	v7 =	vadd.f32 v20, v7;
	v19 =	vld [tilespmem:s17+$0xFFFFFFF0];
	(erf) = vpow2.f32 v17  }
0x22a: {  	v29 =	vmul.f32 $1.442695020e+00, v18;
	v25 =	vsub.f32 v25, v5;
	v28 =	vld [tilespmem:s18+$0x80];
	(erf) = vpow2.f32 v13;
	v20 =	vpop (erf)  }
.Ltmp7:
0x22b: {  	v17 =	vsub.f32 v27, v5;
	v22 =	vsub.f32 v24, v5;
	v13 =	vpop (erf);
	(pc) =	sbr.rel @p0 .LBB2_16-.Ltmp7, $4  }
0x22c: {  	v10 =	vadd.f32 v20, v10;
	v27 =	vsub.f32 v21, v5;
	(erf) = vpow2.f32 v29;
	v18 =	vpop (erf)  }
0x22d: {  	v24 =	vsub.f32 v23, v5;
	v29 =	vmul.f32 $1.442695020e+00, v22;
	v21 =	vsub.f32 v26, v5;
	v22 =	vld [tilespmem:s17+$0x0];
	v23 =	vpop (erf)  }
0x22e: {  	v20 =	vsub.f32 v19, v5;
	v26 =	vmul.f32 $1.442695020e+00, v27;
	v8 =	vadd.f32 v23, v8;
	v19 =	vpop (erf)  }
0x22f: {  	v25 =	vmul.f32 $1.442695020e+00, v25;
	s17 =	sadd.s32 $0xA0, s17;
	v27 =	vsub.f32 v28, v5;
	(erf) = vpow2.f32 v29;
	v23 =	vpop (erf)  }
0x230: {  	_ = 	snop  }
0x231: {  	v24 =	vmul.f32 $1.442695020e+00, v24;
	(erf) = vpow2.f32 v26  }
0x232: {  	v45 =	vmul.f32 $1.442695020e+00, v27;
	(erf) = vpow2.f32 v25;
	v22 =	vsub.f32 v22, v5  }
0x233: {  	v21 =	vmul.f32 $1.442695020e+00, v21;
	(erf) = vpow2.f32 v24  }
0x234: {  	(erf) = vpow2.f32 v45;
	v22 =	vmul.f32 $1.442695020e+00, v22  }
0x235: {  	v20 =	vmul.f32 $1.442695020e+00, v20;
	v46 =	vpop (erf);
	(erf) = vpow2.f32 v21  }
0x236: {  	v17 =	vmul.f32 $1.442695020e+00, v17;
	v47 =	vpop (erf);
	(erf) = vpow2.f32 v22  }
0x237: {  	v48 =	vpop (erf);
	(erf) = vpow2.f32 v20  }
0x238: {  	v49 =	vpop (erf);
	(erf) = vpow2.f32 v17  }
0x239: {  	v50 =	vpop (erf)  }
0x23a: {  	v51 =	vpop (erf)  }
0x23b: {  	v52 =	vpop (erf)  }
0x23c: {  	v53 =	vpop (erf)  }
0x23d: {  	v28 =	vpop (erf)  }
0x23e: {  	v29 =	vpop (erf)  }
0x23f: {  	v30 =	vpop (erf)  }
0x240: {  	v16 =	vadd.f32 v48, v16;
	v54 =	vpop (erf)  }
0x241: {  	v6 =	vadd.f32 v23, v6;
	v55 =	vpop (erf)  }
0x242: {  	v10 =	vadd.f32 v50, v10;
	v16 =	vadd.f32 v55, v16;
	_ =	sdelay $0x1  }
0x243: {  	v6 =	vadd.f32 v29, v6;
	v10 =	vadd.f32 v10, v16  }
0x244: {  	v14 =	vadd.f32 v47, v14  }
0x245: {  	v7 =	vadd.f32 v49, v7;
	v6 =	vadd.f32 v6, v10  }
0x246: {  	v56 =	vadd.f32 v46, v15  }
0x247: {  	v14 =	vadd.f32 v54, v14;
	v6 =	vadd.f32 v7, v6  }
0x248: {  	v10 =	vadd.f32 v30, v56  }
0x249: {  	v7 =	vadd.f32 v18, v11;
	v6 =	vadd.f32 v14, v6  }
0x24a: {  	v57 =	vadd.f32 v13, v12  }
0x24b: {  	v7 =	vadd.f32 v52, v7;
	v6 =	vadd.f32 v10, v6  }
0x24c: {  	v9 =	vadd.f32 v19, v9  }
0x24d: {  	v58 =	vadd.f32 v51, v57;
	v6 =	vadd.f32 v7, v6;
	_ =	sdelay $0x1  }
0x24e: {  	v7 =	vadd.f32 v28, v9;
	v6 =	vadd.f32 v58, v6;
	_ =	sdelay $0x1  }
0x24f: {  	v8 =	vadd.f32 v53, v8;
	v6 =	vadd.f32 v7, v6;
	_ =	sdelay $0x1  }
0x250: {  	v6 =	vadd.f32 v8, v6;
	_ =	sdelay $0x1  }
0x251: {  	v7 =	vperm.xlane v6, v0;
	_ =	sdelay $0x1  }
0x252: {  	v6 =	vadd.f32 v7, v6;
	_ =	sdelay $0x1  }
0x253: {  	v7 =	vperm.xlane v6, v1;
	_ =	sdelay $0x1  }
0x254: {  	v6 =	vadd.f32 v7, v6;
	_ =	sdelay $0x1  }
0x255: {  	v7 =	vperm.xlane v6, v2;
	_ =	sdelay $0x1  }
0x256: {  	v6 =	vadd.f32 v7, v6;
	_ =	sdelay $0x1  }
0x257: {  	v7 =	vperm.xlane v6, v3;
	_ =	sdelay $0x1  }
0x258: {  	v6 =	vadd.f32 v7, v6;
	_ =	sdelay $0x1  }
0x259: {  	vm0 =	vge.f32 v6, $2.000000000e+00;
	vm1 =	vge.f32 v6, $4.000000000e+00  }
0x25a: {  	v7 =	vsel vm0, $0x3F317218, v4;
	v8 =	vsel vm1, $0x3F317218, v4  }
0x25b: {  	vm13 =	vge.f32 v6, $8.000000000e+00;
	v7 =	vadd.f32 v8, v7  }
0x25c: {  	v8 =	vsel vm13, $0x3F317218, v4  }
0x25d: {  	vm14 =	vge.f32 v6, $1.600000000e+01;
	v7 =	vadd.f32 v7, v8  }
0x25e: {  	v8 =	vsel vm14, $0x3F317218, v4  }
0x25f: {  	vm15 =	vge.f32 v6, $3.200000000e+01;
	v7 =	vadd.f32 v7, v8  }
0x260: {  	v8 =	vsel vm15, $0x3F317218, v4  }
0x261: {  	vm4 =	vge.f32 v6, $6.400000000e+01;
	v7 =	vadd.f32 v7, v8  }
0x262: {  	v8 =	vsel vm4, $0x3F317218, v4  }
0x263: {  	vm5 =	vge.f32 v6, $1.280000000e+02;
	v7 =	vadd.f32 v7, v8  }
0x264: {  	v8 =	vsel vm5, $0x3F317218, v4  }
0x265: {  	vm6 =	vge.f32 v6, $2.560000000e+02;
	v7 =	vadd.f32 v7, v8  }
0x266: {  	v8 =	vsel vm6, $0x3F317218, v4  }
0x267: {  	vm7 =	vge.f32 v6, $5.120000000e+02;
	v7 =	vadd.f32 v7, v8  }
0x268: {  	v8 =	vsel vm7, $0x3F317218, v4  }
0x269: {  	vm8 =	vge.f32 v6, $1.024000000e+03;
	v7 =	vadd.f32 v7, v8  }
0x26a: {  	v8 =	vsel vm8, $0x3F317218, v4  }
0x26b: {  	vm9 =	vge.f32 v6, $2.048000000e+03;
	v7 =	vadd.f32 v7, v8  }
0x26c: {  	v8 =	vsel vm9, $0x3F317218, v4  }
0x26d: {  	vm10 =	vge.f32 v6, $4.096000000e+03;
	v7 =	vadd.f32 v7, v8  }
0x26e: {  	v8 =	vsel vm10, $0x3F317218, v4  }
0x26f: {  	vm11 =	vge.f32 v6, $8.192000000e+03;
	v7 =	vadd.f32 v7, v8  }
0x270: {  	v8 =	vsel vm11, $0x3F317218, v4  }
0x271: {  	vm12 =	vge.f32 v6, $1.638400000e+04;
	v7 =	vadd.f32 v7, v8  }
0x272: {  	v8 =	vsel vm12, $0x3F317218, v4  }
0x273: {  	vm13 =	vge.f32 v6, $3.276800000e+04;
	v7 =	vadd.f32 v7, v8  }
0x274: {  	v8 =	vsel vm13, $0x3F317218, v4  }
0x275: {  	vm14 =	vge.f32 v6, $6.553600000e+04;
	v7 =	vadd.f32 v7, v8  }
0x276: {  	v8 =	vsel vm14, $0x3F317218, v4  }
0x277: {  	vm15 =	vge.f32 v6, $1.310720000e+05;
	v7 =	vadd.f32 v7, v8  }
0x278: {  	v8 =	vsel vm15, $0x3F317218, v4  }
0x279: {  	v7 =	vadd.f32 v7, v8;
	_ =	sdelay $0x1  }
0x27a: {  	v8 =	vsub.f32 $0.0e+00, v7;
	_ =	sdelay $0x1  }
0x27b: {  	v8 =	vmul.f32 $1.442695020e+00, v8;
	_ =	sdelay $0x1  }
0x27c: {  	(erf) = vpow2.f32 v8;
	_ =	sdelay $0x8  }
0x27d: {  	v8 =	vpop (erf)  }
0x27e: {  	v7 =	vadd.f32 $-1.000000000e+00, v7;
	v8 =	vmul.f32 v8, v6;
	_ =	sdelay $0x1  }
0x27f: {  	v7 =	vadd.f32 v8, v7;
	_ =	sdelay $0x1  }
0x280: {  	v8 =	vsub.f32 $0.0e+00, v7;
	_ =	sdelay $0x1  }
0x281: {  	v8 =	vmul.f32 $1.442695020e+00, v8;
	_ =	sdelay $0x1  }
0x282: {  	(erf) = vpow2.f32 v8;
	_ =	sdelay $0x8  }
0x283: {  	v8 =	vpop (erf)  }
0x284: {  	v7 =	vadd.f32 $-1.000000000e+00, v7;
	v8 =	vmul.f32 v8, v6;
	_ =	sdelay $0x1  }
0x285: {  	v7 =	vadd.f32 v8, v7;
	_ =	sdelay $0x1  }
0x286: {  	v8 =	vsub.f32 $0.0e+00, v7;
	_ =	sdelay $0x1  }
0x287: {  	v8 =	vmul.f32 $1.442695020e+00, v8;
	_ =	sdelay $0x1  }
0x288: {  	(erf) = vpow2.f32 v8;
	_ =	sdelay $0x8  }
0x289: {  	v8 =	vpop (erf)  }
0x28a: {  	v7 =	vadd.f32 $-1.000000000e+00, v7;
	v8 =	vmul.f32 v8, v6;
	_ =	sdelay $0x1  }
0x28b: {  	v7 =	vadd.f32 v8, v7;
	_ =	sdelay $0x1  }
0x28c: {  	v8 =	vsub.f32 $0.0e+00, v7;
	_ =	sdelay $0x1  }
0x28d: {  	v8 =	vmul.f32 $1.442695020e+00, v8;
	_ =	sdelay $0x1  }
0x28e: {  	(erf) = vpow2.f32 v8;
	_ =	sdelay $0x8  }
0x28f: {  	v8 =	vpop (erf)  }
0x290: {  	s16 =	simm.s32 $0x50;
	v7 =	vadd.f32 $-1.000000000e+00, v7;
	v6 =	vmul.f32 v8, v6  }
0x291: {  	v8 =	vld [tilespmem:s16+$0xFFFFFFD0]  }
0x292: {  	v59 =	vld [tilespmem:s16+$0x20];
	v6 =	vadd.f32 v6, v7  }
0x293: {  	v61 =	vld [tilespmem:s16+$0xFFFFFFF0]  }
0x294: {  	v7 =	vld [tilespmem:s16+$0xFFFFFFB0];
	v5 =	vadd.f32 v6, v5  }
0x295: {  	v6 =	vld [tilespmem:s16+$0x10]  }
0x296: {  	v60 =	vld [tilespmem:s16+$0x0];
	v8 =	vsub.f32 v8, v5  }
0x297: {  	v62 =	vld [tilespmem:s16+$0xFFFFFFC0];
	v9 =	vsub.f32 v59, v5  }
0x298: {  	v63 =	vsub.f32 v61, v5;
	[tilespmem:s16+$0xFFFFFFD0] =	vst v8;
	v8 =	vld [tilespmem:s16+$0xFFFFFFE0]  }
0x299: {  	v7 =	vsub.f32 v7, v5;
	[tilespmem:s16+$0x20] =	vst v9  }
0x29a: {  	[tilespmem:s16+$0xFFFFFFF0] =	vst v63;
	v6 =	vsub.f32 v6, v5  }
0x29b: {  	[tilespmem:s16+$0xFFFFFFB0] =	vst v7;
	v7 =	vsub.f32 v60, v5  }
0x29c: {  	[tilespmem:s16+$0x10] =	vst v6;
	v6 =	vsub.f32 v62, v5  }
0x29d: {  	[tilespmem:s16+$0x0] =	vst v7;
	v7 =	vsub.f32 v8, v5  }
0x29e: {  	s17 =	simm.s32 $0x0;
	[tilespmem:s16+$0xFFFFFFC0] =	vst v6  }
0x29f: {  	s17 =	sand.u32 $0x3FFE0, s17;
	[tilespmem:s16+$0xFFFFFFE0] =	vst v7  }
0x2a0: {  	v6 =	vld [tilespmem:s17+$0x80];
	_ =	sdelay $0x4  }
0x2a1: {  	v6 =	vsub.f32 v6, v5;
	_ =	sdelay $0x1  }
0x2a2: {  	[tilespmem:s17+$0x80] =	vst v6  }
0x2a3: {  	s18 =	simm.s32 $0xF0;
	s17 =	simm.s32 $0xA0;
	v6 =	vld [tilespmem:s16+$0x40]  }
.LBB2_18:
0x2a4: {  	v7 =	vld [tilespmem:s18+$0xFFFFFFD0];
	p0 =	sne.s32 s17, $0x18600;
	s19 =	smov.u32 s17;
	s17 =	sadd.s32 $0xA0, s17  }
0x2a5: {  	v8 =	vld [tilespmem:s18+$0xFFFFFFB0]  }
0x2a6: {  	v9 =	vld [tilespmem:s18+$0x20]  }
0x2a7: {  	v10 =	vld [tilespmem:s18+$0x10]  }
0x2a8: {  	v11 =	vld [tilespmem:s18+$0x0];
	v6 =	vsub.f32 v6, v5  }
0x2a9: {  	v7 =	vsub.f32 v7, v5;
	v12 =	vld [tilespmem:s18+$0xFFFFFFF0]  }
0x2aa: {  	v8 =	vsub.f32 v8, v5;
	v13 =	vld [tilespmem:s18+$0xFFFFFFC0];
	[tilespmem:s16+$0x40] =	vst v6;
	s16 =	smov.u32 s18  }
0x2ab: {  	[tilespmem:s18+$0xFFFFFFD0] =	vst v7;
	v6 =	vld [tilespmem:s18+$0xFFFFFFE0];
	v7 =	vsub.f32 v9, v5  }
0x2ac: {  	[tilespmem:s18+$0xFFFFFFB0] =	vst v8;
	v8 =	vsub.f32 v10, v5  }
0x2ad: {  	v9 =	vsub.f32 v11, v5;
	[tilespmem:s18+$0x20] =	vst v7  }
0x2ae: {  	v7 =	vsub.f32 v12, v5;
	[tilespmem:s18+$0x10] =	vst v8  }
0x2af: {  	v8 =	vsub.f32 v13, v5;
	[tilespmem:s18+$0x0] =	vst v9  }
0x2b0: {  	v6 =	vsub.f32 v6, v5;
	[tilespmem:s18+$0xFFFFFFF0] =	vst v7  }
0x2b1: {  	[tilespmem:s18+$0xFFFFFFC0] =	vst v8  }
0x2b2: {  	s19 =	sand.u32 $0x3FFE0, s19;
	[tilespmem:s18+$0xFFFFFFE0] =	vst v6  }
0x2b3: {  	v6 =	vld [tilespmem:s19+$0x80];
	_ =	sdelay $0x3  }
.Ltmp8:
0x2b4: {  	(pc) =	sbr.rel @p0 .LBB2_18-.Ltmp8, $3  }
0x2b5: {  	v6 =	vsub.f32 v6, v5;
	_ =	sdelay $0x1  }
0x2b6: {  	[tilespmem:s19+$0x80] =	vst v6  }
0x2b7: {  	s18 =	sadd.s32 $0xA0, s18;
	v6 =	vld [tilespmem:s16+$0x40]  }
0x2b8: {  	_ =	sdelay $0x3  }
0x2b9: {  	v5 =	vsub.f32 v6, v5;
	_ =	sdelay $0x1  }
0x2ba: {  	s30 =	simm.s32 $0x0;
	[tilespmem:s16+$0x40] =	vst v5  }
0x2bb: {  	[hbm4b:s8+s12] =	stream.strided.scatter [tilespmem:s30], [sflag:$0x1], $0x18700, s13, s12, $0x38;
	[tilespmem:$0x18700] =	vst v63  }
0x2bc: {  	_ =	swait.ge [sflag:s14], $0x18700  }
0x2bd: {  	[sflag:s14] =	ssyncset.done $0x0  }
0x2be: {  	[sflag:s14] =	ssyncadd.s32 $0xFFFE7900  }
0x2bf: {  	[tilespmem:s30], [sflag:$0x1] =	stream.strided.gather [hbm4b:s9+s12], $0x18700, s13, s12, $0x38;
	[tilespmem:$0x18700] =	vst v63  }
0x2c0: {  	_ =	swait.ge [sflag:s14], $0x18700  }
0x2c1: {  	[sflag:s14] =	ssyncset.done $0x0  }
0x2c2: {  	s16 =	sand.u32 $0x3FFE0, s30;
	[sflag:s14] =	ssyncadd.s32 $0xFFFE7900  }
0x2c3: {  	s17 =	simm.s32 $0x50;
	v5 =	vld [tilespmem:s16+$0x80]  }
0x2c4: {  	v8 =	vld [tilespmem:s17+$0x40]  }
0x2c5: {  	v9 =	vld [tilespmem:s17+$0xFFFFFFC0]  }
0x2c6: {  	v11 =	vld [tilespmem:s17+$0xFFFFFFD0]  }
0x2c7: {  	v14 =	vld [tilespmem:s17+$0xFFFFFFE0]  }
0x2c8: {  	v15 =	vld [tilespmem:s17+$0xFFFFFFF0]  }
0x2c9: {  	v10 =	vld [tilespmem:s17+$0x0]  }
0x2ca: {  	v7 =	vimm.f32 $-Inf;
	v12 =	vld [tilespmem:s17+$0x10]  }
0x2cb: {  	s31 =	simm.s32 $0xA0;
	v18 =	vimm.f32 $-Inf;
	v17 =	vld [tilespmem:s17+$0x20];
	v6 =	vmax.f32 v7, v5;
	v5 =	vmax.f32 v7, v8  }
0x2cc: {  	s16 =	sand.u32 $0x3FFE0, s31;
	v19 =	vld [tilespmem:s17+$0xFFFFFFB0];
	v16 =	vmax.f32 v7, v9;
	v13 =	vmax.f32 v7, v11;
	v14 =	vmax.f32 v7, v14  }
0x2cd: {  	s17 =	simm.s32 $0x140;
	v9 =	vmax.f32 v7, v15;
	v15 =	vld [tilespmem:s16+$0x80];
	s16 =	simm.s32 $0xF0;
	v11 =	vimm.f32 $-Inf;
	v8 =	vimm.f32 $-Inf  }
.LBB2_20:
0x2ce: {  	p0 =	sne.s32 s17, $0x18600;
	v20 =	vld [tilespmem:s16+$0x40];
	v7 =	vmax.f32 v7, v10  }
0x2cf: {  	v21 =	vld [tilespmem:s16+$0xFFFFFFC0];
	v11 =	vmax.f32 v11, v12  }
0x2d0: {  	v22 =	vld [tilespmem:s16+$0xFFFFFFD0];
	v8 =	vmax.f32 v8, v17  }
0x2d1: {  	v23 =	vld [tilespmem:s16+$0xFFFFFFE0];
	v18 =	vmax.f32 v18, v19  }
0x2d2: {  	v24 =	vld [tilespmem:s16+$0xFFFFFFF0]  }
.Ltmp9:
0x2d3: {  	v6 =	vmax.f32 v6, v15;
	v10 =	vld [tilespmem:s16+$0x0];
	v5 =	vmax.f32 v5, v20;
	(pc) =	sbr.rel @p0 .LBB2_20-.Ltmp9, $4  }
0x2d4: {  	v16 =	vmax.f32 v16, v21;
	v12 =	vld [tilespmem:s16+$0x10]  }
0x2d5: {  	v13 =	vmax.f32 v13, v22;
	v17 =	vld [tilespmem:s16+$0x20]  }
0x2d6: {  	s18 =	sand.u32 $0x3FFE0, s17;
	v19 =	vld [tilespmem:s16+$0xFFFFFFB0];
	v14 =	vmax.f32 v14, v23  }
0x2d7: {  	s17 =	sadd.s32 $0xA0, s17;
	s16 =	sadd.s32 $0xA0, s16;
	v15 =	vld [tilespmem:s18+$0x80];
	v9 =	vmax.f32 v9, v24  }
0x2d8: {  	v20 =	vld [tilespmem:s16+$0xFFFFFFC0]  }
0x2d9: {  	v21 =	vld [tilespmem:s16+$0xFFFFFFB0]  }
0x2da: {  	v22 =	vld [tilespmem:s16+$0xFFFFFFD0]  }
0x2db: {  	v23 =	vld [tilespmem:s16+$0xFFFFFFE0]  }
0x2dc: {  	v24 =	vld [tilespmem:s16+$0xFFFFFFF0]  }
0x2dd: {  	v18 =	vmax.f32 v18, v19;
	v19 =	vld [tilespmem:s16+$0x0]  }
0x2de: {  	v16 =	vmax.f32 v16, v20;
	v20 =	vld [tilespmem:s16+$0x10];
	v18 =	vmax.f32 v18, v21  }
0x2df: {  	v13 =	vmax.f32 v13, v22;
	v21 =	vld [tilespmem:s16+$0x20];
	v16 =	vmax.f32 v18, v16  }
0x2e0: {  	v14 =	vmax.f32 v14, v23;
	v13 =	vmax.f32 v16, v13  }
0x2e1: {  	v7 =	vmax.f32 v7, v10;
	v9 =	vmax.f32 v9, v24;
	v16 =	vld [tilespmem:s16+$0x40];
	v10 =	vmax.f32 v13, v14  }
0x2e2: {  	v11 =	vmax.f32 v11, v12;
	v7 =	vmax.f32 v7, v19;
	v9 =	vmax.f32 v10, v9  }
0x2e3: {  	v8 =	vmax.f32 v8, v17;
	v10 =	vmax.f32 v11, v20;
	v7 =	vmax.f32 v9, v7  }
0x2e4: {  	v8 =	vmax.f32 v8, v21;
	v7 =	vmax.f32 v7, v10  }
0x2e5: {  	v6 =	vmax.f32 v6, v15;
	v7 =	vmax.f32 v7, v8  }
0x2e6: {  	v5 =	vmax.f32 v5, v16;
	v6 =	vmax.f32 v7, v6  }
0x2e7: {  	v5 =	vmax.f32 v6, v5  }
0x2e8: {  	v6 =	vperm.xlane v5, v0;
	_ =	sdelay $0x1  }
0x2e9: {  	v5 =	vmax.f32 v5, v6  }
0x2ea: {  	v6 =	vperm.xlane v5, v1;
	_ =	sdelay $0x1  }
0x2eb: {  	v5 =	vmax.f32 v5, v6  }
0x2ec: {  	s29 =	simm.s32 $0x50;
	v6 =	vperm.xlane v5, v2  }
0x2ed: {  	v7 =	vld [tilespmem:s29+$0xFFFFFFE0]  }
0x2ee: {  	v5 =	vmax.f32 v5, v6  }
0x2ef: {  	s17 =	simm.s32 $0x0;
	v8 =	vld [tilespmem:s29+$0xFFFFFFC0];
	v6 =	vperm.xlane v5, v3  }
0x2f0: {  	s17 =	sand.u32 $0x3FFE0, s17;
	v9 =	vld [tilespmem:s29+$0x20]  }
0x2f1: {  	v12 =	vld [tilespmem:s17+$0x80];
	v5 =	vmax.f32 v5, v6  }
0x2f2: {  	v6 =	vld [tilespmem:s29+$0x10];
	v7 =	vsub.f32 v7, v5  }
0x2f3: {  	v10 =	vld [tilespmem:s29+$0x40]  }
0x2f4: {  	v13 =	vld [tilespmem:s29+$0xFFFFFFD0];
	v8 =	vsub.f32 v8, v5;
	v7 =	vmul.f32 $1.442695020e+00, v7  }
0x2f5: {  	v14 =	vld [tilespmem:s29+$0xFFFFFFF0];
	v9 =	vsub.f32 v9, v5  }
0x2f6: {  	v11 =	vld [tilespmem:s29+$0xFFFFFFB0];
	(erf) = vpow2.f32 v7;
	v7 =	vmul.f32 $1.442695020e+00, v8  }
0x2f7: {  	s30 =	simm.s32 $0xF0;
	v9 =	vmul.f32 $1.442695020e+00, v9;
	v6 =	vsub.f32 v6, v5;
	v8 =	vld [tilespmem:s29+$0x0]  }
0x2f8: {  	s31 =	simm.s32 $0xA0;
	v15 =	vld [tilespmem:s30+$0x10];
	v10 =	vsub.f32 v10, v5;
	(erf) = vpow2.f32 v7  }
0x2f9: {  	s16 =	sand.u32 $0x3FFE0, s31;
	v19 =	vld [tilespmem:s30+$0xFFFFFFD0];
	v6 =	vmul.f32 $1.442695020e+00, v6;
	(erf) = vpow2.f32 v9;
	v9 =	vsub.f32 v12, v5  }
0x2fa: {  	v22 =	vld [tilespmem:s16+$0x80];
	v13 =	vsub.f32 v13, v5;
	v14 =	vsub.f32 v14, v5;
	v10 =	vmul.f32 $1.442695020e+00, v10  }
0x2fb: {  	v11 =	vsub.f32 v11, v5;
	v7 =	vld [tilespmem:s30+$0xFFFFFFE0];
	(erf) = vpow2.f32 v6;
	v9 =	vmul.f32 $1.442695020e+00, v9  }
0x2fc: {  	v13 =	vmul.f32 $1.442695020e+00, v13;
	v12 =	vld [tilespmem:s30+$0x40];
	(erf) = vpow2.f32 v10;
	v8 =	vsub.f32 v8, v5  }
0x2fd: {  	v16 =	vld [tilespmem:s30+$0xFFFFFFC0];
	v15 =	vsub.f32 v15, v5;
	v11 =	vmul.f32 $1.442695020e+00, v11;
	(erf) = vpow2.f32 v9  }
0x2fe: {  	v21 =	vsub.f32 v19, v5;
	v10 =	vld [tilespmem:s30+$0xFFFFFFB0];
	v8 =	vmul.f32 $1.442695020e+00, v8;
	(erf) = vpow2.f32 v13  }
0x2ff: {  	v27 =	vsub.f32 v22, v5;
	v25 =	vmul.f32 $1.442695020e+00, v15;
	v9 =	vld [tilespmem:s30+$0x20];
	v13 =	vmul.f32 $1.442695020e+00, v14  }
0x300: {  	v15 =	vimm.f32 $0.0e+00;
	v17 =	vsub.f32 v7, v5;
	(erf) = vpow2.f32 v8;
	v8 =	vld [tilespmem:s30+$0xFFFFFFF0]  }
0x301: {  	v6 =	vimm.f32 $0.0e+00;
	v24 =	vsub.f32 v12, v5;
	v14 =	vpop (erf);
	(erf) = vpow2.f32 v13  }
0x302: {  	v7 =	vadd.f32 v14, v6;
	v14 =	vmul.f32 $1.442695020e+00, v17;
	v18 =	vpop (erf);
	(erf) = vpow2.f32 v11  }
0x303: {  	v17 =	vsub.f32 v10, v5;
	v11 =	vsub.f32 v16, v5;
	v16 =	vimm.f32 $0.0e+00;
	v13 =	vpop (erf)  }
0x304: {  	v9 =	vsub.f32 v9, v5;
	(erf) = vpow2.f32 v14;
	v10 =	vadd.f32 v18, v6;
	v18 =	vpop (erf)  }
0x305: {  	v22 =	vld [tilespmem:s30+$0x0];
	v14 =	vimm.f32 $0.0e+00;
	v11 =	vmul.f32 $1.442695020e+00, v11;
	v12 =	vpop (erf);
	v20 =	vsub.f32 v8, v5  }
0x306: {  	v26 =	vmul.f32 $1.442695020e+00, v9;
	v9 =	vimm.f32 $0.0e+00;
	v8 =	vadd.f32 v12, v6;
	v19 =	vpop (erf)  }
0x307: {  	s17 =	simm.s32 $0x190;
	s16 =	simm.s32 $0x140;
	(erf) = vpow2.f32 v11;
	v11 =	vimm.f32 $0.0e+00;
	v12 =	vimm.f32 $0.0e+00;
	v23 =	vpop (erf)  }
.LBB2_22:
0x308: {  	v28 =	vld [tilespmem:s17+$0xFFFFFFE0];
	p0 =	sne.s32 s16, $0x18600;
	v29 =	vmul.f32 $1.442695020e+00, v24;
	(erf) = vpow2.f32 v26;
	v6 =	vadd.f32 v23, v6;
	s18 =	smov.u32 s16;
	s16 =	sadd.s32 $0xA0, s16  }
0x309: {  	v11 =	vadd.f32 v18, v11;
	v23 =	vld [tilespmem:s17+$0x40];
	v26 =	vmul.f32 $1.442695020e+00, v27;
	(erf) = vpow2.f32 v25;
	v18 =	vpop (erf)  }
0x30a: {  	v21 =	vmul.f32 $1.442695020e+00, v21;
	v25 =	vld [tilespmem:s17+$0x10];
	v22 =	vsub.f32 v22, v5;
	(erf) = vpow2.f32 v29;
	v24 =	vpop (erf)  }
0x30b: {  	v9 =	vadd.f32 v19, v9;
	s18 =	sand.u32 $0x3FFE0, s18;
	v27 =	vld [tilespmem:s17+$0xFFFFFFB0];
	(erf) = vpow2.f32 v26;
	v14 =	vadd.f32 v24, v14;
	v19 =	vpop (erf)  }
0x30c: {  	v12 =	vadd.f32 v13, v12;
	v24 =	vld [tilespmem:s17+$0xFFFFFFC0];
	v22 =	vmul.f32 $1.442695020e+00, v22;
	(erf) = vpow2.f32 v21  }
0x30d: {  	v13 =	vmul.f32 $1.442695020e+00, v17;
	v17 =	vmul.f32 $1.442695020e+00, v20;
	v15 =	vadd.f32 v18, v15;
	v21 =	vld [tilespmem:s17+$0x20];
	v20 =	vpop (erf)  }
0x30e: {  	v16 =	vadd.f32 v19, v16;
	v18 =	vsub.f32 v28, v5;
	v26 =	vld [tilespmem:s17+$0xFFFFFFD0];
	(erf) = vpow2.f32 v22  }
0x30f: {  	v7 =	vadd.f32 v20, v7;
	v19 =	vld [tilespmem:s17+$0xFFFFFFF0];
	(erf) = vpow2.f32 v17  }
0x310: {  	v29 =	vmul.f32 $1.442695020e+00, v18;
	v25 =	vsub.f32 v25, v5;
	v28 =	vld [tilespmem:s18+$0x80];
	(erf) = vpow2.f32 v13;
	v20 =	vpop (erf)  }
.Ltmp10:
0x311: {  	v17 =	vsub.f32 v27, v5;
	v22 =	vsub.f32 v24, v5;
	v13 =	vpop (erf);
	(pc) =	sbr.rel @p0 .LBB2_22-.Ltmp10, $4  }
0x312: {  	v10 =	vadd.f32 v20, v10;
	v27 =	vsub.f32 v21, v5;
	(erf) = vpow2.f32 v29;
	v18 =	vpop (erf)  }
0x313: {  	v24 =	vsub.f32 v23, v5;
	v29 =	vmul.f32 $1.442695020e+00, v22;
	v21 =	vsub.f32 v26, v5;
	v22 =	vld [tilespmem:s17+$0x0];
	v23 =	vpop (erf)  }
0x314: {  	v20 =	vsub.f32 v19, v5;
	v26 =	vmul.f32 $1.442695020e+00, v27;
	v8 =	vadd.f32 v23, v8;
	v19 =	vpop (erf)  }
0x315: {  	v25 =	vmul.f32 $1.442695020e+00, v25;
	s17 =	sadd.s32 $0xA0, s17;
	v27 =	vsub.f32 v28, v5;
	(erf) = vpow2.f32 v29;
	v23 =	vpop (erf)  }
0x316: {  	_ = 	snop  }
0x317: {  	v24 =	vmul.f32 $1.442695020e+00, v24;
	(erf) = vpow2.f32 v26  }
0x318: {  	v45 =	vmul.f32 $1.442695020e+00, v27;
	(erf) = vpow2.f32 v25;
	v22 =	vsub.f32 v22, v5  }
0x319: {  	v21 =	vmul.f32 $1.442695020e+00, v21;
	(erf) = vpow2.f32 v24  }
0x31a: {  	(erf) = vpow2.f32 v45;
	v22 =	vmul.f32 $1.442695020e+00, v22  }
0x31b: {  	v20 =	vmul.f32 $1.442695020e+00, v20;
	v46 =	vpop (erf);
	(erf) = vpow2.f32 v21  }
0x31c: {  	v17 =	vmul.f32 $1.442695020e+00, v17;
	v47 =	vpop (erf);
	(erf) = vpow2.f32 v22  }
0x31d: {  	v48 =	vpop (erf);
	(erf) = vpow2.f32 v20  }
0x31e: {  	v49 =	vpop (erf);
	(erf) = vpow2.f32 v17  }
0x31f: {  	v50 =	vpop (erf)  }
0x320: {  	v51 =	vpop (erf)  }
0x321: {  	v52 =	vpop (erf)  }
0x322: {  	v53 =	vpop (erf)  }
0x323: {  	v28 =	vpop (erf)  }
0x324: {  	v29 =	vpop (erf)  }
0x325: {  	v30 =	vpop (erf)  }
0x326: {  	v16 =	vadd.f32 v48, v16;
	v54 =	vpop (erf)  }
0x327: {  	v6 =	vadd.f32 v23, v6;
	v55 =	vpop (erf)  }
0x328: {  	v10 =	vadd.f32 v50, v10;
	v16 =	vadd.f32 v55, v16;
	_ =	sdelay $0x1  }
0x329: {  	v6 =	vadd.f32 v29, v6;
	v10 =	vadd.f32 v10, v16  }
0x32a: {  	v14 =	vadd.f32 v47, v14  }
0x32b: {  	v7 =	vadd.f32 v49, v7;
	v6 =	vadd.f32 v6, v10  }
0x32c: {  	v56 =	vadd.f32 v46, v15  }
0x32d: {  	v14 =	vadd.f32 v54, v14;
	v6 =	vadd.f32 v7, v6  }
0x32e: {  	v10 =	vadd.f32 v30, v56  }
0x32f: {  	v7 =	vadd.f32 v18, v11;
	v6 =	vadd.f32 v14, v6  }
0x330: {  	v57 =	vadd.f32 v13, v12  }
0x331: {  	v7 =	vadd.f32 v52, v7;
	v6 =	vadd.f32 v10, v6  }
0x332: {  	v9 =	vadd.f32 v19, v9  }
0x333: {  	v58 =	vadd.f32 v51, v57;
	v6 =	vadd.f32 v7, v6;
	_ =	sdelay $0x1  }
0x334: {  	v7 =	vadd.f32 v28, v9;
	v6 =	vadd.f32 v58, v6;
	_ =	sdelay $0x1  }
0x335: {  	v8 =	vadd.f32 v53, v8;
	v6 =	vadd.f32 v7, v6;
	_ =	sdelay $0x1  }
0x336: {  	v6 =	vadd.f32 v8, v6;
	_ =	sdelay $0x1  }
0x337: {  	v7 =	vperm.xlane v6, v0;
	_ =	sdelay $0x1  }
0x338: {  	v6 =	vadd.f32 v7, v6;
	_ =	sdelay $0x1  }
0x339: {  	v7 =	vperm.xlane v6, v1;
	_ =	sdelay $0x1  }
0x33a: {  	v6 =	vadd.f32 v7, v6;
	_ =	sdelay $0x1  }
0x33b: {  	v7 =	vperm.xlane v6, v2;
	_ =	sdelay $0x1  }
0x33c: {  	v6 =	vadd.f32 v7, v6;
	_ =	sdelay $0x1  }
0x33d: {  	v7 =	vperm.xlane v6, v3;
	_ =	sdelay $0x1  }
0x33e: {  	v6 =	vadd.f32 v7, v6;
	_ =	sdelay $0x1  }
0x33f: {  	vm0 =	vge.f32 v6, $2.000000000e+00;
	vm1 =	vge.f32 v6, $4.000000000e+00  }
0x340: {  	v7 =	vsel vm0, $0x3F317218, v4;
	v8 =	vsel vm1, $0x3F317218, v4  }
0x341: {  	vm13 =	vge.f32 v6, $8.000000000e+00;
	v7 =	vadd.f32 v8, v7  }
0x342: {  	v8 =	vsel vm13, $0x3F317218, v4  }
0x343: {  	vm14 =	vge.f32 v6, $1.600000000e+01;
	v7 =	vadd.f32 v7, v8  }
0x344: {  	v8 =	vsel vm14, $0x3F317218, v4  }
0x345: {  	vm15 =	vge.f32 v6, $3.200000000e+01;
	v7 =	vadd.f32 v7, v8  }
0x346: {  	v8 =	vsel vm15, $0x3F317218, v4  }
0x347: {  	vm4 =	vge.f32 v6, $6.400000000e+01;
	v7 =	vadd.f32 v7, v8  }
0x348: {  	v8 =	vsel vm4, $0x3F317218, v4  }
0x349: {  	vm5 =	vge.f32 v6, $1.280000000e+02;
	v7 =	vadd.f32 v7, v8  }
0x34a: {  	v8 =	vsel vm5, $0x3F317218, v4  }
0x34b: {  	vm6 =	vge.f32 v6, $2.560000000e+02;
	v7 =	vadd.f32 v7, v8  }
0x34c: {  	v8 =	vsel vm6, $0x3F317218, v4  }
0x34d: {  	vm7 =	vge.f32 v6, $5.120000000e+02;
	v7 =	vadd.f32 v7, v8  }
0x34e: {  	v8 =	vsel vm7, $0x3F317218, v4  }
0x34f: {  	vm8 =	vge.f32 v6, $1.024000000e+03;
	v7 =	vadd.f32 v7, v8  }
0x350: {  	v8 =	vsel vm8, $0x3F317218, v4  }
0x351: {  	vm9 =	vge.f32 v6, $2.048000000e+03;
	v7 =	vadd.f32 v7, v8  }
0x352: {  	v8 =	vsel vm9, $0x3F317218, v4  }
0x353: {  	vm10 =	vge.f32 v6, $4.096000000e+03;
	v7 =	vadd.f32 v7, v8  }
0x354: {  	v8 =	vsel vm10, $0x3F317218, v4  }
0x355: {  	vm11 =	vge.f32 v6, $8.192000000e+03;
	v7 =	vadd.f32 v7, v8  }
0x356: {  	v8 =	vsel vm11, $0x3F317218, v4  }
0x357: {  	vm12 =	vge.f32 v6, $1.638400000e+04;
	v7 =	vadd.f32 v7, v8  }
0x358: {  	v8 =	vsel vm12, $0x3F317218, v4  }
0x359: {  	vm13 =	vge.f32 v6, $3.276800000e+04;
	v7 =	vadd.f32 v7, v8  }
0x35a: {  	v8 =	vsel vm13, $0x3F317218, v4  }
0x35b: {  	vm14 =	vge.f32 v6, $6.553600000e+04;
	v7 =	vadd.f32 v7, v8  }
0x35c: {  	v8 =	vsel vm14, $0x3F317218, v4  }
0x35d: {  	vm15 =	vge.f32 v6, $1.310720000e+05;
	v7 =	vadd.f32 v7, v8  }
0x35e: {  	v8 =	vsel vm15, $0x3F317218, v4  }
0x35f: {  	v7 =	vadd.f32 v7, v8;
	_ =	sdelay $0x1  }
0x360: {  	v8 =	vsub.f32 $0.0e+00, v7;
	_ =	sdelay $0x1  }
0x361: {  	v8 =	vmul.f32 $1.442695020e+00, v8;
	_ =	sdelay $0x1  }
0x362: {  	(erf) = vpow2.f32 v8;
	_ =	sdelay $0x8  }
0x363: {  	v8 =	vpop (erf)  }
0x364: {  	v7 =	vadd.f32 $-1.000000000e+00, v7;
	v8 =	vmul.f32 v8, v6;
	_ =	sdelay $0x1  }
0x365: {  	v7 =	vadd.f32 v8, v7;
	_ =	sdelay $0x1  }
0x366: {  	v8 =	vsub.f32 $0.0e+00, v7;
	_ =	sdelay $0x1  }
0x367: {  	v8 =	vmul.f32 $1.442695020e+00, v8;
	_ =	sdelay $0x1  }
0x368: {  	(erf) = vpow2.f32 v8;
	_ =	sdelay $0x8  }
0x369: {  	v8 =	vpop (erf)  }
0x36a: {  	v7 =	vadd.f32 $-1.000000000e+00, v7;
	v8 =	vmul.f32 v8, v6;
	_ =	sdelay $0x1  }
0x36b: {  	v7 =	vadd.f32 v8, v7;
	_ =	sdelay $0x1  }
0x36c: {  	v8 =	vsub.f32 $0.0e+00, v7;
	_ =	sdelay $0x1  }
0x36d: {  	v8 =	vmul.f32 $1.442695020e+00, v8;
	_ =	sdelay $0x1  }
0x36e: {  	(erf) = vpow2.f32 v8;
	_ =	sdelay $0x8  }
0x36f: {  	v8 =	vpop (erf)  }
0x370: {  	v7 =	vadd.f32 $-1.000000000e+00, v7;
	v8 =	vmul.f32 v8, v6;
	_ =	sdelay $0x1  }
0x371: {  	v7 =	vadd.f32 v8, v7;
	_ =	sdelay $0x1  }
0x372: {  	v8 =	vsub.f32 $0.0e+00, v7;
	_ =	sdelay $0x1  }
0x373: {  	v8 =	vmul.f32 $1.442695020e+00, v8;
	_ =	sdelay $0x1  }
0x374: {  	(erf) = vpow2.f32 v8;
	_ =	sdelay $0x8  }
0x375: {  	v8 =	vpop (erf)  }
0x376: {  	s16 =	simm.s32 $0x50;
	v7 =	vadd.f32 $-1.000000000e+00, v7;
	v6 =	vmul.f32 v8, v6  }
0x377: {  	v8 =	vld [tilespmem:s16+$0xFFFFFFD0]  }
0x378: {  	v59 =	vld [tilespmem:s16+$0x20];
	v6 =	vadd.f32 v6, v7  }
0x379: {  	v61 =	vld [tilespmem:s16+$0xFFFFFFF0]  }
0x37a: {  	v7 =	vld [tilespmem:s16+$0xFFFFFFB0];
	v5 =	vadd.f32 v6, v5  }
0x37b: {  	v6 =	vld [tilespmem:s16+$0x10]  }
0x37c: {  	v60 =	vld [tilespmem:s16+$0x0];
	v8 =	vsub.f32 v8, v5  }
0x37d: {  	v62 =	vld [tilespmem:s16+$0xFFFFFFC0];
	v9 =	vsub.f32 v59, v5  }
0x37e: {  	v63 =	vsub.f32 v61, v5;
	[tilespmem:s16+$0xFFFFFFD0] =	vst v8;
	v8 =	vld [tilespmem:s16+$0xFFFFFFE0]  }
0x37f: {  	v7 =	vsub.f32 v7, v5;
	[tilespmem:s16+$0x20] =	vst v9  }
0x380: {  	[tilespmem:s16+$0xFFFFFFF0] =	vst v63;
	v6 =	vsub.f32 v6, v5  }
0x381: {  	[tilespmem:s16+$0xFFFFFFB0] =	vst v7;
	v7 =	vsub.f32 v60, v5  }
0x382: {  	[tilespmem:s16+$0x10] =	vst v6;
	v6 =	vsub.f32 v62, v5  }
0x383: {  	[tilespmem:s16+$0x0] =	vst v7;
	v7 =	vsub.f32 v8, v5  }
0x384: {  	s17 =	simm.s32 $0x0;
	[tilespmem:s16+$0xFFFFFFC0] =	vst v6  }
0x385: {  	s17 =	sand.u32 $0x3FFE0, s17;
	[tilespmem:s16+$0xFFFFFFE0] =	vst v7  }
0x386: {  	v6 =	vld [tilespmem:s17+$0x80];
	_ =	sdelay $0x4  }
0x387: {  	v6 =	vsub.f32 v6, v5;
	_ =	sdelay $0x1  }
0x388: {  	[tilespmem:s17+$0x80] =	vst v6  }
0x389: {  	s18 =	simm.s32 $0xF0;
	s17 =	simm.s32 $0xA0;
	v6 =	vld [tilespmem:s16+$0x40]  }
.LBB2_24:
0x38a: {  	v7 =	vld [tilespmem:s18+$0xFFFFFFD0];
	p0 =	sne.s32 s17, $0x18600;
	s19 =	smov.u32 s17;
	s17 =	sadd.s32 $0xA0, s17  }
0x38b: {  	v8 =	vld [tilespmem:s18+$0xFFFFFFB0]  }
0x38c: {  	v9 =	vld [tilespmem:s18+$0x20]  }
0x38d: {  	v10 =	vld [tilespmem:s18+$0x10]  }
0x38e: {  	v11 =	vld [tilespmem:s18+$0x0];
	v6 =	vsub.f32 v6, v5  }
0x38f: {  	v7 =	vsub.f32 v7, v5;
	v12 =	vld [tilespmem:s18+$0xFFFFFFF0]  }
0x390: {  	v8 =	vsub.f32 v8, v5;
	v13 =	vld [tilespmem:s18+$0xFFFFFFC0];
	[tilespmem:s16+$0x40] =	vst v6;
	s16 =	smov.u32 s18  }
0x391: {  	[tilespmem:s18+$0xFFFFFFD0] =	vst v7;
	v6 =	vld [tilespmem:s18+$0xFFFFFFE0];
	v7 =	vsub.f32 v9, v5  }
0x392: {  	[tilespmem:s18+$0xFFFFFFB0] =	vst v8;
	v8 =	vsub.f32 v10, v5  }
0x393: {  	v9 =	vsub.f32 v11, v5;
	[tilespmem:s18+$0x20] =	vst v7  }
0x394: {  	v7 =	vsub.f32 v12, v5;
	[tilespmem:s18+$0x10] =	vst v8  }
0x395: {  	v8 =	vsub.f32 v13, v5;
	[tilespmem:s18+$0x0] =	vst v9  }
0x396: {  	v6 =	vsub.f32 v6, v5;
	[tilespmem:s18+$0xFFFFFFF0] =	vst v7  }
0x397: {  	[tilespmem:s18+$0xFFFFFFC0] =	vst v8  }
0x398: {  	s19 =	sand.u32 $0x3FFE0, s19;
	[tilespmem:s18+$0xFFFFFFE0] =	vst v6  }
0x399: {  	v6 =	vld [tilespmem:s19+$0x80];
	_ =	sdelay $0x3  }
.Ltmp11:
0x39a: {  	(pc) =	sbr.rel @p0 .LBB2_24-.Ltmp11, $3  }
0x39b: {  	v6 =	vsub.f32 v6, v5;
	_ =	sdelay $0x1  }
0x39c: {  	[tilespmem:s19+$0x80] =	vst v6  }
0x39d: {  	s18 =	sadd.s32 $0xA0, s18;
	v6 =	vld [tilespmem:s16+$0x40]  }
0x39e: {  	_ =	sdelay $0x3  }
0x39f: {  	s15 =	sadd.s32 $0x1, s15;
	v5 =	vsub.f32 v6, v5  }
0x3a0: {  	p0 =	sne.s32 s15, s11  }
.Ltmp12:
0x3a1: {  	[tilespmem:s16+$0x40] =	vst v5;
	(pc) =	sbr.rel @p0 .LBB2_1-.Ltmp12, $4  }
0x3a2: {  	[hbm4b:s10+s12] =	stream.strided.scatter [tilespmem:s2], [sflag:$0x1], $0x18700, s13, s12, $0x38;
	[tilespmem:$0x18700] =	vst v63  }
0x3a3: {  	_ =	swait.ge [sflag:s14], $0x18700  }
0x3a4: {  	[sflag:s14] =	ssyncset.done $0x0  }
0x3a5: {  	[sflag:s14] =	ssyncadd.s32 $0xFFFE7900  }
0x3a6: {  	_ =	sfence.sel $0x180000  }
0x3a7: {  	[bflag:$0x0] =	sbarrier.arrive $0xFFFF  }
0x3a8: {  	p0 =	sne.s32 s1, $0x0;
	_ =	strace $0x90000047  }
0x3a9: {  	s0 =	sadd.s32 @!p0 $0x100000, s0;
	[bflag:$0x2] =	sbarrier.arrive $0xFFFF  }
0x3aa: {  	[sflag:s0] =	ssyncadd.tile.s32 @!p0 $0x1;
	_ =	shalt  }
.Lfunc_end2:
_tile_overlayer_lowered:
.L_overlay_start_2:
0x3ab: {  	(tag) =	ssettag $0x2  }
0x3ac: {  	s0 =	rddreg [dreg:$0x0];
	s2 =	stileid.u32  }
0x3ad: {  	s1 =	rddreg [dreg:$0x1];
	p0 =	sne.s32 s2, $0x0  }
0x3ae: {  	s3 =	rddreg [dreg:$0x2];
	[bflag:$0x3] =	sbarrier.arrive $0xFFFF;
	s2 =	simm.s32 @!p0 $0x1C01  }
0x3af: {  	[timem:s3], [sflag:s2] =	dma.local @!p0 [hbm:s0], s1  }
0x3b0: {  	s0 =	simm.s32 @!p0 $0x1  }
0x3b1: {  	_ =	swait.ge @!p0 [sflag:s0], s1  }
0x3b2: {  	s1 =	ssub.s32 @!p0 $0x0, s1;
	[sflag:s0] =	ssyncset.done @!p0 $0x0  }
0x3b3: {  	[sflag:s0] =	ssyncadd.s32 @!p0 s1  }
0x3b4: {  	[bflag:$0x3] =	sbarrier.arrive $0xFFFF  }
0x3b5: {  	_ =	shalt  }

</sc_bundles>
